<compile_context>
chip_gen: v7x
topology: tpu7x:2x2x1
jax: 0.10.2.dev20260603
libtpu: 0.0.44.dev20260713+nightly
codegen_flags: <defaults>
</compile_context>

<pallas_src>
import functools

import jax
import jax.numpy as jnp
from jax.experimental import pallas as pl
from jax.experimental.pallas import tpu as pltpu
from jax.experimental.pallas import tpu_sc as plsc

_STRIDE = 4
_K = 16
_CPAD = 128
_TS = 128
_EPS = 1e-5


def _fps_body(xs_ref, ys_ref, zs_ref, nx_ref, ny_ref, nz_ref, *, n, s):
    b, rows, _ = xs_ref.shape
    srows = nx_ref.shape[1]
    flat = (jax.lax.broadcasted_iota(jnp.int32, (rows, 128), 0) * 128
            + jax.lax.broadcasted_iota(jnp.int32, (rows, 128), 1))[None]
    pos = (jax.lax.broadcasted_iota(jnp.int32, (srows, 128), 0) * 128
           + jax.lax.broadcasted_iota(jnp.int32, (srows, 128), 1))[None]
    xs = xs_ref[...]
    ys = ys_ref[...]
    zs = zs_ref[...]

    def body(i, st):
        dists, far, bx, by, bz = st
        fm = flat == far
        cx = jnp.sum(jnp.where(fm, xs, 0.0), axis=(1, 2), keepdims=True)
        cy = jnp.sum(jnp.where(fm, ys, 0.0), axis=(1, 2), keepdims=True)
        cz = jnp.sum(jnp.where(fm, zs, 0.0), axis=(1, 2), keepdims=True)
        sm = pos == i
        bx = jnp.where(sm, cx, bx)
        by = jnp.where(sm, cy, by)
        bz = jnp.where(sm, cz, bz)
        d = (xs - cx) ** 2 + (ys - cy) ** 2 + (zs - cz) ** 2
        dists = jnp.minimum(dists, d)
        m = jnp.max(dists, axis=(1, 2), keepdims=True)
        far = jnp.min(jnp.where(dists == m, flat, n), axis=(1, 2), keepdims=True)
        return dists, far, bx, by, bz

    dists0 = jnp.full((b, rows, 128), 1e10, jnp.float32)
    far0 = jnp.zeros((b, 1, 1), jnp.int32)
    z = jnp.zeros((b, srows, 128), jnp.float32)
    _, _, bx, by, bz = jax.lax.fori_loop(0, s, body, (dists0, far0, z, z, z))
    nx_ref[...] = bx
    ny_ref[...] = by
    nz_ref[...] = bz


def _fps(xs, ys, zs, n, s):
    b = xs.shape[0]
    srows = s // 128
    out_sd = jax.ShapeDtypeStruct((b, srows, 128), jnp.float32)
    return pl.pallas_call(
        functools.partial(_fps_body, n=n, s=s),
        out_shape=[out_sd, out_sd, out_sd],
    )(xs, ys, zs)


def _lin_body(xf_ref, wt_ref, g_ref):
    g_ref[0] = jnp.dot(xf_ref[0], wt_ref[...],
                       preferred_element_type=jnp.float32)


def _lin(xf_pad, wt_pad):
    b, n, _ = xf_pad.shape
    return pl.pallas_call(
        _lin_body,
        grid=(b,),
        in_specs=[
            pl.BlockSpec((1, n, _CPAD), lambda i: (i, 0, 0)),
            pl.BlockSpec((_CPAD, _CPAD), lambda i: (0, 0)),
        ],
        out_specs=pl.BlockSpec((1, n, _CPAD), lambda i: (i, 0, 0)),
        out_shape=jax.ShapeDtypeStruct((b, n, _CPAD), jnp.float32),
    )(xf_pad, wt_pad)


def _knn_body(nx_ref, ny_ref, nz_ref, xs_ref, ys_ref, zs_ref, idx_ref,
              *, n, k, ts):
    b = pl.program_id(0)
    qx = nx_ref[0]
    qy = ny_ref[0]
    qz = nz_ref[0]
    xs = xs_ref[0]
    ys = ys_ref[0]
    zs = zs_ref[0]
    ii = jax.lax.broadcasted_iota(jnp.int32, (ts, n), 1)
    kk = jax.lax.broadcasted_iota(jnp.int32, (ts, k), 1)
    d0 = (qx - xs) ** 2 + (qy - ys) ** 2 + (qz - zs) ** 2

    def body(j, st_c):
        d, prev, acc = st_c
        dm = jnp.where(ii == prev, jnp.inf, d)
        idxv = jnp.argmin(dm, axis=1, keepdims=True).astype(jnp.int32)
        acc = jnp.where(kk == j, idxv, acc)
        return dm, idxv, acc

    acc0 = jnp.zeros((ts, k), jnp.int32)
    prev0 = jnp.full((ts, 1), -1, jnp.int32)
    _, _, acc = jax.lax.fori_loop(0, k, body, (d0, prev0, acc0))
    idx_ref[0] = acc + b * n


def _knn(nx3, ny3, nz3, xs3, ys3, zs3, n, s, k):
    b = nx3.shape[0]
    ts = _TS
    grid = (b, s // ts)
    q_spec = pl.BlockSpec((1, ts, 1), lambda i, j: (i, j, 0))
    p_spec = pl.BlockSpec((1, 1, n), lambda i, j: (i, 0, 0))
    o_spec = pl.BlockSpec((1, ts, k), lambda i, j: (i, j, 0))
    return pl.pallas_call(
        functools.partial(_knn_body, n=n, k=k, ts=ts),
        grid=grid,
        in_specs=[q_spec, q_spec, q_spec, p_spec, p_spec, p_spec],
        out_specs=o_spec,
        out_shape=jax.ShapeDtypeStruct((b, s, k), jnp.int32),
    )(nx3, ny3, nz3, xs3, ys3, zs3)


def _sc_gather_build(bs, k):
    info = plsc.get_sparse_core_info()
    nc, ns = info.num_cores, info.num_subcores
    nw = nc * ns
    qpw = bs // nw
    chunk = 8
    nchunks = qpw // chunk
    mesh = plsc.VectorSubcoreMesh(core_axis_name="c", subcore_axis_name="s")
    out_sd = jax.ShapeDtypeStruct((bs, _CPAD), jnp.float32)

    @functools.partial(
        pl.kernel, mesh=mesh,
        out_type=[out_sd, out_sd, out_sd, out_sd],
        scratch_types=[
            pltpu.VMEM((qpw * k,), jnp.int32),
            pltpu.VMEM((chunk * k, _CPAD), jnp.float32),
            pltpu.VMEM((chunk, _CPAD), jnp.float32),
            pltpu.VMEM((chunk, _CPAD), jnp.float32),
            pltpu.VMEM((chunk, _CPAD), jnp.float32),
            pltpu.VMEM((chunk, _CPAD), jnp.float32),
            pltpu.SemaphoreType.DMA,
        ],
    )
    def sck(g_hbm, idx_hbm, mx_hbm, mn_hbm, sm_hbm, sq_hbm,
            idx_v, rows_v, omx, omn, osm, osq, sem):
        wid = jax.lax.axis_index("s") * nc + jax.lax.axis_index("c")
        baseq = wid * qpw
        pltpu.sync_copy(idx_hbm.at[pl.ds(baseq * k, qpw * k)], idx_v)

        def chunk_body(ch, carry):
            pltpu.async_copy(
                g_hbm.at[idx_v.at[pl.ds(ch * (chunk * k), chunk * k)]],
                rows_v, sem).wait()

            def q_body(q, c2):
                rbase = q * k
                for c in range(_CPAD // 16):
                    sl = pl.ds(c * 16, 16)
                    v = rows_v[rbase, sl]
                    mx = v
                    mn = v
                    sm = v
                    sq = v * v
                    for r in range(1, k):
                        v = rows_v[rbase + r, sl]
                        mx = jnp.maximum(mx, v)
                        mn = jnp.minimum(mn, v)
                        sm = sm + v
                        sq = sq + v * v
                    omx[q, sl] = mx
                    omn[q, sl] = mn
                    osm[q, sl] = sm
                    osq[q, sl] = sq
                return c2

            jax.lax.fori_loop(0, chunk, q_body, 0)
            row0 = baseq + ch * chunk
            pltpu.sync_copy(omx, mx_hbm.at[pl.ds(row0, chunk)])
            pltpu.sync_copy(omn, mn_hbm.at[pl.ds(row0, chunk)])
            pltpu.sync_copy(osm, sm_hbm.at[pl.ds(row0, chunk)])
            pltpu.sync_copy(osq, sq_hbm.at[pl.ds(row0, chunk)])
            return carry

        jax.lax.fori_loop(0, nchunks, chunk_body, 0)

    return sck


def _stats_body(sm_ref, sq_ref, nx_ref, ny_ref, nz_ref, wt_ref, st_ref, *, k):
    b = pl.program_id(0)
    qw = (nx_ref[0] * wt_ref[0:1, :] + ny_ref[0] * wt_ref[1:2, :]
          + nz_ref[0] * wt_ref[2:3, :])
    sm = sm_ref[0]
    sq = sq_ref[0]
    lin_sum = sm - k * qw
    lin_sq = sq - 2.0 * qw * sm + k * (qw * qw)

    @pl.when(b == 0)
    def _():
        st_ref[...] = jnp.zeros((8, _CPAD), jnp.float32)

    st_ref[0:1, :] += jnp.sum(lin_sum, axis=0, keepdims=True)
    st_ref[1:2, :] += jnp.sum(lin_sq, axis=0, keepdims=True)


def _stats(smg, sqg, nx3, ny3, nz3, wt_pad, k):
    b, s, _ = smg.shape
    m_spec = pl.BlockSpec((1, s, _CPAD), lambda i: (i, 0, 0))
    q_spec = pl.BlockSpec((1, s, 1), lambda i: (i, 0, 0))
    w_spec = pl.BlockSpec((_CPAD, _CPAD), lambda i: (0, 0))
    s_spec = pl.BlockSpec((8, _CPAD), lambda i: (0, 0))
    return pl.pallas_call(
        functools.partial(_stats_body, k=float(k)),
        grid=(b,),
        in_specs=[m_spec, m_spec, q_spec, q_spec, q_spec, w_spec],
        out_specs=s_spec,
        out_shape=jax.ShapeDtypeStruct((8, _CPAD), jnp.float32),
    )(smg, sqg, nx3, ny3, nz3, wt_pad)


def _apply_body(mx_ref, mn_ref, nx_ref, ny_ref, nz_ref, wt_ref, st_ref,
                gb_ref, out_ref, *, cnt):
    qw = (nx_ref[0] * wt_ref[0:1, :] + ny_ref[0] * wt_ref[1:2, :]
          + nz_ref[0] * wt_ref[2:3, :])
    mean = st_ref[0:1, :] / cnt
    ex2 = st_ref[1:2, :] / cnt
    var = ex2 - mean * mean
    gamma = gb_ref[0:1, :]
    beta = gb_ref[1:2, :]
    inv = jax.lax.rsqrt(var + _EPS)
    scale = gamma * inv
    shift = beta - mean * scale
    ext = jnp.where(gamma >= 0.0, mx_ref[0], mn_ref[0]) - qw
    out_ref[0] = jnp.maximum(ext * scale + shift, 0.0)


def _apply(mxg, mng, nx3, ny3, nz3, wt_pad, stats, gb, cnt):
    b, s, _ = mxg.shape
    m_spec = pl.BlockSpec((1, s, _CPAD), lambda i: (i, 0, 0))
    q_spec = pl.BlockSpec((1, s, 1), lambda i: (i, 0, 0))
    w_spec = pl.BlockSpec((_CPAD, _CPAD), lambda i: (0, 0))
    s_spec = pl.BlockSpec((8, _CPAD), lambda i: (0, 0))
    return pl.pallas_call(
        functools.partial(_apply_body, cnt=cnt),
        grid=(b,),
        in_specs=[m_spec, m_spec, q_spec, q_spec, q_spec, w_spec,
                  s_spec, s_spec],
        out_specs=m_spec,
        out_shape=jax.ShapeDtypeStruct((b, s, _CPAD), jnp.float32),
    )(mxg, mng, nx3, ny3, nz3, wt_pad, stats, gb)


def kernel(xyz, features, temb, W, gamma, beta):
    b, n, _ = xyz.shape
    cin = features.shape[-1]
    cout = W.shape[0]
    s = n // _STRIDE
    rows = n // 128

    xs = xyz[:, :, 0].reshape(b, rows, 128)
    ys = xyz[:, :, 1].reshape(b, rows, 128)
    zs = xyz[:, :, 2].reshape(b, rows, 128)
    nx, ny, nz = _fps(xs, ys, zs, n, s)
    new_xyz = jnp.stack(
        [nx.reshape(b, s), ny.reshape(b, s), nz.reshape(b, s)], axis=-1)

    pad = jnp.zeros((b, n, _CPAD - 3 - cin), jnp.float32)
    xf = jnp.concatenate([xyz, features, pad], axis=-1)
    wt_pad = jnp.concatenate(
        [W.T, jnp.zeros((_CPAD - 3 - cin, cout), jnp.float32)], axis=0)
    wt_pad = jnp.concatenate(
        [wt_pad, jnp.zeros((_CPAD, _CPAD - cout), jnp.float32)], axis=1)
    g = _lin(xf, wt_pad)

    nx3 = nx.reshape(b, s, 1)
    ny3 = ny.reshape(b, s, 1)
    nz3 = nz.reshape(b, s, 1)
    xs3 = xyz[:, :, 0].reshape(b, 1, n)
    ys3 = xyz[:, :, 1].reshape(b, 1, n)
    zs3 = xyz[:, :, 2].reshape(b, 1, n)
    knn_idx = _knn(nx3, ny3, nz3, xs3, ys3, zs3, n, s, _K)

    sck = _sc_gather_build(b * s, _K)
    mxg, mng, smg, sqg = sck(g.reshape(b * n, _CPAD),
                             knn_idx.reshape(b * s * _K))
    mxg = mxg.reshape(b, s, _CPAD)
    mng = mng.reshape(b, s, _CPAD)
    smg = smg.reshape(b, s, _CPAD)
    sqg = sqg.reshape(b, s, _CPAD)

    stats = _stats(smg, sqg, nx3, ny3, nz3, wt_pad, _K)
    gb = jnp.concatenate(
        [gamma.reshape(1, -1), beta.reshape(1, -1),
         jnp.zeros((6, cout), jnp.float32)], axis=0)
    gb = jnp.concatenate(
        [gb, jnp.zeros((8, _CPAD - cout), jnp.float32)], axis=1)
    cnt = float(b * s * _K)
    feats_out = _apply(mxg, mng, nx3, ny3, nz3, wt_pad, stats, gb,
                       cnt)[:, :, :cout]

    return new_xyz, feats_out, temb[:, :s, :]

# --- scband reference (transcript-rebuilt; emitter-appended) ---
"""Pipeline reference for scband-transition-down-29480655520249 (READ-ONLY COPY).

The authoritative reference and input builder live on the scoring server;
editing this copy changes nothing except your own understanding.
"""

import jax, jax.numpy as jnp
import numpy as np

B, N, K_NN, STRIDE = 4, 8192, 16, 4
IN_PLANES, OUT_PLANES, D_TEMB = 64, 128, 128
EPS = 1e-5


def setup_inputs(seed: int = 0) -> dict:
    key = jax.random.key(seed)
    k1, k2, k3, k4 = jax.random.split(key, 4)
    xyz = jax.random.normal(k1, (B, N, 3), dtype=jnp.float32)
    features = jax.random.normal(k2, (B, N, IN_PLANES), dtype=jnp.float32)
    temb = jax.random.normal(k3, (B, N, D_TEMB), dtype=jnp.float32)
    W = jax.random.normal(k4, (OUT_PLANES, 3 + IN_PLANES), dtype=jnp.float32) * (1.0 / np.sqrt(3 + IN_PLANES))
    gamma = jnp.ones((OUT_PLANES,), dtype=jnp.float32)
    beta = jnp.zeros((OUT_PLANES,), dtype=jnp.float32)
    return {"xyz": xyz, "features": features, "temb": temb, "W": W, "gamma": gamma, "beta": beta}


def _furthest_point_sampling(xyz, npoint):
    # xyz: [B, N, 3] -> idx: [B, npoint] int32
    b, n, _ = xyz.shape

    def body(i, state):
        dists, idxs, farthest = state
        idxs = idxs.at[:, i].set(farthest)
        centroid = jnp.take_along_axis(xyz, farthest[:, None, None].astype(jnp.int32), axis=1)  # [B,1,3]
        d = jnp.sum((xyz - centroid) ** 2, axis=-1)  # [B,N]
        dists = jnp.minimum(dists, d)
        farthest = jnp.argmax(dists, axis=-1).astype(jnp.int32)
        return (dists, idxs, farthest)

    dists0 = jnp.full((b, n), 1e10, dtype=jnp.float32)
    idxs0 = jnp.zeros((b, npoint), dtype=jnp.int32)
    far0 = jnp.zeros((b,), dtype=jnp.int32)
    _, idxs, _ = jax.lax.fori_loop(0, npoint, body, (dists0, idxs0, far0))
    return idxs


def _knn_query(k, xyz, new_xyz):
    # squared distance [B, S, N]; take k smallest
    d = jnp.sum((new_xyz[:, :, None, :] - xyz[:, None, :, :]) ** 2, axis=-1)
    _, idx = jax.lax.top_k(-d, k)  # [B, S, k]
    return idx.astype(jnp.int32)


def _index_points(points, idx):
    # points: [B, N, C], idx: [B, S] or [B, S, K] -> [B, S, (K,), C]
    raw = idx.shape
    flat = idx.reshape(raw[0], -1).astype(jnp.int32)
    res = jnp.take_along_axis(points, flat[..., None], axis=1)
    return res.reshape(*raw, points.shape[-1])


def _batchnorm_channels_last(x, gamma, beta):
    # training-mode BN over all dims except last (channel)
    axes = tuple(range(x.ndim - 1))
    mean = jnp.mean(x, axis=axes, keepdims=True)
    var = jnp.var(x, axis=axes, keepdims=True)
    xhat = (x - mean) / jnp.sqrt(var + EPS)
    return xhat * gamma + beta


def reference(xyz, features, temb, W, gamma, beta):
    npoint = N // STRIDE
    fps_idx = _furthest_point_sampling(xyz, npoint)                # [B, S]
    new_xyz = _index_points(xyz, fps_idx)                          # [B, S, 3]
    knn_idx = _knn_query(K_NN, xyz, new_xyz)                       # [B, S, K]
    grouped_xyz = _index_points(xyz, knn_idx)                      # [B, S, K, 3]
    grouped_xyz_norm = grouped_xyz - new_xyz[:, :, None, :]
    grouped_feats = jnp.concatenate([grouped_xyz_norm, _index_points(features, knn_idx)], axis=-1)  # [B,S,K,3+C]
    lin = jnp.einsum('bskc,oc->bsko', grouped_feats, W)            # [B,S,K,out]
    bn = _batchnorm_channels_last(lin, gamma, beta)
    act = jnp.maximum(bn, 0.0)
    new_features = jnp.max(act, axis=2)                            # [B,S,out]
    return (new_xyz, new_features, temb[:, :new_features.shape[1], :])

if __name__ == "__main__":
    import jax
    _d = setup_inputs()
    print(jax.jit(kernel)(*tuple(_d.values())))

</pallas_src>

<mosaic_0001>
#map = affine_map<(d0, d1) -> (0, 0)>
#map1 = affine_map<(d0, d1) -> (0)>
module attributes {stable_mosaic.version = 14 : i64} {
  func.func @sck(%arg0: i32, %arg1: i32, %arg2: memref<32768x128xf32, #tpu.memory_space<hbm>>, %arg3: memref<131072xi32, #tpu.memory_space<hbm>>, %arg4: memref<8192x128xf32, #tpu.memory_space<hbm>>, %arg5: memref<8192x128xf32, #tpu.memory_space<hbm>>, %arg6: memref<8192x128xf32, #tpu.memory_space<hbm>>, %arg7: memref<8192x128xf32, #tpu.memory_space<hbm>>, %arg8: memref<4096xi32, #tpu.memory_space<vmem>>, %arg9: memref<128x128xf32, #tpu.memory_space<vmem>>, %arg10: memref<8x128xf32, #tpu.memory_space<vmem>>, %arg11: memref<8x128xf32, #tpu.memory_space<vmem>>, %arg12: memref<8x128xf32, #tpu.memory_space<vmem>>, %arg13: memref<8x128xf32, #tpu.memory_space<vmem>>, %arg14: memref<!tpu.dma_semaphore, #tpu.memory_space<semaphore_mem>>) attributes {dimension_semantics = [#tpu.dimension_semantics<core_parallel>, #tpu.dimension_semantics<subcore_parallel>], iteration_bounds = array<i64: 2, 16>, scalar_prefetch = 0 : i64, scratch_operands = 7 : i64, tpu.core_type = #tpu.core_type<sc_vector_subcore>, window_params = [{transform_indices = #map}, {transform_indices = #map1}, {transform_indices = #map}, {transform_indices = #map}, {transform_indices = #map}, {transform_indices = #map}]} {
    %mul3A = arith.constant 2 : i32
    %mul3A_0 = arith.muli %arg1, %mul3A : i32
    %add3A = arith.addi %mul3A_0, %arg0 : i32
    %mul3A_1 = arith.constant 256 : i32
    %mul3A_2 = arith.muli %add3A, %mul3A_1 : i32
    %mul3A_3 = arith.constant 16 : i32
    %mul3A_4 = arith.muli %mul3A_2, %mul3A_3 : i32
    "tpu.region"() ({
      %run_scoped3A = tpu.sem_alloc : memref<!tpu.dma_semaphore, #tpu.memory_space<semaphore_mem>>
      %dma_start3A = tpu.memref_slice %arg3[%mul3A_4] : memref<131072xi32, #tpu.memory_space<hbm>> -> memref<4096xi32, #tpu.memory_space<hbm>>
      %dma_start3A_10 = tpu.memref_slice %arg3[%mul3A_4] : memref<131072xi32, #tpu.memory_space<hbm>> -> memref<4096xi32, #tpu.memory_space<hbm>>
      tpu.enqueue_dma source(%dma_start3A_10 : memref<4096xi32, #tpu.memory_space<hbm>>) target(%arg8 : memref<4096xi32, #tpu.memory_space<vmem>>) target_semaphore(%run_scoped3A : memref<!tpu.dma_semaphore, #tpu.memory_space<semaphore_mem>>)
      %dma_wait3A = tpu.memref_slice %arg3[%mul3A_4] : memref<131072xi32, #tpu.memory_space<hbm>> -> memref<4096xi32, #tpu.memory_space<hbm>>
      %dma_wait3A_11 = tpu.memref_slice %arg3[%mul3A_4] : memref<131072xi32, #tpu.memory_space<hbm>> -> memref<4096xi32, #tpu.memory_space<hbm>>
      tpu.wait_dma2 semaphore(%run_scoped3A : memref<!tpu.dma_semaphore, #tpu.memory_space<semaphore_mem>>) src(%dma_wait3A_11 : memref<4096xi32, #tpu.memory_space<hbm>>) dst(%arg8 : memref<4096xi32, #tpu.memory_space<vmem>>)
      tpu.yield
    }) : () -> ()
    %scan3A = arith.constant 0 : i32
    %scan3A_5 = arith.constant 0 : i32
    %scan3A_6 = arith.constant 32 : i32
    %scan3A_7 = arith.addi %scan3A_5, %scan3A_6 : i32
    %scan3A_8 = arith.constant 1 : i32
    scf.for %scan3A_10 = %scan3A_5 to %scan3A_7 step %scan3A_8  : i32 {
      %mul3A_11 = arith.constant 128 : i32
      %mul3A_12 = arith.muli %scan3A_10, %mul3A_11 : i32
      %dma_start3A = tpu.memref_slice %arg8[%mul3A_12] : memref<4096xi32, #tpu.memory_space<vmem>> -> memref<128xi32, #tpu.memory_space<vmem>>
      %dma_start3A_13 = arith.constant 0 : i32
      %dma_start3A_14 = arith.constant 0 : i32
      %dma_start3A_15 = tpu.memref_slice %arg2[%dma_start3A_13, %dma_start3A_14] : memref<32768x128xf32, #tpu.memory_space<hbm>> -> memref<32768x128xf32, #tpu.memory_space<hbm>>
      tpu.enqueue_indirect_dma source(%dma_start3A_15 : memref<32768x128xf32, #tpu.memory_space<hbm>>) target(%arg9 : memref<128x128xf32, #tpu.memory_space<vmem>>) offsets(%dma_start3A : memref<128xi32, #tpu.memory_space<vmem>>) semaphore(%arg14 : memref<!tpu.dma_semaphore, #tpu.memory_space<semaphore_mem>>)
      %dma_wait3A = tpu.memref_slice %arg8[%mul3A_12] : memref<4096xi32, #tpu.memory_space<vmem>> -> memref<128xi32, #tpu.memory_space<vmem>>
      %dma_wait3A_16 = arith.constant 0 : i32
      %dma_wait3A_17 = arith.constant 0 : i32
      %dma_wait3A_18 = tpu.memref_slice %arg2[%dma_wait3A_16, %dma_wait3A_17] : memref<32768x128xf32, #tpu.memory_space<hbm>> -> memref<32768x128xf32, #tpu.memory_space<hbm>>
      tpu.wait_indirect_dma semaphore(%arg14 : memref<!tpu.dma_semaphore, #tpu.memory_space<semaphore_mem>>) src(%dma_wait3A_18 : memref<32768x128xf32, #tpu.memory_space<hbm>>) dst(%arg9 : memref<128x128xf32, #tpu.memory_space<vmem>>)
      %scan3A_19 = arith.constant 0 : i32
      %scan3A_20 = arith.constant 0 : i32
      %scan3A_21 = arith.constant 8 : i32
      %scan3A_22 = arith.addi %scan3A_20, %scan3A_21 : i32
      %scan3A_23 = arith.constant 1 : i32
      scf.for %scan3A_28 = %scan3A_20 to %scan3A_22 step %scan3A_23  : i32 {
        %mul3A_29 = arith.constant 16 : i32
        %mul3A_30 = arith.muli %scan3A_28, %mul3A_29 : i32
        %get3A = arith.index_cast %mul3A_30 : i32 to index
        %get3A_31 = arith.constant 0 : index
        %get3A_32 = tpu.vector_load %arg9[%get3A, %get3A_31] {strides = array<i32>} : memref<128x128xf32, #tpu.memory_space<vmem>>, vector<1x16xf32>,
        %get3A_33 = vector.shape_cast %get3A_32 : vector<1x16xf32> to vector<16xf32>
        %mul3A_34 = arith.mulf %get3A_33, %get3A_33 : vector<16xf32>
        %add3A_35 = arith.constant 1 : i32
        %add3A_36 = arith.addi %mul3A_30, %add3A_35 : i32
        %get3A_37 = arith.index_cast %add3A_36 : i32 to index
        %get3A_38 = arith.constant 0 : index
        %get3A_39 = tpu.vector_load %arg9[%get3A_37, %get3A_38] {strides = array<i32>} : memref<128x128xf32, #tpu.memory_space<vmem>>, vector<1x16xf32>,
        %get3A_40 = vector.shape_cast %get3A_39 : vector<1x16xf32> to vector<16xf32>
        %max3A = arith.maximumf %get3A_33, %get3A_40 : vector<16xf32>
        %min3A = arith.minimumf %get3A_33, %get3A_40 : vector<16xf32>
        %add3A_41 = arith.addf %get3A_33, %get3A_40 : vector<16xf32>
        %mul3A_42 = arith.mulf %get3A_40, %get3A_40 : vector<16xf32>
        %add3A_43 = arith.addf %mul3A_34, %mul3A_42 : vector<16xf32>
        %add3A_44 = arith.constant 2 : i32
        %add3A_45 = arith.addi %mul3A_30, %add3A_44 : i32
        %get3A_46 = arith.index_cast %add3A_45 : i32 to index
        %get3A_47 = arith.constant 0 : index
        %get3A_48 = tpu.vector_load %arg9[%get3A_46, %get3A_47] {strides = array<i32>} : memref<128x128xf32, #tpu.memory_space<vmem>>, vector<1x16xf32>,
        %get3A_49 = vector.shape_cast %get3A_48 : vector<1x16xf32> to vector<16xf32>
        %max3A_50 = arith.maximumf %max3A, %get3A_49 : vector<16xf32>
        %min3A_51 = arith.minimumf %min3A, %get3A_49 : vector<16xf32>
        %add3A_52 = arith.addf %add3A_41, %get3A_49 : vector<16xf32>
        %mul3A_53 = arith.mulf %get3A_49, %get3A_49 : vector<16xf32>
        %add3A_54 = arith.addf %add3A_43, %mul3A_53 : vector<16xf32>
        %add3A_55 = arith.constant 3 : i32
        %add3A_56 = arith.addi %mul3A_30, %add3A_55 : i32
        %get3A_57 = arith.index_cast %add3A_56 : i32 to index
        %get3A_58 = arith.constant 0 : index
        %get3A_59 = tpu.vector_load %arg9[%get3A_57, %get3A_58] {strides = array<i32>} : memref<128x128xf32, #tpu.memory_space<vmem>>, vector<1x16xf32>,
        %get3A_60 = vector.shape_cast %get3A_59 : vector<1x16xf32> to vector<16xf32>
        %max3A_61 = arith.maximumf %max3A_50, %get3A_60 : vector<16xf32>
        %min3A_62 = arith.minimumf %min3A_51, %get3A_60 : vector<16xf32>
        %add3A_63 = arith.addf %add3A_52, %get3A_60 : vector<16xf32>
        %mul3A_64 = arith.mulf %get3A_60, %get3A_60 : vector<16xf32>
        %add3A_65 = arith.addf %add3A_54, %mul3A_64 : vector<16xf32>
        %add3A_66 = arith.constant 4 : i32
        %add3A_67 = arith.addi %mul3A_30, %add3A_66 : i32
        %get3A_68 = arith.index_cast %add3A_67 : i32 to index
        %get3A_69 = arith.constant 0 : index
        %get3A_70 = tpu.vector_load %arg9[%get3A_68, %get3A_69] {strides = array<i32>} : memref<128x128xf32, #tpu.memory_space<vmem>>, vector<1x16xf32>,
        %get3A_71 = vector.shape_cast %get3A_70 : vector<1x16xf32> to vector<16xf32>
        %max3A_72 = arith.maximumf %max3A_61, %get3A_71 : vector<16xf32>
        %min3A_73 = arith.minimumf %min3A_62, %get3A_71 : vector<16xf32>
        %add3A_74 = arith.addf %add3A_63, %get3A_71 : vector<16xf32>
        %mul3A_75 = arith.mulf %get3A_71, %get3A_71 : vector<16xf32>
        %add3A_76 = arith.addf %add3A_65, %mul3A_75 : vector<16xf32>
        %add3A_77 = arith.constant 5 : i32
        %add3A_78 = arith.addi %mul3A_30, %add3A_77 : i32
        %get3A_79 = arith.index_cast %add3A_78 : i32 to index
        %get3A_80 = arith.constant 0 : index
        %get3A_81 = tpu.vector_load %arg9[%get3A_79, %get3A_80] {strides = array<i32>} : memref<128x128xf32, #tpu.memory_space<vmem>>, vector<1x16xf32>,
        %get3A_82 = vector.shape_cast %get3A_81 : vector<1x16xf32> to vector<16xf32>
        %max3A_83 = arith.maximumf %max3A_72, %get3A_82 : vector<16xf32>
        %min3A_84 = arith.minimumf %min3A_73, %get3A_82 : vector<16xf32>
        %add3A_85 = arith.addf %add3A_74, %get3A_82 : vector<16xf32>
        %mul3A_86 = arith.mulf %get3A_82, %get3A_82 : vector<16xf32>
        %add3A_87 = arith.addf %add3A_76, %mul3A_86 : vector<16xf32>
        %add3A_88 = arith.constant 6 : i32
        %add3A_89 = arith.addi %mul3A_30, %add3A_88 : i32
        %get3A_90 = arith.index_cast %add3A_89 : i32 to index
        %get3A_91 = arith.constant 0 : index
        %get3A_92 = tpu.vector_load %arg9[%get3A_90, %get3A_91] {strides = array<i32>} : memref<128x128xf32, #tpu.memory_space<vmem>>, vector<1x16xf32>,
        %get3A_93 = vector.shape_cast %get3A_92 : vector<1x16xf32> to vector<16xf32>
        %max3A_94 = arith.maximumf %max3A_83, %get3A_93 : vector<16xf32>
        %min3A_95 = arith.minimumf %min3A_84, %get3A_93 : vector<16xf32>
        %add3A_96 = arith.addf %add3A_85, %get3A_93 : vector<16xf32>
        %mul3A_97 = arith.mulf %get3A_93, %get3A_93 : vector<16xf32>
        %add3A_98 = arith.addf %add3A_87, %mul3A_97 : vector<16xf32>
        %add3A_99 = arith.constant 7 : i32
        %add3A_100 = arith.addi %mul3A_30, %add3A_99 : i32
        %get3A_101 = arith.index_cast %add3A_100 : i32 to index
        %get3A_102 = arith.constant 0 : index
        %get3A_103 = tpu.vector_load %arg9[%get3A_101, %get3A_102] {strides = array<i32>} : memref<128x128xf32, #tpu.memory_space<vmem>>, vector<1x16xf32>,
        %get3A_104 = vector.shape_cast %get3A_103 : vector<1x16xf32> to vector<16xf32>
        %max3A_105 = arith.maximumf %max3A_94, %get3A_104 : vector<16xf32>
        %min3A_106 = arith.minimumf %min3A_95, %get3A_104 : vector<16xf32>
        %add3A_107 = arith.addf %add3A_96, %get3A_104 : vector<16xf32>
        %mul3A_108 = arith.mulf %get3A_104, %get3A_104 : vector<16xf32>
        %add3A_109 = arith.addf %add3A_98, %mul3A_108 : vector<16xf32>
        %add3A_110 = arith.constant 8 : i32
        %add3A_111 = arith.addi %mul3A_30, %add3A_110 : i32
        %get3A_112 = arith.index_cast %add3A_111 : i32 to index
        %get3A_113 = arith.constant 0 : index
        %get3A_114 = tpu.vector_load %arg9[%get3A_112, %get3A_113] {strides = array<i32>} : memref<128x128xf32, #tpu.memory_space<vmem>>, vector<1x16xf32>,
        %get3A_115 = vector.shape_cast %get3A_114 : vector<1x16xf32> to vector<16xf32>
        %max3A_116 = arith.maximumf %max3A_105, %get3A_115 : vector<16xf32>
        %min3A_117 = arith.minimumf %min3A_106, %get3A_115 : vector<16xf32>
        %add3A_118 = arith.addf %add3A_107, %get3A_115 : vector<16xf32>
        %mul3A_119 = arith.mulf %get3A_115, %get3A_115 : vector<16xf32>
        %add3A_120 = arith.addf %add3A_109, %mul3A_119 : vector<16xf32>
        %add3A_121 = arith.constant 9 : i32
        %add3A_122 = arith.addi %mul3A_30, %add3A_121 : i32
        %get3A_123 = arith.index_cast %add3A_122 : i32 to index
        %get3A_124 = arith.constant 0 : index
        %get3A_125 = tpu.vector_load %arg9[%get3A_123, %get3A_124] {strides = array<i32>} : memref<128x128xf32, #tpu.memory_space<vmem>>, vector<1x16xf32>,
        %get3A_126 = vector.shape_cast %get3A_125 : vector<1x16xf32> to vector<16xf32>
        %max3A_127 = arith.maximumf %max3A_116, %get3A_126 : vector<16xf32>
        %min3A_128 = arith.minimumf %min3A_117, %get3A_126 : vector<16xf32>
        %add3A_129 = arith.addf %add3A_118, %get3A_126 : vector<16xf32>
        %mul3A_130 = arith.mulf %get3A_126, %get3A_126 : vector<16xf32>
        %add3A_131 = arith.addf %add3A_120, %mul3A_130 : vector<16xf32>
        %add3A_132 = arith.constant 10 : i32
        %add3A_133 = arith.addi %mul3A_30, %add3A_132 : i32
        %get3A_134 = arith.index_cast %add3A_133 : i32 to index
        %get3A_135 = arith.constant 0 : index
        %get3A_136 = tpu.vector_load %arg9[%get3A_134, %get3A_135] {strides = array<i32>} : memref<128x128xf32, #tpu.memory_space<vmem>>, vector<1x16xf32>,
        %get3A_137 = vector.shape_cast %get3A_136 : vector<1x16xf32> to vector<16xf32>
        %max3A_138 = arith.maximumf %max3A_127, %get3A_137 : vector<16xf32>
        %min3A_139 = arith.minimumf %min3A_128, %get3A_137 : vector<16xf32>
        %add3A_140 = arith.addf %add3A_129, %get3A_137 : vector<16xf32>
        %mul3A_141 = arith.mulf %get3A_137, %get3A_137 : vector<16xf32>
        %add3A_142 = arith.addf %add3A_131, %mul3A_141 : vector<16xf32>
        %add3A_143 = arith.constant 11 : i32
        %add3A_144 = arith.addi %mul3A_30, %add3A_143 : i32
        %get3A_145 = arith.index_cast %add3A_144 : i32 to index
        %get3A_146 = arith.constant 0 : index
        %get3A_147 = tpu.vector_load %arg9[%get3A_145, %get3A_146] {strides = array<i32>} : memref<128x128xf32, #tpu.memory_space<vmem>>, vector<1x16xf32>,
        %get3A_148 = vector.shape_cast %get3A_147 : vector<1x16xf32> to vector<16xf32>
        %max3A_149 = arith.maximumf %max3A_138, %get3A_148 : vector<16xf32>
        %min3A_150 = arith.minimumf %min3A_139, %get3A_148 : vector<16xf32>
        %add3A_151 = arith.addf %add3A_140, %get3A_148 : vector<16xf32>
        %mul3A_152 = arith.mulf %get3A_148, %get3A_148 : vector<16xf32>
        %add3A_153 = arith.addf %add3A_142, %mul3A_152 : vector<16xf32>
        %add3A_154 = arith.constant 12 : i32
        %add3A_155 = arith.addi %mul3A_30, %add3A_154 : i32
        %get3A_156 = arith.index_cast %add3A_155 : i32 to index
        %get3A_157 = arith.constant 0 : index
        %get3A_158 = tpu.vector_load %arg9[%get3A_156, %get3A_157] {strides = array<i32>} : memref<128x128xf32, #tpu.memory_space<vmem>>, vector<1x16xf32>,
        %get3A_159 = vector.shape_cast %get3A_158 : vector<1x16xf32> to vector<16xf32>
        %max3A_160 = arith.maximumf %max3A_149, %get3A_159 : vector<16xf32>
        %min3A_161 = arith.minimumf %min3A_150, %get3A_159 : vector<16xf32>
        %add3A_162 = arith.addf %add3A_151, %get3A_159 : vector<16xf32>
        %mul3A_163 = arith.mulf %get3A_159, %get3A_159 : vector<16xf32>
        %add3A_164 = arith.addf %add3A_153, %mul3A_163 : vector<16xf32>
        %add3A_165 = arith.constant 13 : i32
        %add3A_166 = arith.addi %mul3A_30, %add3A_165 : i32
        %get3A_167 = arith.index_cast %add3A_166 : i32 to index
        %get3A_168 = arith.constant 0 : index
        %get3A_169 = tpu.vector_load %arg9[%get3A_167, %get3A_168] {strides = array<i32>} : memref<128x128xf32, #tpu.memory_space<vmem>>, vector<1x16xf32>,
        %get3A_170 = vector.shape_cast %get3A_169 : vector<1x16xf32> to vector<16xf32>
        %max3A_171 = arith.maximumf %max3A_160, %get3A_170 : vector<16xf32>
        %min3A_172 = arith.minimumf %min3A_161, %get3A_170 : vector<16xf32>
        %add3A_173 = arith.addf %add3A_162, %get3A_170 : vector<16xf32>
        %mul3A_174 = arith.mulf %get3A_170, %get3A_170 : vector<16xf32>
        %add3A_175 = arith.addf %add3A_164, %mul3A_174 : vector<16xf32>
        %add3A_176 = arith.constant 14 : i32
        %add3A_177 = arith.addi %mul3A_30, %add3A_176 : i32
        %get3A_178 = arith.index_cast %add3A_177 : i32 to index
        %get3A_179 = arith.constant 0 : index
        %get3A_180 = tpu.vector_load %arg9[%get3A_178, %get3A_179] {strides = array<i32>} : memref<128x128xf32, #tpu.memory_space<vmem>>, vector<1x16xf32>,
        %get3A_181 = vector.shape_cast %get3A_180 : vector<1x16xf32> to vector<16xf32>
        %max3A_182 = arith.maximumf %max3A_171, %get3A_181 : vector<16xf32>
        %min3A_183 = arith.minimumf %min3A_172, %get3A_181 : vector<16xf32>
        %add3A_184 = arith.addf %add3A_173, %get3A_181 : vector<16xf32>
        %mul3A_185 = arith.mulf %get3A_181, %get3A_181 : vector<16xf32>
        %add3A_186 = arith.addf %add3A_175, %mul3A_185 : vector<16xf32>
        %add3A_187 = arith.constant 15 : i32
        %add3A_188 = arith.addi %mul3A_30, %add3A_187 : i32
        %get3A_189 = arith.index_cast %add3A_188 : i32 to index
        %get3A_190 = arith.constant 0 : index
        %get3A_191 = tpu.vector_load %arg9[%get3A_189, %get3A_190] {strides = array<i32>} : memref<128x128xf32, #tpu.memory_space<vmem>>, vector<1x16xf32>,
        %get3A_192 = vector.shape_cast %get3A_191 : vector<1x16xf32> to vector<16xf32>
        %max3A_193 = arith.maximumf %max3A_182, %get3A_192 : vector<16xf32>
        %min3A_194 = arith.minimumf %min3A_183, %get3A_192 : vector<16xf32>
        %add3A_195 = arith.addf %add3A_184, %get3A_192 : vector<16xf32>
        %mul3A_196 = arith.mulf %get3A_192, %get3A_192 : vector<16xf32>
        %add3A_197 = arith.addf %add3A_186, %mul3A_196 : vector<16xf32>
        %swap3A = arith.index_cast %scan3A_28 : i32 to index
        %swap3A_198 = arith.constant 0 : index
        %swap3A_199 = tpu.vector_load %arg10[%swap3A, %swap3A_198] {strides = array<i32>} : memref<8x128xf32, #tpu.memory_space<vmem>>, vector<1x16xf32>,
        %swap3A_200 = vector.shape_cast %swap3A_199 : vector<1x16xf32> to vector<16xf32>
        %swap3A_201 = vector.shape_cast %max3A_193 : vector<16xf32> to vector<1x16xf32>
        tpu.vector_store %arg10[%swap3A, %swap3A_198], %swap3A_201 {strides = array<i32>} : memref<8x128xf32, #tpu.memory_space<vmem>>, vector<1x16xf32>,
        %swap3A_202 = arith.index_cast %scan3A_28 : i32 to index
        %swap3A_203 = arith.constant 0 : index
        %swap3A_204 = tpu.vector_load %arg11[%swap3A_202, %swap3A_203] {strides = array<i32>} : memref<8x128xf32, #tpu.memory_space<vmem>>, vector<1x16xf32>,
        %swap3A_205 = vector.shape_cast %swap3A_204 : vector<1x16xf32> to vector<16xf32>
        %swap3A_206 = vector.shape_cast %min3A_194 : vector<16xf32> to vector<1x16xf32>
        tpu.vector_store %arg11[%swap3A_202, %swap3A_203], %swap3A_206 {strides = array<i32>} : memref<8x128xf32, #tpu.memory_space<vmem>>, vector<1x16xf32>,
        %swap3A_207 = arith.index_cast %scan3A_28 : i32 to index
        %swap3A_208 = arith.constant 0 : index
        %swap3A_209 = tpu.vector_load %arg12[%swap3A_207, %swap3A_208] {strides = array<i32>} : memref<8x128xf32, #tpu.memory_space<vmem>>, vector<1x16xf32>,
        %swap3A_210 = vector.shape_cast %swap3A_209 : vector<1x16xf32> to vector<16xf32>
        %swap3A_211 = vector.shape_cast %add3A_195 : vector<16xf32> to vector<1x16xf32>
        tpu.vector_store %arg12[%swap3A_207, %swap3A_208], %swap3A_211 {strides = array<i32>} : memref<8x128xf32, #tpu.memory_space<vmem>>, vector<1x16xf32>,
        %swap3A_212 = arith.index_cast %scan3A_28 : i32 to index
        %swap3A_213 = arith.constant 0 : index
        %swap3A_214 = tpu.vector_load %arg13[%swap3A_212, %swap3A_213] {strides = array<i32>} : memref<8x128xf32, #tpu.memory_space<vmem>>, vector<1x16xf32>,
        %swap3A_215 = vector.shape_cast %swap3A_214 : vector<1x16xf32> to vector<16xf32>
        %swap3A_216 = vector.shape_cast %add3A_197 : vector<16xf32> to vector<1x16xf32>
        tpu.vector_store %arg13[%swap3A_212, %swap3A_213], %swap3A_216 {strides = array<i32>} : memref<8x128xf32, #tpu.memory_space<vmem>>, vector<1x16xf32>,
        %get3A_217 = arith.index_cast %mul3A_30 : i32 to index
        %get3A_218 = arith.constant 16 : index
        %get3A_219 = tpu.vector_load %arg9[%get3A_217, %get3A_218] {strides = array<i32>} : memref<128x128xf32, #tpu.memory_space<vmem>>, vector<1x16xf32>,
        %get3A_220 = vector.shape_cast %get3A_219 : vector<1x16xf32> to vector<16xf32>
        %mul3A_221 = arith.mulf %get3A_220, %get3A_220 : vector<16xf32>
        %add3A_222 = arith.constant 1 : i32
        %add3A_223 = arith.addi %mul3A_30, %add3A_222 : i32
        %get3A_224 = arith.index_cast %add3A_223 : i32 to index
        %get3A_225 = arith.constant 16 : index
        %get3A_226 = tpu.vector_load %arg9[%get3A_224, %get3A_225] {strides = array<i32>} : memref<128x128xf32, #tpu.memory_space<vmem>>, vector<1x16xf32>,
        %get3A_227 = vector.shape_cast %get3A_226 : vector<1x16xf32> to vector<16xf32>
        %max3A_228 = arith.maximumf %get3A_220, %get3A_227 : vector<16xf32>
        %min3A_229 = arith.minimumf %get3A_220, %get3A_227 : vector<16xf32>
        %add3A_230 = arith.addf %get3A_220, %get3A_227 : vector<16xf32>
        %mul3A_231 = arith.mulf %get3A_227, %get3A_227 : vector<16xf32>
        %add3A_232 = arith.addf %mul3A_221, %mul3A_231 : vector<16xf32>
        %add3A_233 = arith.constant 2 : i32
        %add3A_234 = arith.addi %mul3A_30, %add3A_233 : i32
        %get3A_235 = arith.index_cast %add3A_234 : i32 to index
        %get3A_236 = arith.constant 16 : index
        %get3A_237 = tpu.vector_load %arg9[%get3A_235, %get3A_236] {strides = array<i32>} : memref<128x128xf32, #tpu.memory_space<vmem>>, vector<1x16xf32>,
        %get3A_238 = vector.shape_cast %get3A_237 : vector<1x16xf32> to vector<16xf32>
        %max3A_239 = arith.maximumf %max3A_228, %get3A_238 : vector<16xf32>
        %min3A_240 = arith.minimumf %min3A_229, %get3A_238 : vector<16xf32>
        %add3A_241 = arith.addf %add3A_230, %get3A_238 : vector<16xf32>
        %mul3A_242 = arith.mulf %get3A_238, %get3A_238 : vector<16xf32>
        %add3A_243 = arith.addf %add3A_232, %mul3A_242 : vector<16xf32>
        %add3A_244 = arith.constant 3 : i32
        %add3A_245 = arith.addi %mul3A_30, %add3A_244 : i32
        %get3A_246 = arith.index_cast %add3A_245 : i32 to index
        %get3A_247 = arith.constant 16 : index
        %get3A_248 = tpu.vector_load %arg9[%get3A_246, %get3A_247] {strides = array<i32>} : memref<128x128xf32, #tpu.memory_space<vmem>>, vector<1x16xf32>,
        %get3A_249 = vector.shape_cast %get3A_248 : vector<1x16xf32> to vector<16xf32>
        %max3A_250 = arith.maximumf %max3A_239, %get3A_249 : vector<16xf32>
        %min3A_251 = arith.minimumf %min3A_240, %get3A_249 : vector<16xf32>
        %add3A_252 = arith.addf %add3A_241, %get3A_249 : vector<16xf32>
        %mul3A_253 = arith.mulf %get3A_249, %get3A_249 : vector<16xf32>
        %add3A_254 = arith.addf %add3A_243, %mul3A_253 : vector<16xf32>
        %add3A_255 = arith.constant 4 : i32
        %add3A_256 = arith.addi %mul3A_30, %add3A_255 : i32
        %get3A_257 = arith.index_cast %add3A_256 : i32 to index
        %get3A_258 = arith.constant 16 : index
        %get3A_259 = tpu.vector_load %arg9[%get3A_257, %get3A_258] {strides = array<i32>} : memref<128x128xf32, #tpu.memory_space<vmem>>, vector<1x16xf32>,
        %get3A_260 = vector.shape_cast %get3A_259 : vector<1x16xf32> to vector<16xf32>
        %max3A_261 = arith.maximumf %max3A_250, %get3A_260 : vector<16xf32>
        %min3A_262 = arith.minimumf %min3A_251, %get3A_260 : vector<16xf32>
        %add3A_263 = arith.addf %add3A_252, %get3A_260 : vector<16xf32>
        %mul3A_264 = arith.mulf %get3A_260, %get3A_260 : vector<16xf32>
        %add3A_265 = arith.addf %add3A_254, %mul3A_264 : vector<16xf32>
        %add3A_266 = arith.constant 5 : i32
        %add3A_267 = arith.addi %mul3A_30, %add3A_266 : i32
        %get3A_268 = arith.index_cast %add3A_267 : i32 to index
        %get3A_269 = arith.constant 16 : index
        %get3A_270 = tpu.vector_load %arg9[%get3A_268, %get3A_269] {strides = array<i32>} : memref<128x128xf32, #tpu.memory_space<vmem>>, vector<1x16xf32>,
        %get3A_271 = vector.shape_cast %get3A_270 : vector<1x16xf32> to vector<16xf32>
        %max3A_272 = arith.maximumf %max3A_261, %get3A_271 : vector<16xf32>
        %min3A_273 = arith.minimumf %min3A_262, %get3A_271 : vector<16xf32>
        %add3A_274 = arith.addf %add3A_263, %get3A_271 : vector<16xf32>
        %mul3A_275 = arith.mulf %get3A_271, %get3A_271 : vector<16xf32>
        %add3A_276 = arith.addf %add3A_265, %mul3A_275 : vector<16xf32>
        %add3A_277 = arith.constant 6 : i32
        %add3A_278 = arith.addi %mul3A_30, %add3A_277 : i32
        %get3A_279 = arith.index_cast %add3A_278 : i32 to index
        %get3A_280 = arith.constant 16 : index
        %get3A_281 = tpu.vector_load %arg9[%get3A_279, %get3A_280] {strides = array<i32>} : memref<128x128xf32, #tpu.memory_space<vmem>>, vector<1x16xf32>,
        %get3A_282 = vector.shape_cast %get3A_281 : vector<1x16xf32> to vector<16xf32>
        %max3A_283 = arith.maximumf %max3A_272, %get3A_282 : vector<16xf32>
        %min3A_284 = arith.minimumf %min3A_273, %get3A_282 : vector<16xf32>
        %add3A_285 = arith.addf %add3A_274, %get3A_282 : vector<16xf32>
        %mul3A_286 = arith.mulf %get3A_282, %get3A_282 : vector<16xf32>
        %add3A_287 = arith.addf %add3A_276, %mul3A_286 : vector<16xf32>
        %add3A_288 = arith.constant 7 : i32
        %add3A_289 = arith.addi %mul3A_30, %add3A_288 : i32
        %get3A_290 = arith.index_cast %add3A_289 : i32 to index
        %get3A_291 = arith.constant 16 : index
        %get3A_292 = tpu.vector_load %arg9[%get3A_290, %get3A_291] {strides = array<i32>} : memref<128x128xf32, #tpu.memory_space<vmem>>, vector<1x16xf32>,
        %get3A_293 = vector.shape_cast %get3A_292 : vector<1x16xf32> to vector<16xf32>
        %max3A_294 = arith.maximumf %max3A_283, %get3A_293 : vector<16xf32>
        %min3A_295 = arith.minimumf %min3A_284, %get3A_293 : vector<16xf32>
        %add3A_296 = arith.addf %add3A_285, %get3A_293 : vector<16xf32>
        %mul3A_297 = arith.mulf %get3A_293, %get3A_293 : vector<16xf32>
        %add3A_298 = arith.addf %add3A_287, %mul3A_297 : vector<16xf32>
        %add3A_299 = arith.constant 8 : i32
        %add3A_300 = arith.addi %mul3A_30, %add3A_299 : i32
        %get3A_301 = arith.index_cast %add3A_300 : i32 to index
        %get3A_302 = arith.constant 16 : index
        %get3A_303 = tpu.vector_load %arg9[%get3A_301, %get3A_302] {strides = array<i32>} : memref<128x128xf32, #tpu.memory_space<vmem>>, vector<1x16xf32>,
        %get3A_304 = vector.shape_cast %get3A_303 : vector<1x16xf32> to vector<16xf32>
        %max3A_305 = arith.maximumf %max3A_294, %get3A_304 : vector<16xf32>
        %min3A_306 = arith.minimumf %min3A_295, %get3A_304 : vector<16xf32>
        %add3A_307 = arith.addf %add3A_296, %get3A_304 : vector<16xf32>
        %mul3A_308 = arith.mulf %get3A_304, %get3A_304 : vector<16xf32>
        %add3A_309 = arith.addf %add3A_298, %mul3A_308 : vector<16xf32>
        %add3A_310 = arith.constant 9 : i32
        %add3A_311 = arith.addi %mul3A_30, %add3A_310 : i32
        %get3A_312 = arith.index_cast %add3A_311 : i32 to index
        %get3A_313 = arith.constant 16 : index
        %get3A_314 = tpu.vector_load %arg9[%get3A_312, %get3A_313] {strides = array<i32>} : memref<128x128xf32, #tpu.memory_space<vmem>>, vector<1x16xf32>,
        %get3A_315 = vector.shape_cast %get3A_314 : vector<1x16xf32> to vector<16xf32>
        %max3A_316 = arith.maximumf %max3A_305, %get3A_315 : vector<16xf32>
        %min3A_317 = arith.minimumf %min3A_306, %get3A_315 : vector<16xf32>
        %add3A_318 = arith.addf %add3A_307, %get3A_315 : vector<16xf32>
        %mul3A_319 = arith.mulf %get3A_315, %get3A_315 : vector<16xf32>
        %add3A_320 = arith.addf %add3A_309, %mul3A_319 : vector<16xf32>
        %add3A_321 = arith.constant 10 : i32
        %add3A_322 = arith.addi %mul3A_30, %add3A_321 : i32
        %get3A_323 = arith.index_cast %add3A_322 : i32 to index
        %get3A_324 = arith.constant 16 : index
        %get3A_325 = tpu.vector_load %arg9[%get3A_323, %get3A_324] {strides = array<i32>} : memref<128x128xf32, #tpu.memory_space<vmem>>, vector<1x16xf32>,
        %get3A_326 = vector.shape_cast %get3A_325 : vector<1x16xf32> to vector<16xf32>
        %max3A_327 = arith.maximumf %max3A_316, %get3A_326 : vector<16xf32>
        %min3A_328 = arith.minimumf %min3A_317, %get3A_326 : vector<16xf32>
        %add3A_329 = arith.addf %add3A_318, %get3A_326 : vector<16xf32>
        %mul3A_330 = arith.mulf %get3A_326, %get3A_326 : vector<16xf32>
        %add3A_331 = arith.addf %add3A_320, %mul3A_330 : vector<16xf32>
        %add3A_332 = arith.constant 11 : i32
        %add3A_333 = arith.addi %mul3A_30, %add3A_332 : i32
        %get3A_334 = arith.index_cast %add3A_333 : i32 to index
        %get3A_335 = arith.constant 16 : index
        %get3A_336 = tpu.vector_load %arg9[%get3A_334, %get3A_335] {strides = array<i32>} : memref<128x128xf32, #tpu.memory_space<vmem>>, vector<1x16xf32>,
        %get3A_337 = vector.shape_cast %get3A_336 : vector<1x16xf32> to vector<16xf32>
        %max3A_338 = arith.maximumf %max3A_327, %get3A_337 : vector<16xf32>
        %min3A_339 = arith.minimumf %min3A_328, %get3A_337 : vector<16xf32>
        %add3A_340 = arith.addf %add3A_329, %get3A_337 : vector<16xf32>
        %mul3A_341 = arith.mulf %get3A_337, %get3A_337 : vector<16xf32>
        %add3A_342 = arith.addf %add3A_331, %mul3A_341 : vector<16xf32>
        %add3A_343 = arith.constant 12 : i32
        %add3A_344 = arith.addi %mul3A_30, %add3A_343 : i32
        %get3A_345 = arith.index_cast %add3A_344 : i32 to index
        %get3A_346 = arith.constant 16 : index
        %get3A_347 = tpu.vector_load %arg9[%get3A_345, %get3A_346] {strides = array<i32>} : memref<128x128xf32, #tpu.memory_space<vmem>>, vector<1x16xf32>,
        %get3A_348 = vector.shape_cast %get3A_347 : vector<1x16xf32> to vector<16xf32>
        %max3A_349 = arith.maximumf %max3A_338, %get3A_348 : vector<16xf32>
        %min3A_350 = arith.minimumf %min3A_339, %get3A_348 : vector<16xf32>
        %add3A_351 = arith.addf %add3A_340, %get3A_348 : vector<16xf32>
        %mul3A_352 = arith.mulf %get3A_348, %get3A_348 : vector<16xf32>
        %add3A_353 = arith.addf %add3A_342, %mul3A_352 : vector<16xf32>
        %add3A_354 = arith.constant 13 : i32
        %add3A_355 = arith.addi %mul3A_30, %add3A_354 : i32
        %get3A_356 = arith.index_cast %add3A_355 : i32 to index
        %get3A_357 = arith.constant 16 : index
        %get3A_358 = tpu.vector_load %arg9[%get3A_356, %get3A_357] {strides = array<i32>} : memref<128x128xf32, #tpu.memory_space<vmem>>, vector<1x16xf32>,
        %get3A_359 = vector.shape_cast %get3A_358 : vector<1x16xf32> to vector<16xf32>
        %max3A_360 = arith.maximumf %max3A_349, %get3A_359 : vector<16xf32>
        %min3A_361 = arith.minimumf %min3A_350, %get3A_359 : vector<16xf32>
        %add3A_362 = arith.addf %add3A_351, %get3A_359 : vector<16xf32>
        %mul3A_363 = arith.mulf %get3A_359, %get3A_359 : vector<16xf32>
        %add3A_364 = arith.addf %add3A_353, %mul3A_363 : vector<16xf32>
        %add3A_365 = arith.constant 14 : i32
        %add3A_366 = arith.addi %mul3A_30, %add3A_365 : i32
        %get3A_367 = arith.index_cast %add3A_366 : i32 to index
        %get3A_368 = arith.constant 16 : index
        %get3A_369 = tpu.vector_load %arg9[%get3A_367, %get3A_368] {strides = array<i32>} : memref<128x128xf32, #tpu.memory_space<vmem>>, vector<1x16xf32>,
        %get3A_370 = vector.shape_cast %get3A_369 : vector<1x16xf32> to vector<16xf32>
        %max3A_371 = arith.maximumf %max3A_360, %get3A_370 : vector<16xf32>
        %min3A_372 = arith.minimumf %min3A_361, %get3A_370 : vector<16xf32>
        %add3A_373 = arith.addf %add3A_362, %get3A_370 : vector<16xf32>
        %mul3A_374 = arith.mulf %get3A_370, %get3A_370 : vector<16xf32>
        %add3A_375 = arith.addf %add3A_364, %mul3A_374 : vector<16xf32>
        %add3A_376 = arith.constant 15 : i32
        %add3A_377 = arith.addi %mul3A_30, %add3A_376 : i32
        %get3A_378 = arith.index_cast %add3A_377 : i32 to index
        %get3A_379 = arith.constant 16 : index
        %get3A_380 = tpu.vector_load %arg9[%get3A_378, %get3A_379] {strides = array<i32>} : memref<128x128xf32, #tpu.memory_space<vmem>>, vector<1x16xf32>,
        %get3A_381 = vector.shape_cast %get3A_380 : vector<1x16xf32> to vector<16xf32>
        %max3A_382 = arith.maximumf %max3A_371, %get3A_381 : vector<16xf32>
        %min3A_383 = arith.minimumf %min3A_372, %get3A_381 : vector<16xf32>
        %add3A_384 = arith.addf %add3A_373, %get3A_381 : vector<16xf32>
        %mul3A_385 = arith.mulf %get3A_381, %get3A_381 : vector<16xf32>
        %add3A_386 = arith.addf %add3A_375, %mul3A_385 : vector<16xf32>
        %swap3A_387 = arith.index_cast %scan3A_28 : i32 to index
        %swap3A_388 = arith.constant 16 : index
        %swap3A_389 = tpu.vector_load %arg10[%swap3A_387, %swap3A_388] {strides = array<i32>} : memref<8x128xf32, #tpu.memory_space<vmem>>, vector<1x16xf32>,
        %swap3A_390 = vector.shape_cast %swap3A_389 : vector<1x16xf32> to vector<16xf32>
        %swap3A_391 = vector.shape_cast %max3A_382 : vector<16xf32> to vector<1x16xf32>
        tpu.vector_store %arg10[%swap3A_387, %swap3A_388], %swap3A_391 {strides = array<i32>} : memref<8x128xf32, #tpu.memory_space<vmem>>, vector<1x16xf32>,
        %swap3A_392 = arith.index_cast %scan3A_28 : i32 to index
        %swap3A_393 = arith.constant 16 : index
        %swap3A_394 = tpu.vector_load %arg11[%swap3A_392, %swap3A_393] {strides = array<i32>} : memref<8x128xf32, #tpu.memory_space<vmem>>, vector<1x16xf32>,
        %swap3A_395 = vector.shape_cast %swap3A_394 : vector<1x16xf32> to vector<16xf32>
        %swap3A_396 = vector.shape_cast %min3A_383 : vector<16xf32> to vector<1x16xf32>
        tpu.vector_store %arg11[%swap3A_392, %swap3A_393], %swap3A_396 {strides = array<i32>} : memref<8x128xf32, #tpu.memory_space<vmem>>, vector<1x16xf32>,
        %swap3A_397 = arith.index_cast %scan3A_28 : i32 to index
        %swap3A_398 = arith.constant 16 : index
        %swap3A_399 = tpu.vector_load %arg12[%swap3A_397, %swap3A_398] {strides = array<i32>} : memref<8x128xf32, #tpu.memory_space<vmem>>, vector<1x16xf32>,
        %swap3A_400 = vector.shape_cast %swap3A_399 : vector<1x16xf32> to vector<16xf32>
        %swap3A_401 = vector.shape_cast %add3A_384 : vector<16xf32> to vector<1x16xf32>
        tpu.vector_store %arg12[%swap3A_397, %swap3A_398], %swap3A_401 {strides = array<i32>} : memref<8x128xf32, #tpu.memory_space<vmem>>, vector<1x16xf32>,
        %swap3A_402 = arith.index_cast %scan3A_28 : i32 to index
        %swap3A_403 = arith.constant 16 : index
        %swap3A_404 = tpu.vector_load %arg13[%swap3A_402, %swap3A_403] {strides = array<i32>} : memref<8x128xf32, #tpu.memory_space<vmem>>, vector<1x16xf32>,
        %swap3A_405 = vector.shape_cast %swap3A_404 : vector<1x16xf32> to vector<16xf32>
        %swap3A_406 = vector.shape_cast %add3A_386 : vector<16xf32> to vector<1x16xf32>
        tpu.vector_store %arg13[%swap3A_402, %swap3A_403], %swap3A_406 {strides = array<i32>} : memref<8x128xf32, #tpu.memory_space<vmem>>, vector<1x16xf32>,
        %get3A_407 = arith.index_cast %mul3A_30 : i32 to index
        %get3A_408 = arith.constant 32 : index
        %get3A_409 = tpu.vector_load %arg9[%get3A_407, %get3A_408] {strides = array<i32>} : memref<128x128xf32, #tpu.memory_space<vmem>>, vector<1x16xf32>,
        %get3A_410 = vector.shape_cast %get3A_409 : vector<1x16xf32> to vector<16xf32>
        %mul3A_411 = arith.mulf %get3A_410, %get3A_410 : vector<16xf32>
        %add3A_412 = arith.constant 1 : i32
        %add3A_413 = arith.addi %mul3A_30, %add3A_412 : i32
        %get3A_414 = arith.index_cast %add3A_413 : i32 to index
        %get3A_415 = arith.constant 32 : index
        %get3A_416 = tpu.vector_load %arg9[%get3A_414, %get3A_415] {strides = array<i32>} : memref<128x128xf32, #tpu.memory_space<vmem>>, vector<1x16xf32>,
        %get3A_417 = vector.shape_cast %get3A_416 : vector<1x16xf32> to vector<16xf32>
        %max3A_418 = arith.maximumf %get3A_410, %get3A_417 : vector<16xf32>
        %min3A_419 = arith.minimumf %get3A_410, %get3A_417 : vector<16xf32>
        %add3A_420 = arith.addf %get3A_410, %get3A_417 : vector<16xf32>
        %mul3A_421 = arith.mulf %get3A_417, %get3A_417 : vector<16xf32>
        %add3A_422 = arith.addf %mul3A_411, %mul3A_421 : vector<16xf32>
        %add3A_423 = arith.constant 2 : i32
        %add3A_424 = arith.addi %mul3A_30, %add3A_423 : i32
        %get3A_425 = arith.index_cast %add3A_424 : i32 to index
        %get3A_426 = arith.constant 32 : index
        %get3A_427 = tpu.vector_load %arg9[%get3A_425, %get3A_426] {strides = array<i32>} : memref<128x128xf32, #tpu.memory_space<vmem>>, vector<1x16xf32>,
        %get3A_428 = vector.shape_cast %get3A_427 : vector<1x16xf32> to vector<16xf32>
        %max3A_429 = arith.maximumf %max3A_418, %get3A_428 : vector<16xf32>
        %min3A_430 = arith.minimumf %min3A_419, %get3A_428 : vector<16xf32>
        %add3A_431 = arith.addf %add3A_420, %get3A_428 : vector<16xf32>
        %mul3A_432 = arith.mulf %get3A_428, %get3A_428 : vector<16xf32>
        %add3A_433 = arith.addf %add3A_422, %mul3A_432 : vector<16xf32>
        %add3A_434 = arith.constant 3 : i32
        %add3A_435 = arith.addi %mul3A_30, %add3A_434 : i32
        %get3A_436 = arith.index_cast %add3A_435 : i32 to index
        %get3A_437 = arith.constant 32 : index
        %get3A_438 = tpu.vector_load %arg9[%get3A_436, %get3A_437] {strides = array<i32>} : memref<128x128xf32, #tpu.memory_space<vmem>>, vector<1x16xf32>,
        %get3A_439 = vector.shape_cast %get3A_438 : vector<1x16xf32> to vector<16xf32>
        %max3A_440 = arith.maximumf %max3A_429, %get3A_439 : vector<16xf32>
        %min3A_441 = arith.minimumf %min3A_430, %get3A_439 : vector<16xf32>
        %add3A_442 = arith.addf %add3A_431, %get3A_439 : vector<16xf32>
        %mul3A_443 = arith.mulf %get3A_439, %get3A_439 : vector<16xf32>
        %add3A_444 = arith.addf %add3A_433, %mul3A_443 : vector<16xf32>
        %add3A_445 = arith.constant 4 : i32
        %add3A_446 = arith.addi %mul3A_30, %add3A_445 : i32
        %get3A_447 = arith.index_cast %add3A_446 : i32 to index
        %get3A_448 = arith.constant 32 : index
        %get3A_449 = tpu.vector_load %arg9[%get3A_447, %get3A_448] {strides = array<i32>} : memref<128x128xf32, #tpu.memory_space<vmem>>, vector<1x16xf32>,
        %get3A_450 = vector.shape_cast %get3A_449 : vector<1x16xf32> to vector<16xf32>
        %max3A_451 = arith.maximumf %max3A_440, %get3A_450 : vector<16xf32>
        %min3A_452 = arith.minimumf %min3A_441, %get3A_450 : vector<16xf32>
        %add3A_453 = arith.addf %add3A_442, %get3A_450 : vector<16xf32>
        %mul3A_454 = arith.mulf %get3A_450, %get3A_450 : vector<16xf32>
        %add3A_455 = arith.addf %add3A_444, %mul3A_454 : vector<16xf32>
        %add3A_456 = arith.constant 5 : i32
        %add3A_457 = arith.addi %mul3A_30, %add3A_456 : i32
        %get3A_458 = arith.index_cast %add3A_457 : i32 to index
        %get3A_459 = arith.constant 32 : index
        %get3A_460 = tpu.vector_load %arg9[%get3A_458, %get3A_459] {strides = array<i32>} : memref<128x128xf32, #tpu.memory_space<vmem>>, vector<1x16xf32>,
        %get3A_461 = vector.shape_cast %get3A_460 : vector<1x16xf32> to vector<16xf32>
        %max3A_462 = arith.maximumf %max3A_451, %get3A_461 : vector<16xf32>
        %min3A_463 = arith.minimumf %min3A_452, %get3A_461 : vector<16xf32>
        %add3A_464 = arith.addf %add3A_453, %get3A_461 : vector<16xf32>
        %mul3A_465 = arith.mulf %get3A_461, %get3A_461 : vector<16xf32>
        %add3A_466 = arith.addf %add3A_455, %mul3A_465 : vector<16xf32>
        %add3A_467 = arith.constant 6 : i32
        %add3A_468 = arith.addi %mul3A_30, %add3A_467 : i32
        %get3A_469 = arith.index_cast %add3A_468 : i32 to index
        %get3A_470 = arith.constant 32 : index
        %get3A_471 = tpu.vector_load %arg9[%get3A_469, %get3A_470] {strides = array<i32>} : memref<128x128xf32, #tpu.memory_space<vmem>>, vector<1x16xf32>,
        %get3A_472 = vector.shape_cast %get3A_471 : vector<1x16xf32> to vector<16xf32>
        %max3A_473 = arith.maximumf %max3A_462, %get3A_472 : vector<16xf32>
        %min3A_474 = arith.minimumf %min3A_463, %get3A_472 : vector<16xf32>
        %add3A_475 = arith.addf %add3A_464, %get3A_472 : vector<16xf32>
        %mul3A_476 = arith.mulf %get3A_472, %get3A_472 : vector<16xf32>
        %add3A_477 = arith.addf %add3A_466, %mul3A_476 : vector<16xf32>
        %add3A_478 = arith.constant 7 : i32
        %add3A_479 = arith.addi %mul3A_30, %add3A_478 : i32
        %get3A_480 = arith.index_cast %add3A_479 : i32 to index
        %get3A_481 = arith.constant 32 : index
        %get3A_482 = tpu.vector_load %arg9[%get3A_480, %get3A_481] {strides = array<i32>} : memref<128x128xf32, #tpu.memory_space<vmem>>, vector<1x16xf32>,
        %get3A_483 = vector.shape_cast %get3A_482 : vector<1x16xf32> to vector<16xf32>
        %max3A_484 = arith.maximumf %max3A_473, %get3A_483 : vector<16xf32>
        %min3A_485 = arith.minimumf %min3A_474, %get3A_483 : vector<16xf32>
        %add3A_486 = arith.addf %add3A_475, %get3A_483 : vector<16xf32>
        %mul3A_487 = arith.mulf %get3A_483, %get3A_483 : vector<16xf32>
        %add3A_488 = arith.addf %add3A_477, %mul3A_487 : vector<16xf32>
        %add3A_489 = arith.constant 8 : i32
        %add3A_490 = arith.addi %mul3A_30, %add3A_489 : i32
        %get3A_491 = arith.index_cast %add3A_490 : i32 to index
        %get3A_492 = arith.constant 32 : index
        %get3A_493 = tpu.vector_load %arg9[%get3A_491, %get3A_492] {strides = array<i32>} : memref<128x128xf32, #tpu.memory_space<vmem>>, vector<1x16xf32>,
        %get3A_494 = vector.shape_cast %get3A_493 : vector<1x16xf32> to vector<16xf32>
        %max3A_495 = arith.maximumf %max3A_484, %get3A_494 : vector<16xf32>
        %min3A_496 = arith.minimumf %min3A_485, %get3A_494 : vector<16xf32>
        %add3A_497 = arith.addf %add3A_486, %get3A_494 : vector<16xf32>
        %mul3A_498 = arith.mulf %get3A_494, %get3A_494 : vector<16xf32>
        %add3A_499 = arith.addf %add3A_488, %mul3A_498 : vector<16xf32>
        %add3A_500 = arith.constant 9 : i32
        %add3A_501 = arith.addi %mul3A_30, %add3A_500 : i32
        %get3A_502 = arith.index_cast %add3A_501 : i32 to index
        %get3A_503 = arith.constant 32 : index
        %get3A_504 = tpu.vector_load %arg9[%get3A_502, %get3A_503] {strides = array<i32>} : memref<128x128xf32, #tpu.memory_space<vmem>>, vector<1x16xf32>,
        %get3A_505 = vector.shape_cast %get3A_504 : vector<1x16xf32> to vector<16xf32>
        %max3A_506 = arith.maximumf %max3A_495, %get3A_505 : vector<16xf32>
        %min3A_507 = arith.minimumf %min3A_496, %get3A_505 : vector<16xf32>
        %add3A_508 = arith.addf %add3A_497, %get3A_505 : vector<16xf32>
        %mul3A_509 = arith.mulf %get3A_505, %get3A_505 : vector<16xf32>
        %add3A_510 = arith.addf %add3A_499, %mul3A_509 : vector<16xf32>
        %add3A_511 = arith.constant 10 : i32
        %add3A_512 = arith.addi %mul3A_30, %add3A_511 : i32
        %get3A_513 = arith.index_cast %add3A_512 : i32 to index
        %get3A_514 = arith.constant 32 : index
        %get3A_515 = tpu.vector_load %arg9[%get3A_513, %get3A_514] {strides = array<i32>} : memref<128x128xf32, #tpu.memory_space<vmem>>, vector<1x16xf32>,
        %get3A_516 = vector.shape_cast %get3A_515 : vector<1x16xf32> to vector<16xf32>
        %max3A_517 = arith.maximumf %max3A_506, %get3A_516 : vector<16xf32>
        %min3A_518 = arith.minimumf %min3A_507, %get3A_516 : vector<16xf32>
        %add3A_519 = arith.addf %add3A_508, %get3A_516 : vector<16xf32>
        %mul3A_520 = arith.mulf %get3A_516, %get3A_516 : vector<16xf32>
        %add3A_521 = arith.addf %add3A_510, %mul3A_520 : vector<16xf32>
        %add3A_522 = arith.constant 11 : i32
        %add3A_523 = arith.addi %mul3A_30, %add3A_522 : i32
        %get3A_524 = arith.index_cast %add3A_523 : i32 to index
        %get3A_525 = arith.constant 32 : index
        %get3A_526 = tpu.vector_load %arg9[%get3A_524, %get3A_525] {strides = array<i32>} : memref<128x128xf32, #tpu.memory_space<vmem>>, vector<1x16xf32>,
        %get3A_527 = vector.shape_cast %get3A_526 : vector<1x16xf32> to vector<16xf32>
        %max3A_528 = arith.maximumf %max3A_517, %get3A_527 : vector<16xf32>
        %min3A_529 = arith.minimumf %min3A_518, %get3A_527 : vector<16xf32>
        %add3A_530 = arith.addf %add3A_519, %get3A_527 : vector<16xf32>
        %mul3A_531 = arith.mulf %get3A_527, %get3A_527 : vector<16xf32>
        %add3A_532 = arith.addf %add3A_521, %mul3A_531 : vector<16xf32>
        %add3A_533 = arith.constant 12 : i32
        %add3A_534 = arith.addi %mul3A_30, %add3A_533 : i32
        %get3A_535 = arith.index_cast %add3A_534 : i32 to index
        %get3A_536 = arith.constant 32 : index
        %get3A_537 = tpu.vector_load %arg9[%get3A_535, %get3A_536] {strides = array<i32>} : memref<128x128xf32, #tpu.memory_space<vmem>>, vector<1x16xf32>,
        %get3A_538 = vector.shape_cast %get3A_537 : vector<1x16xf32> to vector<16xf32>
        %max3A_539 = arith.maximumf %max3A_528, %get3A_538 : vector<16xf32>
        %min3A_540 = arith.minimumf %min3A_529, %get3A_538 : vector<16xf32>
        %add3A_541 = arith.addf %add3A_530, %get3A_538 : vector<16xf32>
        %mul3A_542 = arith.mulf %get3A_538, %get3A_538 : vector<16xf32>
        %add3A_543 = arith.addf %add3A_532, %mul3A_542 : vector<16xf32>
        %add3A_544 = arith.constant 13 : i32
        %add3A_545 = arith.addi %mul3A_30, %add3A_544 : i32
        %get3A_546 = arith.index_cast %add3A_545 : i32 to index
        %get3A_547 = arith.constant 32 : index
        %get3A_548 = tpu.vector_load %arg9[%get3A_546, %get3A_547] {strides = array<i32>} : memref<128x128xf32, #tpu.memory_space<vmem>>, vector<1x16xf32>,
        %get3A_549 = vector.shape_cast %get3A_548 : vector<1x16xf32> to vector<16xf32>
        %max3A_550 = arith.maximumf %max3A_539, %get3A_549 : vector<16xf32>
        %min3A_551 = arith.minimumf %min3A_540, %get3A_549 : vector<16xf32>
        %add3A_552 = arith.addf %add3A_541, %get3A_549 : vector<16xf32>
        %mul3A_553 = arith.mulf %get3A_549, %get3A_549 : vector<16xf32>
        %add3A_554 = arith.addf %add3A_543, %mul3A_553 : vector<16xf32>
        %add3A_555 = arith.constant 14 : i32
        %add3A_556 = arith.addi %mul3A_30, %add3A_555 : i32
        %get3A_557 = arith.index_cast %add3A_556 : i32 to index
        %get3A_558 = arith.constant 32 : index
        %get3A_559 = tpu.vector_load %arg9[%get3A_557, %get3A_558] {strides = array<i32>} : memref<128x128xf32, #tpu.memory_space<vmem>>, vector<1x16xf32>,
        %get3A_560 = vector.shape_cast %get3A_559 : vector<1x16xf32> to vector<16xf32>
        %max3A_561 = arith.maximumf %max3A_550, %get3A_560 : vector<16xf32>
        %min3A_562 = arith.minimumf %min3A_551, %get3A_560 : vector<16xf32>
        %add3A_563 = arith.addf %add3A_552, %get3A_560 : vector<16xf32>
        %mul3A_564 = arith.mulf %get3A_560, %get3A_560 : vector<16xf32>
        %add3A_565 = arith.addf %add3A_554, %mul3A_564 : vector<16xf32>
        %add3A_566 = arith.constant 15 : i32
        %add3A_567 = arith.addi %mul3A_30, %add3A_566 : i32
        %get3A_568 = arith.index_cast %add3A_567 : i32 to index
        %get3A_569 = arith.constant 32 : index
        %get3A_570 = tpu.vector_load %arg9[%get3A_568, %get3A_569] {strides = array<i32>} : memref<128x128xf32, #tpu.memory_space<vmem>>, vector<1x16xf32>,
        %get3A_571 = vector.shape_cast %get3A_570 : vector<1x16xf32> to vector<16xf32>
        %max3A_572 = arith.maximumf %max3A_561, %get3A_571 : vector<16xf32>
        %min3A_573 = arith.minimumf %min3A_562, %get3A_571 : vector<16xf32>
        %add3A_574 = arith.addf %add3A_563, %get3A_571 : vector<16xf32>
        %mul3A_575 = arith.mulf %get3A_571, %get3A_571 : vector<16xf32>
        %add3A_576 = arith.addf %add3A_565, %mul3A_575 : vector<16xf32>
        %swap3A_577 = arith.index_cast %scan3A_28 : i32 to index
        %swap3A_578 = arith.constant 32 : index
        %swap3A_579 = tpu.vector_load %arg10[%swap3A_577, %swap3A_578] {strides = array<i32>} : memref<8x128xf32, #tpu.memory_space<vmem>>, vector<1x16xf32>,
        %swap3A_580 = vector.shape_cast %swap3A_579 : vector<1x16xf32> to vector<16xf32>
        %swap3A_581 = vector.shape_cast %max3A_572 : vector<16xf32> to vector<1x16xf32>
        tpu.vector_store %arg10[%swap3A_577, %swap3A_578], %swap3A_581 {strides = array<i32>} : memref<8x128xf32, #tpu.memory_space<vmem>>, vector<1x16xf32>,
        %swap3A_582 = arith.index_cast %scan3A_28 : i32 to index
        %swap3A_583 = arith.constant 32 : index
        %swap3A_584 = tpu.vector_load %arg11[%swap3A_582, %swap3A_583] {strides = array<i32>} : memref<8x128xf32, #tpu.memory_space<vmem>>, vector<1x16xf32>,
        %swap3A_585 = vector.shape_cast %swap3A_584 : vector<1x16xf32> to vector<16xf32>
        %swap3A_586 = vector.shape_cast %min3A_573 : vector<16xf32> to vector<1x16xf32>
        tpu.vector_store %arg11[%swap3A_582, %swap3A_583], %swap3A_586 {strides = array<i32>} : memref<8x128xf32, #tpu.memory_space<vmem>>, vector<1x16xf32>,
        %swap3A_587 = arith.index_cast %scan3A_28 : i32 to index
        %swap3A_588 = arith.constant 32 : index
        %swap3A_589 = tpu.vector_load %arg12[%swap3A_587, %swap3A_588] {strides = array<i32>} : memref<8x128xf32, #tpu.memory_space<vmem>>, vector<1x16xf32>,
        %swap3A_590 = vector.shape_cast %swap3A_589 : vector<1x16xf32> to vector<16xf32>
        %swap3A_591 = vector.shape_cast %add3A_574 : vector<16xf32> to vector<1x16xf32>
        tpu.vector_store %arg12[%swap3A_587, %swap3A_588], %swap3A_591 {strides = array<i32>} : memref<8x128xf32, #tpu.memory_space<vmem>>, vector<1x16xf32>,
        %swap3A_592 = arith.index_cast %scan3A_28 : i32 to index
        %swap3A_593 = arith.constant 32 : index
        %swap3A_594 = tpu.vector_load %arg13[%swap3A_592, %swap3A_593] {strides = array<i32>} : memref<8x128xf32, #tpu.memory_space<vmem>>, vector<1x16xf32>,
        %swap3A_595 = vector.shape_cast %swap3A_594 : vector<1x16xf32> to vector<16xf32>
        %swap3A_596 = vector.shape_cast %add3A_576 : vector<16xf32> to vector<1x16xf32>
        tpu.vector_store %arg13[%swap3A_592, %swap3A_593], %swap3A_596 {strides = array<i32>} : memref<8x128xf32, #tpu.memory_space<vmem>>, vector<1x16xf32>,
        %get3A_597 = arith.index_cast %mul3A_30 : i32 to index
        %get3A_598 = arith.constant 48 : index
        %get3A_599 = tpu.vector_load %arg9[%get3A_597, %get3A_598] {strides = array<i32>} : memref<128x128xf32, #tpu.memory_space<vmem>>, vector<1x16xf32>,
        %get3A_600 = vector.shape_cast %get3A_599 : vector<1x16xf32> to vector<16xf32>
        %mul3A_601 = arith.mulf %get3A_600, %get3A_600 : vector<16xf32>
        %add3A_602 = arith.constant 1 : i32
        %add3A_603 = arith.addi %mul3A_30, %add3A_602 : i32
        %get3A_604 = arith.index_cast %add3A_603 : i32 to index
        %get3A_605 = arith.constant 48 : index
        %get3A_606 = tpu.vector_load %arg9[%get3A_604, %get3A_605] {strides = array<i32>} : memref<128x128xf32, #tpu.memory_space<vmem>>, vector<1x16xf32>,
        %get3A_607 = vector.shape_cast %get3A_606 : vector<1x16xf32> to vector<16xf32>
        %max3A_608 = arith.maximumf %get3A_600, %get3A_607 : vector<16xf32>
        %min3A_609 = arith.minimumf %get3A_600, %get3A_607 : vector<16xf32>
        %add3A_610 = arith.addf %get3A_600, %get3A_607 : vector<16xf32>
        %mul3A_611 = arith.mulf %get3A_607, %get3A_607 : vector<16xf32>
        %add3A_612 = arith.addf %mul3A_601, %mul3A_611 : vector<16xf32>
        %add3A_613 = arith.constant 2 : i32
        %add3A_614 = arith.addi %mul3A_30, %add3A_613 : i32
        %get3A_615 = arith.index_cast %add3A_614 : i32 to index
        %get3A_616 = arith.constant 48 : index
        %get3A_617 = tpu.vector_load %arg9[%get3A_615, %get3A_616] {strides = array<i32>} : memref<128x128xf32, #tpu.memory_space<vmem>>, vector<1x16xf32>,
        %get3A_618 = vector.shape_cast %get3A_617 : vector<1x16xf32> to vector<16xf32>
        %max3A_619 = arith.maximumf %max3A_608, %get3A_618 : vector<16xf32>
        %min3A_620 = arith.minimumf %min3A_609, %get3A_618 : vector<16xf32>
        %add3A_621 = arith.addf %add3A_610, %get3A_618 : vector<16xf32>
        %mul3A_622 = arith.mulf %get3A_618, %get3A_618 : vector<16xf32>
        %add3A_623 = arith.addf %add3A_612, %mul3A_622 : vector<16xf32>
        %add3A_624 = arith.constant 3 : i32
        %add3A_625 = arith.addi %mul3A_30, %add3A_624 : i32
        %get3A_626 = arith.index_cast %add3A_625 : i32 to index
        %get3A_627 = arith.constant 48 : index
        %get3A_628 = tpu.vector_load %arg9[%get3A_626, %get3A_627] {strides = array<i32>} : memref<128x128xf32, #tpu.memory_space<vmem>>, vector<1x16xf32>,
        %get3A_629 = vector.shape_cast %get3A_628 : vector<1x16xf32> to vector<16xf32>
        %max3A_630 = arith.maximumf %max3A_619, %get3A_629 : vector<16xf32>
        %min3A_631 = arith.minimumf %min3A_620, %get3A_629 : vector<16xf32>
        %add3A_632 = arith.addf %add3A_621, %get3A_629 : vector<16xf32>
        %mul3A_633 = arith.mulf %get3A_629, %get3A_629 : vector<16xf32>
        %add3A_634 = arith.addf %add3A_623, %mul3A_633 : vector<16xf32>
        %add3A_635 = arith.constant 4 : i32
        %add3A_636 = arith.addi %mul3A_30, %add3A_635 : i32
        %get3A_637 = arith.index_cast %add3A_636 : i32 to index
        %get3A_638 = arith.constant 48 : index
        %get3A_639 = tpu.vector_load %arg9[%get3A_637, %get3A_638] {strides = array<i32>} : memref<128x128xf32, #tpu.memory_space<vmem>>, vector<1x16xf32>,
        %get3A_640 = vector.shape_cast %get3A_639 : vector<1x16xf32> to vector<16xf32>
        %max3A_641 = arith.maximumf %max3A_630, %get3A_640 : vector<16xf32>
        %min3A_642 = arith.minimumf %min3A_631, %get3A_640 : vector<16xf32>
        %add3A_643 = arith.addf %add3A_632, %get3A_640 : vector<16xf32>
        %mul3A_644 = arith.mulf %get3A_640, %get3A_640 : vector<16xf32>
        %add3A_645 = arith.addf %add3A_634, %mul3A_644 : vector<16xf32>
        %add3A_646 = arith.constant 5 : i32
        %add3A_647 = arith.addi %mul3A_30, %add3A_646 : i32
        %get3A_648 = arith.index_cast %add3A_647 : i32 to index
        %get3A_649 = arith.constant 48 : index
        %get3A_650 = tpu.vector_load %arg9[%get3A_648, %get3A_649] {strides = array<i32>} : memref<128x128xf32, #tpu.memory_space<vmem>>, vector<1x16xf32>,
        %get3A_651 = vector.shape_cast %get3A_650 : vector<1x16xf32> to vector<16xf32>
        %max3A_652 = arith.maximumf %max3A_641, %get3A_651 : vector<16xf32>
        %min3A_653 = arith.minimumf %min3A_642, %get3A_651 : vector<16xf32>
        %add3A_654 = arith.addf %add3A_643, %get3A_651 : vector<16xf32>
        %mul3A_655 = arith.mulf %get3A_651, %get3A_651 : vector<16xf32>
        %add3A_656 = arith.addf %add3A_645, %mul3A_655 : vector<16xf32>
        %add3A_657 = arith.constant 6 : i32
        %add3A_658 = arith.addi %mul3A_30, %add3A_657 : i32
        %get3A_659 = arith.index_cast %add3A_658 : i32 to index
        %get3A_660 = arith.constant 48 : index
        %get3A_661 = tpu.vector_load %arg9[%get3A_659, %get3A_660] {strides = array<i32>} : memref<128x128xf32, #tpu.memory_space<vmem>>, vector<1x16xf32>,
        %get3A_662 = vector.shape_cast %get3A_661 : vector<1x16xf32> to vector<16xf32>
        %max3A_663 = arith.maximumf %max3A_652, %get3A_662 : vector<16xf32>
        %min3A_664 = arith.minimumf %min3A_653, %get3A_662 : vector<16xf32>
        %add3A_665 = arith.addf %add3A_654, %get3A_662 : vector<16xf32>
        %mul3A_666 = arith.mulf %get3A_662, %get3A_662 : vector<16xf32>
        %add3A_667 = arith.addf %add3A_656, %mul3A_666 : vector<16xf32>
        %add3A_668 = arith.constant 7 : i32
        %add3A_669 = arith.addi %mul3A_30, %add3A_668 : i32
        %get3A_670 = arith.index_cast %add3A_669 : i32 to index
        %get3A_671 = arith.constant 48 : index
        %get3A_672 = tpu.vector_load %arg9[%get3A_670, %get3A_671] {strides = array<i32>} : memref<128x128xf32, #tpu.memory_space<vmem>>, vector<1x16xf32>,
        %get3A_673 = vector.shape_cast %get3A_672 : vector<1x16xf32> to vector<16xf32>
        %max3A_674 = arith.maximumf %max3A_663, %get3A_673 : vector<16xf32>
        %min3A_675 = arith.minimumf %min3A_664, %get3A_673 : vector<16xf32>
        %add3A_676 = arith.addf %add3A_665, %get3A_673 : vector<16xf32>
        %mul3A_677 = arith.mulf %get3A_673, %get3A_673 : vector<16xf32>
        %add3A_678 = arith.addf %add3A_667, %mul3A_677 : vector<16xf32>
        %add3A_679 = arith.constant 8 : i32
        %add3A_680 = arith.addi %mul3A_30, %add3A_679 : i32
        %get3A_681 = arith.index_cast %add3A_680 : i32 to index
        %get3A_682 = arith.constant 48 : index
        %get3A_683 = tpu.vector_load %arg9[%get3A_681, %get3A_682] {strides = array<i32>} : memref<128x128xf32, #tpu.memory_space<vmem>>, vector<1x16xf32>,
        %get3A_684 = vector.shape_cast %get3A_683 : vector<1x16xf32> to vector<16xf32>
        %max3A_685 = arith.maximumf %max3A_674, %get3A_684 : vector<16xf32>
        %min3A_686 = arith.minimumf %min3A_675, %get3A_684 : vector<16xf32>
        %add3A_687 = arith.addf %add3A_676, %get3A_684 : vector<16xf32>
        %mul3A_688 = arith.mulf %get3A_684, %get3A_684 : vector<16xf32>
        %add3A_689 = arith.addf %add3A_678, %mul3A_688 : vector<16xf32>
        %add3A_690 = arith.constant 9 : i32
        %add3A_691 = arith.addi %mul3A_30, %add3A_690 : i32
        %get3A_692 = arith.index_cast %add3A_691 : i32 to index
        %get3A_693 = arith.constant 48 : index
        %get3A_694 = tpu.vector_load %arg9[%get3A_692, %get3A_693] {strides = array<i32>} : memref<128x128xf32, #tpu.memory_space<vmem>>, vector<1x16xf32>,
        %get3A_695 = vector.shape_cast %get3A_694 : vector<1x16xf32> to vector<16xf32>
        %max3A_696 = arith.maximumf %max3A_685, %get3A_695 : vector<16xf32>
        %min3A_697 = arith.minimumf %min3A_686, %get3A_695 : vector<16xf32>
        %add3A_698 = arith.addf %add3A_687, %get3A_695 : vector<16xf32>
        %mul3A_699 = arith.mulf %get3A_695, %get3A_695 : vector<16xf32>
        %add3A_700 = arith.addf %add3A_689, %mul3A_699 : vector<16xf32>
        %add3A_701 = arith.constant 10 : i32
        %add3A_702 = arith.addi %mul3A_30, %add3A_701 : i32
        %get3A_703 = arith.index_cast %add3A_702 : i32 to index
        %get3A_704 = arith.constant 48 : index
        %get3A_705 = tpu.vector_load %arg9[%get3A_703, %get3A_704] {strides = array<i32>} : memref<128x128xf32, #tpu.memory_space<vmem>>, vector<1x16xf32>,
        %get3A_706 = vector.shape_cast %get3A_705 : vector<1x16xf32> to vector<16xf32>
        %max3A_707 = arith.maximumf %max3A_696, %get3A_706 : vector<16xf32>
        %min3A_708 = arith.minimumf %min3A_697, %get3A_706 : vector<16xf32>
        %add3A_709 = arith.addf %add3A_698, %get3A_706 : vector<16xf32>
        %mul3A_710 = arith.mulf %get3A_706, %get3A_706 : vector<16xf32>
        %add3A_711 = arith.addf %add3A_700, %mul3A_710 : vector<16xf32>
        %add3A_712 = arith.constant 11 : i32
        %add3A_713 = arith.addi %mul3A_30, %add3A_712 : i32
        %get3A_714 = arith.index_cast %add3A_713 : i32 to index
        %get3A_715 = arith.constant 48 : index
        %get3A_716 = tpu.vector_load %arg9[%get3A_714, %get3A_715] {strides = array<i32>} : memref<128x128xf32, #tpu.memory_space<vmem>>, vector<1x16xf32>,
        %get3A_717 = vector.shape_cast %get3A_716 : vector<1x16xf32> to vector<16xf32>
        %max3A_718 = arith.maximumf %max3A_707, %get3A_717 : vector<16xf32>
        %min3A_719 = arith.minimumf %min3A_708, %get3A_717 : vector<16xf32>
        %add3A_720 = arith.addf %add3A_709, %get3A_717 : vector<16xf32>
        %mul3A_721 = arith.mulf %get3A_717, %get3A_717 : vector<16xf32>
        %add3A_722 = arith.addf %add3A_711, %mul3A_721 : vector<16xf32>
        %add3A_723 = arith.constant 12 : i32
        %add3A_724 = arith.addi %mul3A_30, %add3A_723 : i32
        %get3A_725 = arith.index_cast %add3A_724 : i32 to index
        %get3A_726 = arith.constant 48 : index
        %get3A_727 = tpu.vector_load %arg9[%get3A_725, %get3A_726] {strides = array<i32>} : memref<128x128xf32, #tpu.memory_space<vmem>>, vector<1x16xf32>,
        %get3A_728 = vector.shape_cast %get3A_727 : vector<1x16xf32> to vector<16xf32>
        %max3A_729 = arith.maximumf %max3A_718, %get3A_728 : vector<16xf32>
        %min3A_730 = arith.minimumf %min3A_719, %get3A_728 : vector<16xf32>
        %add3A_731 = arith.addf %add3A_720, %get3A_728 : vector<16xf32>
        %mul3A_732 = arith.mulf %get3A_728, %get3A_728 : vector<16xf32>
        %add3A_733 = arith.addf %add3A_722, %mul3A_732 : vector<16xf32>
        %add3A_734 = arith.constant 13 : i32
        %add3A_735 = arith.addi %mul3A_30, %add3A_734 : i32
        %get3A_736 = arith.index_cast %add3A_735 : i32 to index
        %get3A_737 = arith.constant 48 : index
        %get3A_738 = tpu.vector_load %arg9[%get3A_736, %get3A_737] {strides = array<i32>} : memref<128x128xf32, #tpu.memory_space<vmem>>, vector<1x16xf32>,
        %get3A_739 = vector.shape_cast %get3A_738 : vector<1x16xf32> to vector<16xf32>
        %max3A_740 = arith.maximumf %max3A_729, %get3A_739 : vector<16xf32>
        %min3A_741 = arith.minimumf %min3A_730, %get3A_739 : vector<16xf32>
        %add3A_742 = arith.addf %add3A_731, %get3A_739 : vector<16xf32>
        %mul3A_743 = arith.mulf %get3A_739, %get3A_739 : vector<16xf32>
        %add3A_744 = arith.addf %add3A_733, %mul3A_743 : vector<16xf32>
        %add3A_745 = arith.constant 14 : i32
        %add3A_746 = arith.addi %mul3A_30, %add3A_745 : i32
        %get3A_747 = arith.index_cast %add3A_746 : i32 to index
        %get3A_748 = arith.constant 48 : index
        %get3A_749 = tpu.vector_load %arg9[%get3A_747, %get3A_748] {strides = array<i32>} : memref<128x128xf32, #tpu.memory_space<vmem>>, vector<1x16xf32>,
        %get3A_750 = vector.shape_cast %get3A_749 : vector<1x16xf32> to vector<16xf32>
        %max3A_751 = arith.maximumf %max3A_740, %get3A_750 : vector<16xf32>
        %min3A_752 = arith.minimumf %min3A_741, %get3A_750 : vector<16xf32>
        %add3A_753 = arith.addf %add3A_742, %get3A_750 : vector<16xf32>
        %mul3A_754 = arith.mulf %get3A_750, %get3A_750 : vector<16xf32>
        %add3A_755 = arith.addf %add3A_744, %mul3A_754 : vector<16xf32>
        %add3A_756 = arith.constant 15 : i32
        %add3A_757 = arith.addi %mul3A_30, %add3A_756 : i32
        %get3A_758 = arith.index_cast %add3A_757 : i32 to index
        %get3A_759 = arith.constant 48 : index
        %get3A_760 = tpu.vector_load %arg9[%get3A_758, %get3A_759] {strides = array<i32>} : memref<128x128xf32, #tpu.memory_space<vmem>>, vector<1x16xf32>,
        %get3A_761 = vector.shape_cast %get3A_760 : vector<1x16xf32> to vector<16xf32>
        %max3A_762 = arith.maximumf %max3A_751, %get3A_761 : vector<16xf32>
        %min3A_763 = arith.minimumf %min3A_752, %get3A_761 : vector<16xf32>
        %add3A_764 = arith.addf %add3A_753, %get3A_761 : vector<16xf32>
        %mul3A_765 = arith.mulf %get3A_761, %get3A_761 : vector<16xf32>
        %add3A_766 = arith.addf %add3A_755, %mul3A_765 : vector<16xf32>
        %swap3A_767 = arith.index_cast %scan3A_28 : i32 to index
        %swap3A_768 = arith.constant 48 : index
        %swap3A_769 = tpu.vector_load %arg10[%swap3A_767, %swap3A_768] {strides = array<i32>} : memref<8x128xf32, #tpu.memory_space<vmem>>, vector<1x16xf32>,
        %swap3A_770 = vector.shape_cast %swap3A_769 : vector<1x16xf32> to vector<16xf32>
        %swap3A_771 = vector.shape_cast %max3A_762 : vector<16xf32> to vector<1x16xf32>
        tpu.vector_store %arg10[%swap3A_767, %swap3A_768], %swap3A_771 {strides = array<i32>} : memref<8x128xf32, #tpu.memory_space<vmem>>, vector<1x16xf32>,
        %swap3A_772 = arith.index_cast %scan3A_28 : i32 to index
        %swap3A_773 = arith.constant 48 : index
        %swap3A_774 = tpu.vector_load %arg11[%swap3A_772, %swap3A_773] {strides = array<i32>} : memref<8x128xf32, #tpu.memory_space<vmem>>, vector<1x16xf32>,
        %swap3A_775 = vector.shape_cast %swap3A_774 : vector<1x16xf32> to vector<16xf32>
        %swap3A_776 = vector.shape_cast %min3A_763 : vector<16xf32> to vector<1x16xf32>
        tpu.vector_store %arg11[%swap3A_772, %swap3A_773], %swap3A_776 {strides = array<i32>} : memref<8x128xf32, #tpu.memory_space<vmem>>, vector<1x16xf32>,
        %swap3A_777 = arith.index_cast %scan3A_28 : i32 to index
        %swap3A_778 = arith.constant 48 : index
        %swap3A_779 = tpu.vector_load %arg12[%swap3A_777, %swap3A_778] {strides = array<i32>} : memref<8x128xf32, #tpu.memory_space<vmem>>, vector<1x16xf32>,
        %swap3A_780 = vector.shape_cast %swap3A_779 : vector<1x16xf32> to vector<16xf32>
        %swap3A_781 = vector.shape_cast %add3A_764 : vector<16xf32> to vector<1x16xf32>
        tpu.vector_store %arg12[%swap3A_777, %swap3A_778], %swap3A_781 {strides = array<i32>} : memref<8x128xf32, #tpu.memory_space<vmem>>, vector<1x16xf32>,
        %swap3A_782 = arith.index_cast %scan3A_28 : i32 to index
        %swap3A_783 = arith.constant 48 : index
        %swap3A_784 = tpu.vector_load %arg13[%swap3A_782, %swap3A_783] {strides = array<i32>} : memref<8x128xf32, #tpu.memory_space<vmem>>, vector<1x16xf32>,
        %swap3A_785 = vector.shape_cast %swap3A_784 : vector<1x16xf32> to vector<16xf32>
        %swap3A_786 = vector.shape_cast %add3A_766 : vector<16xf32> to vector<1x16xf32>
        tpu.vector_store %arg13[%swap3A_782, %swap3A_783], %swap3A_786 {strides = array<i32>} : memref<8x128xf32, #tpu.memory_space<vmem>>, vector<1x16xf32>,
        %get3A_787 = arith.index_cast %mul3A_30 : i32 to index
        %get3A_788 = arith.constant 64 : index
        %get3A_789 = tpu.vector_load %arg9[%get3A_787, %get3A_788] {strides = array<i32>} : memref<128x128xf32, #tpu.memory_space<vmem>>, vector<1x16xf32>,
        %get3A_790 = vector.shape_cast %get3A_789 : vector<1x16xf32> to vector<16xf32>
        %mul3A_791 = arith.mulf %get3A_790, %get3A_790 : vector<16xf32>
        %add3A_792 = arith.constant 1 : i32
        %add3A_793 = arith.addi %mul3A_30, %add3A_792 : i32
        %get3A_794 = arith.index_cast %add3A_793 : i32 to index
        %get3A_795 = arith.constant 64 : index
        %get3A_796 = tpu.vector_load %arg9[%get3A_794, %get3A_795] {strides = array<i32>} : memref<128x128xf32, #tpu.memory_space<vmem>>, vector<1x16xf32>,
        %get3A_797 = vector.shape_cast %get3A_796 : vector<1x16xf32> to vector<16xf32>
        %max3A_798 = arith.maximumf %get3A_790, %get3A_797 : vector<16xf32>
        %min3A_799 = arith.minimumf %get3A_790, %get3A_797 : vector<16xf32>
        %add3A_800 = arith.addf %get3A_790, %get3A_797 : vector<16xf32>
        %mul3A_801 = arith.mulf %get3A_797, %get3A_797 : vector<16xf32>
        %add3A_802 = arith.addf %mul3A_791, %mul3A_801 : vector<16xf32>
        %add3A_803 = arith.constant 2 : i32
        %add3A_804 = arith.addi %mul3A_30, %add3A_803 : i32
        %get3A_805 = arith.index_cast %add3A_804 : i32 to index
        %get3A_806 = arith.constant 64 : index
        %get3A_807 = tpu.vector_load %arg9[%get3A_805, %get3A_806] {strides = array<i32>} : memref<128x128xf32, #tpu.memory_space<vmem>>, vector<1x16xf32>,
        %get3A_808 = vector.shape_cast %get3A_807 : vector<1x16xf32> to vector<16xf32>
        %max3A_809 = arith.maximumf %max3A_798, %get3A_808 : vector<16xf32>
        %min3A_810 = arith.minimumf %min3A_799, %get3A_808 : vector<16xf32>
        %add3A_811 = arith.addf %add3A_800, %get3A_808 : vector<16xf32>
        %mul3A_812 = arith.mulf %get3A_808, %get3A_808 : vector<16xf32>
        %add3A_813 = arith.addf %add3A_802, %mul3A_812 : vector<16xf32>
        %add3A_814 = arith.constant 3 : i32
        %add3A_815 = arith.addi %mul3A_30, %add3A_814 : i32
        %get3A_816 = arith.index_cast %add3A_815 : i32 to index
        %get3A_817 = arith.constant 64 : index
        %get3A_818 = tpu.vector_load %arg9[%get3A_816, %get3A_817] {strides = array<i32>} : memref<128x128xf32, #tpu.memory_space<vmem>>, vector<1x16xf32>,
        %get3A_819 = vector.shape_cast %get3A_818 : vector<1x16xf32> to vector<16xf32>
        %max3A_820 = arith.maximumf %max3A_809, %get3A_819 : vector<16xf32>
        %min3A_821 = arith.minimumf %min3A_810, %get3A_819 : vector<16xf32>
        %add3A_822 = arith.addf %add3A_811, %get3A_819 : vector<16xf32>
        %mul3A_823 = arith.mulf %get3A_819, %get3A_819 : vector<16xf32>
        %add3A_824 = arith.addf %add3A_813, %mul3A_823 : vector<16xf32>
        %add3A_825 = arith.constant 4 : i32
        %add3A_826 = arith.addi %mul3A_30, %add3A_825 : i32
        %get3A_827 = arith.index_cast %add3A_826 : i32 to index
        %get3A_828 = arith.constant 64 : index
        %get3A_829 = tpu.vector_load %arg9[%get3A_827, %get3A_828] {strides = array<i32>} : memref<128x128xf32, #tpu.memory_space<vmem>>, vector<1x16xf32>,
        %get3A_830 = vector.shape_cast %get3A_829 : vector<1x16xf32> to vector<16xf32>
        %max3A_831 = arith.maximumf %max3A_820, %get3A_830 : vector<16xf32>
        %min3A_832 = arith.minimumf %min3A_821, %get3A_830 : vector<16xf32>
        %add3A_833 = arith.addf %add3A_822, %get3A_830 : vector<16xf32>
        %mul3A_834 = arith.mulf %get3A_830, %get3A_830 : vector<16xf32>
        %add3A_835 = arith.addf %add3A_824, %mul3A_834 : vector<16xf32>
        %add3A_836 = arith.constant 5 : i32
        %add3A_837 = arith.addi %mul3A_30, %add3A_836 : i32
        %get3A_838 = arith.index_cast %add3A_837 : i32 to index
        %get3A_839 = arith.constant 64 : index
        %get3A_840 = tpu.vector_load %arg9[%get3A_838, %get3A_839] {strides = array<i32>} : memref<128x128xf32, #tpu.memory_space<vmem>>, vector<1x16xf32>,
        %get3A_841 = vector.shape_cast %get3A_840 : vector<1x16xf32> to vector<16xf32>
        %max3A_842 = arith.maximumf %max3A_831, %get3A_841 : vector<16xf32>
        %min3A_843 = arith.minimumf %min3A_832, %get3A_841 : vector<16xf32>
        %add3A_844 = arith.addf %add3A_833, %get3A_841 : vector<16xf32>
        %mul3A_845 = arith.mulf %get3A_841, %get3A_841 : vector<16xf32>
        %add3A_846 = arith.addf %add3A_835, %mul3A_845 : vector<16xf32>
        %add3A_847 = arith.constant 6 : i32
        %add3A_848 = arith.addi %mul3A_30, %add3A_847 : i32
        %get3A_849 = arith.index_cast %add3A_848 : i32 to index
        %get3A_850 = arith.constant 64 : index
        %get3A_851 = tpu.vector_load %arg9[%get3A_849, %get3A_850] {strides = array<i32>} : memref<128x128xf32, #tpu.memory_space<vmem>>, vector<1x16xf32>,
        %get3A_852 = vector.shape_cast %get3A_851 : vector<1x16xf32> to vector<16xf32>
        %max3A_853 = arith.maximumf %max3A_842, %get3A_852 : vector<16xf32>
        %min3A_854 = arith.minimumf %min3A_843, %get3A_852 : vector<16xf32>
        %add3A_855 = arith.addf %add3A_844, %get3A_852 : vector<16xf32>
        %mul3A_856 = arith.mulf %get3A_852, %get3A_852 : vector<16xf32>
        %add3A_857 = arith.addf %add3A_846, %mul3A_856 : vector<16xf32>
        %add3A_858 = arith.constant 7 : i32
        %add3A_859 = arith.addi %mul3A_30, %add3A_858 : i32
        %get3A_860 = arith.index_cast %add3A_859 : i32 to index
        %get3A_861 = arith.constant 64 : index
        %get3A_862 = tpu.vector_load %arg9[%get3A_860, %get3A_861] {strides = array<i32>} : memref<128x128xf32, #tpu.memory_space<vmem>>, vector<1x16xf32>,
        %get3A_863 = vector.shape_cast %get3A_862 : vector<1x16xf32> to vector<16xf32>
        %max3A_864 = arith.maximumf %max3A_853, %get3A_863 : vector<16xf32>
        %min3A_865 = arith.minimumf %min3A_854, %get3A_863 : vector<16xf32>
        %add3A_866 = arith.addf %add3A_855, %get3A_863 : vector<16xf32>
        %mul3A_867 = arith.mulf %get3A_863, %get3A_863 : vector<16xf32>
        %add3A_868 = arith.addf %add3A_857, %mul3A_867 : vector<16xf32>
        %add3A_869 = arith.constant 8 : i32
        %add3A_870 = arith.addi %mul3A_30, %add3A_869 : i32
        %get3A_871 = arith.index_cast %add3A_870 : i32 to index
        %get3A_872 = arith.constant 64 : index
        %get3A_873 = tpu.vector_load %arg9[%get3A_871, %get3A_872] {strides = array<i32>} : memref<128x128xf32, #tpu.memory_space<vmem>>, vector<1x16xf32>,
        %get3A_874 = vector.shape_cast %get3A_873 : vector<1x16xf32> to vector<16xf32>
        %max3A_875 = arith.maximumf %max3A_864, %get3A_874 : vector<16xf32>
        %min3A_876 = arith.minimumf %min3A_865, %get3A_874 : vector<16xf32>
        %add3A_877 = arith.addf %add3A_866, %get3A_874 : vector<16xf32>
        %mul3A_878 = arith.mulf %get3A_874, %get3A_874 : vector<16xf32>
        %add3A_879 = arith.addf %add3A_868, %mul3A_878 : vector<16xf32>
        %add3A_880 = arith.constant 9 : i32
        %add3A_881 = arith.addi %mul3A_30, %add3A_880 : i32
        %get3A_882 = arith.index_cast %add3A_881 : i32 to index
        %get3A_883 = arith.constant 64 : index
        %get3A_884 = tpu.vector_load %arg9[%get3A_882, %get3A_883] {strides = array<i32>} : memref<128x128xf32, #tpu.memory_space<vmem>>, vector<1x16xf32>,
        %get3A_885 = vector.shape_cast %get3A_884 : vector<1x16xf32> to vector<16xf32>
        %max3A_886 = arith.maximumf %max3A_875, %get3A_885 : vector<16xf32>
        %min3A_887 = arith.minimumf %min3A_876, %get3A_885 : vector<16xf32>
        %add3A_888 = arith.addf %add3A_877, %get3A_885 : vector<16xf32>
        %mul3A_889 = arith.mulf %get3A_885, %get3A_885 : vector<16xf32>
        %add3A_890 = arith.addf %add3A_879, %mul3A_889 : vector<16xf32>
        %add3A_891 = arith.constant 10 : i32
        %add3A_892 = arith.addi %mul3A_30, %add3A_891 : i32
        %get3A_893 = arith.index_cast %add3A_892 : i32 to index
        %get3A_894 = arith.constant 64 : index
        %get3A_895 = tpu.vector_load %arg9[%get3A_893, %get3A_894] {strides = array<i32>} : memref<128x128xf32, #tpu.memory_space<vmem>>, vector<1x16xf32>,
        %get3A_896 = vector.shape_cast %get3A_895 : vector<1x16xf32> to vector<16xf32>
        %max3A_897 = arith.maximumf %max3A_886, %get3A_896 : vector<16xf32>
        %min3A_898 = arith.minimumf %min3A_887, %get3A_896 : vector<16xf32>
        %add3A_899 = arith.addf %add3A_888, %get3A_896 : vector<16xf32>
        %mul3A_900 = arith.mulf %get3A_896, %get3A_896 : vector<16xf32>
        %add3A_901 = arith.addf %add3A_890, %mul3A_900 : vector<16xf32>
        %add3A_902 = arith.constant 11 : i32
        %add3A_903 = arith.addi %mul3A_30, %add3A_902 : i32
        %get3A_904 = arith.index_cast %add3A_903 : i32 to index
        %get3A_905 = arith.constant 64 : index
        %get3A_906 = tpu.vector_load %arg9[%get3A_904, %get3A_905] {strides = array<i32>} : memref<128x128xf32, #tpu.memory_space<vmem>>, vector<1x16xf32>,
        %get3A_907 = vector.shape_cast %get3A_906 : vector<1x16xf32> to vector<16xf32>
        %max3A_908 = arith.maximumf %max3A_897, %get3A_907 : vector<16xf32>
        %min3A_909 = arith.minimumf %min3A_898, %get3A_907 : vector<16xf32>
        %add3A_910 = arith.addf %add3A_899, %get3A_907 : vector<16xf32>
        %mul3A_911 = arith.mulf %get3A_907, %get3A_907 : vector<16xf32>
        %add3A_912 = arith.addf %add3A_901, %mul3A_911 : vector<16xf32>
        %add3A_913 = arith.constant 12 : i32
        %add3A_914 = arith.addi %mul3A_30, %add3A_913 : i32
        %get3A_915 = arith.index_cast %add3A_914 : i32 to index
        %get3A_916 = arith.constant 64 : index
        %get3A_917 = tpu.vector_load %arg9[%get3A_915, %get3A_916] {strides = array<i32>} : memref<128x128xf32, #tpu.memory_space<vmem>>, vector<1x16xf32>,
        %get3A_918 = vector.shape_cast %get3A_917 : vector<1x16xf32> to vector<16xf32>
        %max3A_919 = arith.maximumf %max3A_908, %get3A_918 : vector<16xf32>
        %min3A_920 = arith.minimumf %min3A_909, %get3A_918 : vector<16xf32>
        %add3A_921 = arith.addf %add3A_910, %get3A_918 : vector<16xf32>
        %mul3A_922 = arith.mulf %get3A_918, %get3A_918 : vector<16xf32>
        %add3A_923 = arith.addf %add3A_912, %mul3A_922 : vector<16xf32>
        %add3A_924 = arith.constant 13 : i32
        %add3A_925 = arith.addi %mul3A_30, %add3A_924 : i32
        %get3A_926 = arith.index_cast %add3A_925 : i32 to index
        %get3A_927 = arith.constant 64 : index
        %get3A_928 = tpu.vector_load %arg9[%get3A_926, %get3A_927] {strides = array<i32>} : memref<128x128xf32, #tpu.memory_space<vmem>>, vector<1x16xf32>,
        %get3A_929 = vector.shape_cast %get3A_928 : vector<1x16xf32> to vector<16xf32>
        %max3A_930 = arith.maximumf %max3A_919, %get3A_929 : vector<16xf32>
        %min3A_931 = arith.minimumf %min3A_920, %get3A_929 : vector<16xf32>
        %add3A_932 = arith.addf %add3A_921, %get3A_929 : vector<16xf32>
        %mul3A_933 = arith.mulf %get3A_929, %get3A_929 : vector<16xf32>
        %add3A_934 = arith.addf %add3A_923, %mul3A_933 : vector<16xf32>
        %add3A_935 = arith.constant 14 : i32
        %add3A_936 = arith.addi %mul3A_30, %add3A_935 : i32
        %get3A_937 = arith.index_cast %add3A_936 : i32 to index
        %get3A_938 = arith.constant 64 : index
        %get3A_939 = tpu.vector_load %arg9[%get3A_937, %get3A_938] {strides = array<i32>} : memref<128x128xf32, #tpu.memory_space<vmem>>, vector<1x16xf32>,
        %get3A_940 = vector.shape_cast %get3A_939 : vector<1x16xf32> to vector<16xf32>
        %max3A_941 = arith.maximumf %max3A_930, %get3A_940 : vector<16xf32>
        %min3A_942 = arith.minimumf %min3A_931, %get3A_940 : vector<16xf32>
        %add3A_943 = arith.addf %add3A_932, %get3A_940 : vector<16xf32>
        %mul3A_944 = arith.mulf %get3A_940, %get3A_940 : vector<16xf32>
        %add3A_945 = arith.addf %add3A_934, %mul3A_944 : vector<16xf32>
        %add3A_946 = arith.constant 15 : i32
        %add3A_947 = arith.addi %mul3A_30, %add3A_946 : i32
        %get3A_948 = arith.index_cast %add3A_947 : i32 to index
        %get3A_949 = arith.constant 64 : index
        %get3A_950 = tpu.vector_load %arg9[%get3A_948, %get3A_949] {strides = array<i32>} : memref<128x128xf32, #tpu.memory_space<vmem>>, vector<1x16xf32>,
        %get3A_951 = vector.shape_cast %get3A_950 : vector<1x16xf32> to vector<16xf32>
        %max3A_952 = arith.maximumf %max3A_941, %get3A_951 : vector<16xf32>
        %min3A_953 = arith.minimumf %min3A_942, %get3A_951 : vector<16xf32>
        %add3A_954 = arith.addf %add3A_943, %get3A_951 : vector<16xf32>
        %mul3A_955 = arith.mulf %get3A_951, %get3A_951 : vector<16xf32>
        %add3A_956 = arith.addf %add3A_945, %mul3A_955 : vector<16xf32>
        %swap3A_957 = arith.index_cast %scan3A_28 : i32 to index
        %swap3A_958 = arith.constant 64 : index
        %swap3A_959 = tpu.vector_load %arg10[%swap3A_957, %swap3A_958] {strides = array<i32>} : memref<8x128xf32, #tpu.memory_space<vmem>>, vector<1x16xf32>,
        %swap3A_960 = vector.shape_cast %swap3A_959 : vector<1x16xf32> to vector<16xf32>
        %swap3A_961 = vector.shape_cast %max3A_952 : vector<16xf32> to vector<1x16xf32>
        tpu.vector_store %arg10[%swap3A_957, %swap3A_958], %swap3A_961 {strides = array<i32>} : memref<8x128xf32, #tpu.memory_space<vmem>>, vector<1x16xf32>,
        %swap3A_962 = arith.index_cast %scan3A_28 : i32 to index
        %swap3A_963 = arith.constant 64 : index
        %swap3A_964 = tpu.vector_load %arg11[%swap3A_962, %swap3A_963] {strides = array<i32>} : memref<8x128xf32, #tpu.memory_space<vmem>>, vector<1x16xf32>,
        %swap3A_965 = vector.shape_cast %swap3A_964 : vector<1x16xf32> to vector<16xf32>
        %swap3A_966 = vector.shape_cast %min3A_953 : vector<16xf32> to vector<1x16xf32>
        tpu.vector_store %arg11[%swap3A_962, %swap3A_963], %swap3A_966 {strides = array<i32>} : memref<8x128xf32, #tpu.memory_space<vmem>>, vector<1x16xf32>,
        %swap3A_967 = arith.index_cast %scan3A_28 : i32 to index
        %swap3A_968 = arith.constant 64 : index
        %swap3A_969 = tpu.vector_load %arg12[%swap3A_967, %swap3A_968] {strides = array<i32>} : memref<8x128xf32, #tpu.memory_space<vmem>>, vector<1x16xf32>,
        %swap3A_970 = vector.shape_cast %swap3A_969 : vector<1x16xf32> to vector<16xf32>
        %swap3A_971 = vector.shape_cast %add3A_954 : vector<16xf32> to vector<1x16xf32>
        tpu.vector_store %arg12[%swap3A_967, %swap3A_968], %swap3A_971 {strides = array<i32>} : memref<8x128xf32, #tpu.memory_space<vmem>>, vector<1x16xf32>,
        %swap3A_972 = arith.index_cast %scan3A_28 : i32 to index
        %swap3A_973 = arith.constant 64 : index
        %swap3A_974 = tpu.vector_load %arg13[%swap3A_972, %swap3A_973] {strides = array<i32>} : memref<8x128xf32, #tpu.memory_space<vmem>>, vector<1x16xf32>,
        %swap3A_975 = vector.shape_cast %swap3A_974 : vector<1x16xf32> to vector<16xf32>
        %swap3A_976 = vector.shape_cast %add3A_956 : vector<16xf32> to vector<1x16xf32>
        tpu.vector_store %arg13[%swap3A_972, %swap3A_973], %swap3A_976 {strides = array<i32>} : memref<8x128xf32, #tpu.memory_space<vmem>>, vector<1x16xf32>,
        %get3A_977 = arith.index_cast %mul3A_30 : i32 to index
        %get3A_978 = arith.constant 80 : index
        %get3A_979 = tpu.vector_load %arg9[%get3A_977, %get3A_978] {strides = array<i32>} : memref<128x128xf32, #tpu.memory_space<vmem>>, vector<1x16xf32>,
        %get3A_980 = vector.shape_cast %get3A_979 : vector<1x16xf32> to vector<16xf32>
        %mul3A_981 = arith.mulf %get3A_980, %get3A_980 : vector<16xf32>
        %add3A_982 = arith.constant 1 : i32
        %add3A_983 = arith.addi %mul3A_30, %add3A_982 : i32
        %get3A_984 = arith.index_cast %add3A_983 : i32 to index
        %get3A_985 = arith.constant 80 : index
        %get3A_986 = tpu.vector_load %arg9[%get3A_984, %get3A_985] {strides = array<i32>} : memref<128x128xf32, #tpu.memory_space<vmem>>, vector<1x16xf32>,
        %get3A_987 = vector.shape_cast %get3A_986 : vector<1x16xf32> to vector<16xf32>
        %max3A_988 = arith.maximumf %get3A_980, %get3A_987 : vector<16xf32>
        %min3A_989 = arith.minimumf %get3A_980, %get3A_987 : vector<16xf32>
        %add3A_990 = arith.addf %get3A_980, %get3A_987 : vector<16xf32>
        %mul3A_991 = arith.mulf %get3A_987, %get3A_987 : vector<16xf32>
        %add3A_992 = arith.addf %mul3A_981, %mul3A_991 : vector<16xf32>
        %add3A_993 = arith.constant 2 : i32
        %add3A_994 = arith.addi %mul3A_30, %add3A_993 : i32
        %get3A_995 = arith.index_cast %add3A_994 : i32 to index
        %get3A_996 = arith.constant 80 : index
        %get3A_997 = tpu.vector_load %arg9[%get3A_995, %get3A_996] {strides = array<i32>} : memref<128x128xf32, #tpu.memory_space<vmem>>, vector<1x16xf32>,
        %get3A_998 = vector.shape_cast %get3A_997 : vector<1x16xf32> to vector<16xf32>
        %max3A_999 = arith.maximumf %max3A_988, %get3A_998 : vector<16xf32>
        %min3A_1000 = arith.minimumf %min3A_989, %get3A_998 : vector<16xf32>
        %add3A_1001 = arith.addf %add3A_990, %get3A_998 : vector<16xf32>
        %mul3A_1002 = arith.mulf %get3A_998, %get3A_998 : vector<16xf32>
        %add3A_1003 = arith.addf %add3A_992, %mul3A_1002 : vector<16xf32>
        %add3A_1004 = arith.constant 3 : i32
        %add3A_1005 = arith.addi %mul3A_30, %add3A_1004 : i32
        %get3A_1006 = arith.index_cast %add3A_1005 : i32 to index
        %get3A_1007 = arith.constant 80 : index
        %get3A_1008 = tpu.vector_load %arg9[%get3A_1006, %get3A_1007] {strides = array<i32>} : memref<128x128xf32, #tpu.memory_space<vmem>>, vector<1x16xf32>,
        %get3A_1009 = vector.shape_cast %get3A_1008 : vector<1x16xf32> to vector<16xf32>
        %max3A_1010 = arith.maximumf %max3A_999, %get3A_1009 : vector<16xf32>
        %min3A_1011 = arith.minimumf %min3A_1000, %get3A_1009 : vector<16xf32>
        %add3A_1012 = arith.addf %add3A_1001, %get3A_1009 : vector<16xf32>
        %mul3A_1013 = arith.mulf %get3A_1009, %get3A_1009 : vector<16xf32>
        %add3A_1014 = arith.addf %add3A_1003, %mul3A_1013 : vector<16xf32>
        %add3A_1015 = arith.constant 4 : i32
        %add3A_1016 = arith.addi %mul3A_30, %add3A_1015 : i32
        %get3A_1017 = arith.index_cast %add3A_1016 : i32 to index
        %get3A_1018 = arith.constant 80 : index
        %get3A_1019 = tpu.vector_load %arg9[%get3A_1017, %get3A_1018] {strides = array<i32>} : memref<128x128xf32, #tpu.memory_space<vmem>>, vector<1x16xf32>,
        %get3A_1020 = vector.shape_cast %get3A_1019 : vector<1x16xf32> to vector<16xf32>
        %max3A_1021 = arith.maximumf %max3A_1010, %get3A_1020 : vector<16xf32>
        %min3A_1022 = arith.minimumf %min3A_1011, %get3A_1020 : vector<16xf32>
        %add3A_1023 = arith.addf %add3A_1012, %get3A_1020 : vector<16xf32>
        %mul3A_1024 = arith.mulf %get3A_1020, %get3A_1020 : vector<16xf32>
        %add3A_1025 = arith.addf %add3A_1014, %mul3A_1024 : vector<16xf32>
        %add3A_1026 = arith.constant 5 : i32
        %add3A_1027 = arith.addi %mul3A_30, %add3A_1026 : i32
        %get3A_1028 = arith.index_cast %add3A_1027 : i32 to index
        %get3A_1029 = arith.constant 80 : index
        %get3A_1030 = tpu.vector_load %arg9[%get3A_1028, %get3A_1029] {strides = array<i32>} : memref<128x128xf32, #tpu.memory_space<vmem>>, vector<1x16xf32>,
        %get3A_1031 = vector.shape_cast %get3A_1030 : vector<1x16xf32> to vector<16xf32>
        %max3A_1032 = arith.maximumf %max3A_1021, %get3A_1031 : vector<16xf32>
        %min3A_1033 = arith.minimumf %min3A_1022, %get3A_1031 : vector<16xf32>
        %add3A_1034 = arith.addf %add3A_1023, %get3A_1031 : vector<16xf32>
        %mul3A_1035 = arith.mulf %get3A_1031, %get3A_1031 : vector<16xf32>
        %add3A_1036 = arith.addf %add3A_1025, %mul3A_1035 : vector<16xf32>
        %add3A_1037 = arith.constant 6 : i32
        %add3A_1038 = arith.addi %mul3A_30, %add3A_1037 : i32
        %get3A_1039 = arith.index_cast %add3A_1038 : i32 to index
        %get3A_1040 = arith.constant 80 : index
        %get3A_1041 = tpu.vector_load %arg9[%get3A_1039, %get3A_1040] {strides = array<i32>} : memref<128x128xf32, #tpu.memory_space<vmem>>, vector<1x16xf32>,
        %get3A_1042 = vector.shape_cast %get3A_1041 : vector<1x16xf32> to vector<16xf32>
        %max3A_1043 = arith.maximumf %max3A_1032, %get3A_1042 : vector<16xf32>
        %min3A_1044 = arith.minimumf %min3A_1033, %get3A_1042 : vector<16xf32>
        %add3A_1045 = arith.addf %add3A_1034, %get3A_1042 : vector<16xf32>
        %mul3A_1046 = arith.mulf %get3A_1042, %get3A_1042 : vector<16xf32>
        %add3A_1047 = arith.addf %add3A_1036, %mul3A_1046 : vector<16xf32>
        %add3A_1048 = arith.constant 7 : i32
        %add3A_1049 = arith.addi %mul3A_30, %add3A_1048 : i32
        %get3A_1050 = arith.index_cast %add3A_1049 : i32 to index
        %get3A_1051 = arith.constant 80 : index
        %get3A_1052 = tpu.vector_load %arg9[%get3A_1050, %get3A_1051] {strides = array<i32>} : memref<128x128xf32, #tpu.memory_space<vmem>>, vector<1x16xf32>,
        %get3A_1053 = vector.shape_cast %get3A_1052 : vector<1x16xf32> to vector<16xf32>
        %max3A_1054 = arith.maximumf %max3A_1043, %get3A_1053 : vector<16xf32>
        %min3A_1055 = arith.minimumf %min3A_1044, %get3A_1053 : vector<16xf32>
        %add3A_1056 = arith.addf %add3A_1045, %get3A_1053 : vector<16xf32>
        %mul3A_1057 = arith.mulf %get3A_1053, %get3A_1053 : vector<16xf32>
        %add3A_1058 = arith.addf %add3A_1047, %mul3A_1057 : vector<16xf32>
        %add3A_1059 = arith.constant 8 : i32
        %add3A_1060 = arith.addi %mul3A_30, %add3A_1059 : i32
        %get3A_1061 = arith.index_cast %add3A_1060 : i32 to index
        %get3A_1062 = arith.constant 80 : index
        %get3A_1063 = tpu.vector_load %arg9[%get3A_1061, %get3A_1062] {strides = array<i32>} : memref<128x128xf32, #tpu.memory_space<vmem>>, vector<1x16xf32>,
        %get3A_1064 = vector.shape_cast %get3A_1063 : vector<1x16xf32> to vector<16xf32>
        %max3A_1065 = arith.maximumf %max3A_1054, %get3A_1064 : vector<16xf32>
        %min3A_1066 = arith.minimumf %min3A_1055, %get3A_1064 : vector<16xf32>
        %add3A_1067 = arith.addf %add3A_1056, %get3A_1064 : vector<16xf32>
        %mul3A_1068 = arith.mulf %get3A_1064, %get3A_1064 : vector<16xf32>
        %add3A_1069 = arith.addf %add3A_1058, %mul3A_1068 : vector<16xf32>
        %add3A_1070 = arith.constant 9 : i32
        %add3A_1071 = arith.addi %mul3A_30, %add3A_1070 : i32
        %get3A_1072 = arith.index_cast %add3A_1071 : i32 to index
        %get3A_1073 = arith.constant 80 : index
        %get3A_1074 = tpu.vector_load %arg9[%get3A_1072, %get3A_1073] {strides = array<i32>} : memref<128x128xf32, #tpu.memory_space<vmem>>, vector<1x16xf32>,
        %get3A_1075 = vector.shape_cast %get3A_1074 : vector<1x16xf32> to vector<16xf32>
        %max3A_1076 = arith.maximumf %max3A_1065, %get3A_1075 : vector<16xf32>
        %min3A_1077 = arith.minimumf %min3A_1066, %get3A_1075 : vector<16xf32>
        %add3A_1078 = arith.addf %add3A_1067, %get3A_1075 : vector<16xf32>
        %mul3A_1079 = arith.mulf %get3A_1075, %get3A_1075 : vector<16xf32>
        %add3A_1080 = arith.addf %add3A_1069, %mul3A_1079 : vector<16xf32>
        %add3A_1081 = arith.constant 10 : i32
        %add3A_1082 = arith.addi %mul3A_30, %add3A_1081 : i32
        %get3A_1083 = arith.index_cast %add3A_1082 : i32 to index
        %get3A_1084 = arith.constant 80 : index
        %get3A_1085 = tpu.vector_load %arg9[%get3A_1083, %get3A_1084] {strides = array<i32>} : memref<128x128xf32, #tpu.memory_space<vmem>>, vector<1x16xf32>,
        %get3A_1086 = vector.shape_cast %get3A_1085 : vector<1x16xf32> to vector<16xf32>
        %max3A_1087 = arith.maximumf %max3A_1076, %get3A_1086 : vector<16xf32>
        %min3A_1088 = arith.minimumf %min3A_1077, %get3A_1086 : vector<16xf32>
        %add3A_1089 = arith.addf %add3A_1078, %get3A_1086 : vector<16xf32>
        %mul3A_1090 = arith.mulf %get3A_1086, %get3A_1086 : vector<16xf32>
        %add3A_1091 = arith.addf %add3A_1080, %mul3A_1090 : vector<16xf32>
        %add3A_1092 = arith.constant 11 : i32
        %add3A_1093 = arith.addi %mul3A_30, %add3A_1092 : i32
        %get3A_1094 = arith.index_cast %add3A_1093 : i32 to index
        %get3A_1095 = arith.constant 80 : index
        %get3A_1096 = tpu.vector_load %arg9[%get3A_1094, %get3A_1095] {strides = array<i32>} : memref<128x128xf32, #tpu.memory_space<vmem>>, vector<1x16xf32>,
        %get3A_1097 = vector.shape_cast %get3A_1096 : vector<1x16xf32> to vector<16xf32>
        %max3A_1098 = arith.maximumf %max3A_1087, %get3A_1097 : vector<16xf32>
        %min3A_1099 = arith.minimumf %min3A_1088, %get3A_1097 : vector<16xf32>
        %add3A_1100 = arith.addf %add3A_1089, %get3A_1097 : vector<16xf32>
        %mul3A_1101 = arith.mulf %get3A_1097, %get3A_1097 : vector<16xf32>
        %add3A_1102 = arith.addf %add3A_1091, %mul3A_1101 : vector<16xf32>
        %add3A_1103 = arith.constant 12 : i32
        %add3A_1104 = arith.addi %mul3A_30, %add3A_1103 : i32
        %get3A_1105 = arith.index_cast %add3A_1104 : i32 to index
        %get3A_1106 = arith.constant 80 : index
        %get3A_1107 = tpu.vector_load %arg9[%get3A_1105, %get3A_1106] {strides = array<i32>} : memref<128x128xf32, #tpu.memory_space<vmem>>, vector<1x16xf32>,
        %get3A_1108 = vector.shape_cast %get3A_1107 : vector<1x16xf32> to vector<16xf32>
        %max3A_1109 = arith.maximumf %max3A_1098, %get3A_1108 : vector<16xf32>
        %min3A_1110 = arith.minimumf %min3A_1099, %get3A_1108 : vector<16xf32>
        %add3A_1111 = arith.addf %add3A_1100, %get3A_1108 : vector<16xf32>
        %mul3A_1112 = arith.mulf %get3A_1108, %get3A_1108 : vector<16xf32>
        %add3A_1113 = arith.addf %add3A_1102, %mul3A_1112 : vector<16xf32>
        %add3A_1114 = arith.constant 13 : i32
        %add3A_1115 = arith.addi %mul3A_30, %add3A_1114 : i32
        %get3A_1116 = arith.index_cast %add3A_1115 : i32 to index
        %get3A_1117 = arith.constant 80 : index
        %get3A_1118 = tpu.vector_load %arg9[%get3A_1116, %get3A_1117] {strides = array<i32>} : memref<128x128xf32, #tpu.memory_space<vmem>>, vector<1x16xf32>,
        %get3A_1119 = vector.shape_cast %get3A_1118 : vector<1x16xf32> to vector<16xf32>
        %max3A_1120 = arith.maximumf %max3A_1109, %get3A_1119 : vector<16xf32>
        %min3A_1121 = arith.minimumf %min3A_1110, %get3A_1119 : vector<16xf32>
        %add3A_1122 = arith.addf %add3A_1111, %get3A_1119 : vector<16xf32>
        %mul3A_1123 = arith.mulf %get3A_1119, %get3A_1119 : vector<16xf32>
        %add3A_1124 = arith.addf %add3A_1113, %mul3A_1123 : vector<16xf32>
        %add3A_1125 = arith.constant 14 : i32
        %add3A_1126 = arith.addi %mul3A_30, %add3A_1125 : i32
        %get3A_1127 = arith.index_cast %add3A_1126 : i32 to index
        %get3A_1128 = arith.constant 80 : index
        %get3A_1129 = tpu.vector_load %arg9[%get3A_1127, %get3A_1128] {strides = array<i32>} : memref<128x128xf32, #tpu.memory_space<vmem>>, vector<1x16xf32>,
        %get3A_1130 = vector.shape_cast %get3A_1129 : vector<1x16xf32> to vector<16xf32>
        %max3A_1131 = arith.maximumf %max3A_1120, %get3A_1130 : vector<16xf32>
        %min3A_1132 = arith.minimumf %min3A_1121, %get3A_1130 : vector<16xf32>
        %add3A_1133 = arith.addf %add3A_1122, %get3A_1130 : vector<16xf32>
        %mul3A_1134 = arith.mulf %get3A_1130, %get3A_1130 : vector<16xf32>
        %add3A_1135 = arith.addf %add3A_1124, %mul3A_1134 : vector<16xf32>
        %add3A_1136 = arith.constant 15 : i32
        %add3A_1137 = arith.addi %mul3A_30, %add3A_1136 : i32
        %get3A_1138 = arith.index_cast %add3A_1137 : i32 to index
        %get3A_1139 = arith.constant 80 : index
        %get3A_1140 = tpu.vector_load %arg9[%get3A_1138, %get3A_1139] {strides = array<i32>} : memref<128x128xf32, #tpu.memory_space<vmem>>, vector<1x16xf32>,
        %get3A_1141 = vector.shape_cast %get3A_1140 : vector<1x16xf32> to vector<16xf32>
        %max3A_1142 = arith.maximumf %max3A_1131, %get3A_1141 : vector<16xf32>
        %min3A_1143 = arith.minimumf %min3A_1132, %get3A_1141 : vector<16xf32>
        %add3A_1144 = arith.addf %add3A_1133, %get3A_1141 : vector<16xf32>
        %mul3A_1145 = arith.mulf %get3A_1141, %get3A_1141 : vector<16xf32>
        %add3A_1146 = arith.addf %add3A_1135, %mul3A_1145 : vector<16xf32>
        %swap3A_1147 = arith.index_cast %scan3A_28 : i32 to index
        %swap3A_1148 = arith.constant 80 : index
        %swap3A_1149 = tpu.vector_load %arg10[%swap3A_1147, %swap3A_1148] {strides = array<i32>} : memref<8x128xf32, #tpu.memory_space<vmem>>, vector<1x16xf32>,
        %swap3A_1150 = vector.shape_cast %swap3A_1149 : vector<1x16xf32> to vector<16xf32>
        %swap3A_1151 = vector.shape_cast %max3A_1142 : vector<16xf32> to vector<1x16xf32>
        tpu.vector_store %arg10[%swap3A_1147, %swap3A_1148], %swap3A_1151 {strides = array<i32>} : memref<8x128xf32, #tpu.memory_space<vmem>>, vector<1x16xf32>,
        %swap3A_1152 = arith.index_cast %scan3A_28 : i32 to index
        %swap3A_1153 = arith.constant 80 : index
        %swap3A_1154 = tpu.vector_load %arg11[%swap3A_1152, %swap3A_1153] {strides = array<i32>} : memref<8x128xf32, #tpu.memory_space<vmem>>, vector<1x16xf32>,
        %swap3A_1155 = vector.shape_cast %swap3A_1154 : vector<1x16xf32> to vector<16xf32>
        %swap3A_1156 = vector.shape_cast %min3A_1143 : vector<16xf32> to vector<1x16xf32>
        tpu.vector_store %arg11[%swap3A_1152, %swap3A_1153], %swap3A_1156 {strides = array<i32>} : memref<8x128xf32, #tpu.memory_space<vmem>>, vector<1x16xf32>,
        %swap3A_1157 = arith.index_cast %scan3A_28 : i32 to index
        %swap3A_1158 = arith.constant 80 : index
        %swap3A_1159 = tpu.vector_load %arg12[%swap3A_1157, %swap3A_1158] {strides = array<i32>} : memref<8x128xf32, #tpu.memory_space<vmem>>, vector<1x16xf32>,
        %swap3A_1160 = vector.shape_cast %swap3A_1159 : vector<1x16xf32> to vector<16xf32>
        %swap3A_1161 = vector.shape_cast %add3A_1144 : vector<16xf32> to vector<1x16xf32>
        tpu.vector_store %arg12[%swap3A_1157, %swap3A_1158], %swap3A_1161 {strides = array<i32>} : memref<8x128xf32, #tpu.memory_space<vmem>>, vector<1x16xf32>,
        %swap3A_1162 = arith.index_cast %scan3A_28 : i32 to index
        %swap3A_1163 = arith.constant 80 : index
        %swap3A_1164 = tpu.vector_load %arg13[%swap3A_1162, %swap3A_1163] {strides = array<i32>} : memref<8x128xf32, #tpu.memory_space<vmem>>, vector<1x16xf32>,
        %swap3A_1165 = vector.shape_cast %swap3A_1164 : vector<1x16xf32> to vector<16xf32>
        %swap3A_1166 = vector.shape_cast %add3A_1146 : vector<16xf32> to vector<1x16xf32>
        tpu.vector_store %arg13[%swap3A_1162, %swap3A_1163], %swap3A_1166 {strides = array<i32>} : memref<8x128xf32, #tpu.memory_space<vmem>>, vector<1x16xf32>,
        %get3A_1167 = arith.index_cast %mul3A_30 : i32 to index
        %get3A_1168 = arith.constant 96 : index
        %get3A_1169 = tpu.vector_load %arg9[%get3A_1167, %get3A_1168] {strides = array<i32>} : memref<128x128xf32, #tpu.memory_space<vmem>>, vector<1x16xf32>,
        %get3A_1170 = vector.shape_cast %get3A_1169 : vector<1x16xf32> to vector<16xf32>
        %mul3A_1171 = arith.mulf %get3A_1170, %get3A_1170 : vector<16xf32>
        %add3A_1172 = arith.constant 1 : i32
        %add3A_1173 = arith.addi %mul3A_30, %add3A_1172 : i32
        %get3A_1174 = arith.index_cast %add3A_1173 : i32 to index
        %get3A_1175 = arith.constant 96 : index
        %get3A_1176 = tpu.vector_load %arg9[%get3A_1174, %get3A_1175] {strides = array<i32>} : memref<128x128xf32, #tpu.memory_space<vmem>>, vector<1x16xf32>,
        %get3A_1177 = vector.shape_cast %get3A_1176 : vector<1x16xf32> to vector<16xf32>
        %max3A_1178 = arith.maximumf %get3A_1170, %get3A_1177 : vector<16xf32>
        %min3A_1179 = arith.minimumf %get3A_1170, %get3A_1177 : vector<16xf32>
        %add3A_1180 = arith.addf %get3A_1170, %get3A_1177 : vector<16xf32>
        %mul3A_1181 = arith.mulf %get3A_1177, %get3A_1177 : vector<16xf32>
        %add3A_1182 = arith.addf %mul3A_1171, %mul3A_1181 : vector<16xf32>
        %add3A_1183 = arith.constant 2 : i32
        %add3A_1184 = arith.addi %mul3A_30, %add3A_1183 : i32
        %get3A_1185 = arith.index_cast %add3A_1184 : i32 to index
        %get3A_1186 = arith.constant 96 : index
        %get3A_1187 = tpu.vector_load %arg9[%get3A_1185, %get3A_1186] {strides = array<i32>} : memref<128x128xf32, #tpu.memory_space<vmem>>, vector<1x16xf32>,
        %get3A_1188 = vector.shape_cast %get3A_1187 : vector<1x16xf32> to vector<16xf32>
        %max3A_1189 = arith.maximumf %max3A_1178, %get3A_1188 : vector<16xf32>
        %min3A_1190 = arith.minimumf %min3A_1179, %get3A_1188 : vector<16xf32>
        %add3A_1191 = arith.addf %add3A_1180, %get3A_1188 : vector<16xf32>
        %mul3A_1192 = arith.mulf %get3A_1188, %get3A_1188 : vector<16xf32>
        %add3A_1193 = arith.addf %add3A_1182, %mul3A_1192 : vector<16xf32>
        %add3A_1194 = arith.constant 3 : i32
        %add3A_1195 = arith.addi %mul3A_30, %add3A_1194 : i32
        %get3A_1196 = arith.index_cast %add3A_1195 : i32 to index
        %get3A_1197 = arith.constant 96 : index
        %get3A_1198 = tpu.vector_load %arg9[%get3A_1196, %get3A_1197] {strides = array<i32>} : memref<128x128xf32, #tpu.memory_space<vmem>>, vector<1x16xf32>,
        %get3A_1199 = vector.shape_cast %get3A_1198 : vector<1x16xf32> to vector<16xf32>
        %max3A_1200 = arith.maximumf %max3A_1189, %get3A_1199 : vector<16xf32>
        %min3A_1201 = arith.minimumf %min3A_1190, %get3A_1199 : vector<16xf32>
        %add3A_1202 = arith.addf %add3A_1191, %get3A_1199 : vector<16xf32>
        %mul3A_1203 = arith.mulf %get3A_1199, %get3A_1199 : vector<16xf32>
        %add3A_1204 = arith.addf %add3A_1193, %mul3A_1203 : vector<16xf32>
        %add3A_1205 = arith.constant 4 : i32
        %add3A_1206 = arith.addi %mul3A_30, %add3A_1205 : i32
        %get3A_1207 = arith.index_cast %add3A_1206 : i32 to index
        %get3A_1208 = arith.constant 96 : index
        %get3A_1209 = tpu.vector_load %arg9[%get3A_1207, %get3A_1208] {strides = array<i32>} : memref<128x128xf32, #tpu.memory_space<vmem>>, vector<1x16xf32>,
        %get3A_1210 = vector.shape_cast %get3A_1209 : vector<1x16xf32> to vector<16xf32>
        %max3A_1211 = arith.maximumf %max3A_1200, %get3A_1210 : vector<16xf32>
        %min3A_1212 = arith.minimumf %min3A_1201, %get3A_1210 : vector<16xf32>
        %add3A_1213 = arith.addf %add3A_1202, %get3A_1210 : vector<16xf32>
        %mul3A_1214 = arith.mulf %get3A_1210, %get3A_1210 : vector<16xf32>
        %add3A_1215 = arith.addf %add3A_1204, %mul3A_1214 : vector<16xf32>
        %add3A_1216 = arith.constant 5 : i32
        %add3A_1217 = arith.addi %mul3A_30, %add3A_1216 : i32
        %get3A_1218 = arith.index_cast %add3A_1217 : i32 to index
        %get3A_1219 = arith.constant 96 : index
        %get3A_1220 = tpu.vector_load %arg9[%get3A_1218, %get3A_1219] {strides = array<i32>} : memref<128x128xf32, #tpu.memory_space<vmem>>, vector<1x16xf32>,
        %get3A_1221 = vector.shape_cast %get3A_1220 : vector<1x16xf32> to vector<16xf32>
        %max3A_1222 = arith.maximumf %max3A_1211, %get3A_1221 : vector<16xf32>
        %min3A_1223 = arith.minimumf %min3A_1212, %get3A_1221 : vector<16xf32>
        %add3A_1224 = arith.addf %add3A_1213, %get3A_1221 : vector<16xf32>
        %mul3A_1225 = arith.mulf %get3A_1221, %get3A_1221 : vector<16xf32>
        %add3A_1226 = arith.addf %add3A_1215, %mul3A_1225 : vector<16xf32>
        %add3A_1227 = arith.constant 6 : i32
        %add3A_1228 = arith.addi %mul3A_30, %add3A_1227 : i32
        %get3A_1229 = arith.index_cast %add3A_1228 : i32 to index
        %get3A_1230 = arith.constant 96 : index
        %get3A_1231 = tpu.vector_load %arg9[%get3A_1229, %get3A_1230] {strides = array<i32>} : memref<128x128xf32, #tpu.memory_space<vmem>>, vector<1x16xf32>,
        %get3A_1232 = vector.shape_cast %get3A_1231 : vector<1x16xf32> to vector<16xf32>
        %max3A_1233 = arith.maximumf %max3A_1222, %get3A_1232 : vector<16xf32>
        %min3A_1234 = arith.minimumf %min3A_1223, %get3A_1232 : vector<16xf32>
        %add3A_1235 = arith.addf %add3A_1224, %get3A_1232 : vector<16xf32>
        %mul3A_1236 = arith.mulf %get3A_1232, %get3A_1232 : vector<16xf32>
        %add3A_1237 = arith.addf %add3A_1226, %mul3A_1236 : vector<16xf32>
        %add3A_1238 = arith.constant 7 : i32
        %add3A_1239 = arith.addi %mul3A_30, %add3A_1238 : i32
        %get3A_1240 = arith.index_cast %add3A_1239 : i32 to index
        %get3A_1241 = arith.constant 96 : index
        %get3A_1242 = tpu.vector_load %arg9[%get3A_1240, %get3A_1241] {strides = array<i32>} : memref<128x128xf32, #tpu.memory_space<vmem>>, vector<1x16xf32>,
        %get3A_1243 = vector.shape_cast %get3A_1242 : vector<1x16xf32> to vector<16xf32>
        %max3A_1244 = arith.maximumf %max3A_1233, %get3A_1243 : vector<16xf32>
        %min3A_1245 = arith.minimumf %min3A_1234, %get3A_1243 : vector<16xf32>
        %add3A_1246 = arith.addf %add3A_1235, %get3A_1243 : vector<16xf32>
        %mul3A_1247 = arith.mulf %get3A_1243, %get3A_1243 : vector<16xf32>
        %add3A_1248 = arith.addf %add3A_1237, %mul3A_1247 : vector<16xf32>
        %add3A_1249 = arith.constant 8 : i32
        %add3A_1250 = arith.addi %mul3A_30, %add3A_1249 : i32
        %get3A_1251 = arith.index_cast %add3A_1250 : i32 to index
        %get3A_1252 = arith.constant 96 : index
        %get3A_1253 = tpu.vector_load %arg9[%get3A_1251, %get3A_1252] {strides = array<i32>} : memref<128x128xf32, #tpu.memory_space<vmem>>, vector<1x16xf32>,
        %get3A_1254 = vector.shape_cast %get3A_1253 : vector<1x16xf32> to vector<16xf32>
        %max3A_1255 = arith.maximumf %max3A_1244, %get3A_1254 : vector<16xf32>
        %min3A_1256 = arith.minimumf %min3A_1245, %get3A_1254 : vector<16xf32>
        %add3A_1257 = arith.addf %add3A_1246, %get3A_1254 : vector<16xf32>
        %mul3A_1258 = arith.mulf %get3A_1254, %get3A_1254 : vector<16xf32>
        %add3A_1259 = arith.addf %add3A_1248, %mul3A_1258 : vector<16xf32>
        %add3A_1260 = arith.constant 9 : i32
        %add3A_1261 = arith.addi %mul3A_30, %add3A_1260 : i32
        %get3A_1262 = arith.index_cast %add3A_1261 : i32 to index
        %get3A_1263 = arith.constant 96 : index
        %get3A_1264 = tpu.vector_load %arg9[%get3A_1262, %get3A_1263] {strides = array<i32>} : memref<128x128xf32, #tpu.memory_space<vmem>>, vector<1x16xf32>,
        %get3A_1265 = vector.shape_cast %get3A_1264 : vector<1x16xf32> to vector<16xf32>
        %max3A_1266 = arith.maximumf %max3A_1255, %get3A_1265 : vector<16xf32>
        %min3A_1267 = arith.minimumf %min3A_1256, %get3A_1265 : vector<16xf32>
        %add3A_1268 = arith.addf %add3A_1257, %get3A_1265 : vector<16xf32>
        %mul3A_1269 = arith.mulf %get3A_1265, %get3A_1265 : vector<16xf32>
        %add3A_1270 = arith.addf %add3A_1259, %mul3A_1269 : vector<16xf32>
        %add3A_1271 = arith.constant 10 : i32
        %add3A_1272 = arith.addi %mul3A_30, %add3A_1271 : i32
        %get3A_1273 = arith.index_cast %add3A_1272 : i32 to index
        %get3A_1274 = arith.constant 96 : index
        %get3A_1275 = tpu.vector_load %arg9[%get3A_1273, %get3A_1274] {strides = array<i32>} : memref<128x128xf32, #tpu.memory_space<vmem>>, vector<1x16xf32>,
        %get3A_1276 = vector.shape_cast %get3A_1275 : vector<1x16xf32> to vector<16xf32>
        %max3A_1277 = arith.maximumf %max3A_1266, %get3A_1276 : vector<16xf32>
        %min3A_1278 = arith.minimumf %min3A_1267, %get3A_1276 : vector<16xf32>
        %add3A_1279 = arith.addf %add3A_1268, %get3A_1276 : vector<16xf32>
        %mul3A_1280 = arith.mulf %get3A_1276, %get3A_1276 : vector<16xf32>
        %add3A_1281 = arith.addf %add3A_1270, %mul3A_1280 : vector<16xf32>
        %add3A_1282 = arith.constant 11 : i32
        %add3A_1283 = arith.addi %mul3A_30, %add3A_1282 : i32
        %get3A_1284 = arith.index_cast %add3A_1283 : i32 to index
        %get3A_1285 = arith.constant 96 : index
        %get3A_1286 = tpu.vector_load %arg9[%get3A_1284, %get3A_1285] {strides = array<i32>} : memref<128x128xf32, #tpu.memory_space<vmem>>, vector<1x16xf32>,
        %get3A_1287 = vector.shape_cast %get3A_1286 : vector<1x16xf32> to vector<16xf32>
        %max3A_1288 = arith.maximumf %max3A_1277, %get3A_1287 : vector<16xf32>
        %min3A_1289 = arith.minimumf %min3A_1278, %get3A_1287 : vector<16xf32>
        %add3A_1290 = arith.addf %add3A_1279, %get3A_1287 : vector<16xf32>
        %mul3A_1291 = arith.mulf %get3A_1287, %get3A_1287 : vector<16xf32>
        %add3A_1292 = arith.addf %add3A_1281, %mul3A_1291 : vector<16xf32>
        %add3A_1293 = arith.constant 12 : i32
        %add3A_1294 = arith.addi %mul3A_30, %add3A_1293 : i32
        %get3A_1295 = arith.index_cast %add3A_1294 : i32 to index
        %get3A_1296 = arith.constant 96 : index
        %get3A_1297 = tpu.vector_load %arg9[%get3A_1295, %get3A_1296] {strides = array<i32>} : memref<128x128xf32, #tpu.memory_space<vmem>>, vector<1x16xf32>,
        %get3A_1298 = vector.shape_cast %get3A_1297 : vector<1x16xf32> to vector<16xf32>
        %max3A_1299 = arith.maximumf %max3A_1288, %get3A_1298 : vector<16xf32>
        %min3A_1300 = arith.minimumf %min3A_1289, %get3A_1298 : vector<16xf32>
        %add3A_1301 = arith.addf %add3A_1290, %get3A_1298 : vector<16xf32>
        %mul3A_1302 = arith.mulf %get3A_1298, %get3A_1298 : vector<16xf32>
        %add3A_1303 = arith.addf %add3A_1292, %mul3A_1302 : vector<16xf32>
        %add3A_1304 = arith.constant 13 : i32
        %add3A_1305 = arith.addi %mul3A_30, %add3A_1304 : i32
        %get3A_1306 = arith.index_cast %add3A_1305 : i32 to index
        %get3A_1307 = arith.constant 96 : index
        %get3A_1308 = tpu.vector_load %arg9[%get3A_1306, %get3A_1307] {strides = array<i32>} : memref<128x128xf32, #tpu.memory_space<vmem>>, vector<1x16xf32>,
        %get3A_1309 = vector.shape_cast %get3A_1308 : vector<1x16xf32> to vector<16xf32>
        %max3A_1310 = arith.maximumf %max3A_1299, %get3A_1309 : vector<16xf32>
        %min3A_1311 = arith.minimumf %min3A_1300, %get3A_1309 : vector<16xf32>
        %add3A_1312 = arith.addf %add3A_1301, %get3A_1309 : vector<16xf32>
        %mul3A_1313 = arith.mulf %get3A_1309, %get3A_1309 : vector<16xf32>
        %add3A_1314 = arith.addf %add3A_1303, %mul3A_1313 : vector<16xf32>
        %add3A_1315 = arith.constant 14 : i32
        %add3A_1316 = arith.addi %mul3A_30, %add3A_1315 : i32
        %get3A_1317 = arith.index_cast %add3A_1316 : i32 to index
        %get3A_1318 = arith.constant 96 : index
        %get3A_1319 = tpu.vector_load %arg9[%get3A_1317, %get3A_1318] {strides = array<i32>} : memref<128x128xf32, #tpu.memory_space<vmem>>, vector<1x16xf32>,
        %get3A_1320 = vector.shape_cast %get3A_1319 : vector<1x16xf32> to vector<16xf32>
        %max3A_1321 = arith.maximumf %max3A_1310, %get3A_1320 : vector<16xf32>
        %min3A_1322 = arith.minimumf %min3A_1311, %get3A_1320 : vector<16xf32>
        %add3A_1323 = arith.addf %add3A_1312, %get3A_1320 : vector<16xf32>
        %mul3A_1324 = arith.mulf %get3A_1320, %get3A_1320 : vector<16xf32>
        %add3A_1325 = arith.addf %add3A_1314, %mul3A_1324 : vector<16xf32>
        %add3A_1326 = arith.constant 15 : i32
        %add3A_1327 = arith.addi %mul3A_30, %add3A_1326 : i32
        %get3A_1328 = arith.index_cast %add3A_1327 : i32 to index
        %get3A_1329 = arith.constant 96 : index
        %get3A_1330 = tpu.vector_load %arg9[%get3A_1328, %get3A_1329] {strides = array<i32>} : memref<128x128xf32, #tpu.memory_space<vmem>>, vector<1x16xf32>,
        %get3A_1331 = vector.shape_cast %get3A_1330 : vector<1x16xf32> to vector<16xf32>
        %max3A_1332 = arith.maximumf %max3A_1321, %get3A_1331 : vector<16xf32>
        %min3A_1333 = arith.minimumf %min3A_1322, %get3A_1331 : vector<16xf32>
        %add3A_1334 = arith.addf %add3A_1323, %get3A_1331 : vector<16xf32>
        %mul3A_1335 = arith.mulf %get3A_1331, %get3A_1331 : vector<16xf32>
        %add3A_1336 = arith.addf %add3A_1325, %mul3A_1335 : vector<16xf32>
        %swap3A_1337 = arith.index_cast %scan3A_28 : i32 to index
        %swap3A_1338 = arith.constant 96 : index
        %swap3A_1339 = tpu.vector_load %arg10[%swap3A_1337, %swap3A_1338] {strides = array<i32>} : memref<8x128xf32, #tpu.memory_space<vmem>>, vector<1x16xf32>,
        %swap3A_1340 = vector.shape_cast %swap3A_1339 : vector<1x16xf32> to vector<16xf32>
        %swap3A_1341 = vector.shape_cast %max3A_1332 : vector<16xf32> to vector<1x16xf32>
        tpu.vector_store %arg10[%swap3A_1337, %swap3A_1338], %swap3A_1341 {strides = array<i32>} : memref<8x128xf32, #tpu.memory_space<vmem>>, vector<1x16xf32>,
        %swap3A_1342 = arith.index_cast %scan3A_28 : i32 to index
        %swap3A_1343 = arith.constant 96 : index
        %swap3A_1344 = tpu.vector_load %arg11[%swap3A_1342, %swap3A_1343] {strides = array<i32>} : memref<8x128xf32, #tpu.memory_space<vmem>>, vector<1x16xf32>,
        %swap3A_1345 = vector.shape_cast %swap3A_1344 : vector<1x16xf32> to vector<16xf32>
        %swap3A_1346 = vector.shape_cast %min3A_1333 : vector<16xf32> to vector<1x16xf32>
        tpu.vector_store %arg11[%swap3A_1342, %swap3A_1343], %swap3A_1346 {strides = array<i32>} : memref<8x128xf32, #tpu.memory_space<vmem>>, vector<1x16xf32>,
        %swap3A_1347 = arith.index_cast %scan3A_28 : i32 to index
        %swap3A_1348 = arith.constant 96 : index
        %swap3A_1349 = tpu.vector_load %arg12[%swap3A_1347, %swap3A_1348] {strides = array<i32>} : memref<8x128xf32, #tpu.memory_space<vmem>>, vector<1x16xf32>,
        %swap3A_1350 = vector.shape_cast %swap3A_1349 : vector<1x16xf32> to vector<16xf32>
        %swap3A_1351 = vector.shape_cast %add3A_1334 : vector<16xf32> to vector<1x16xf32>
        tpu.vector_store %arg12[%swap3A_1347, %swap3A_1348], %swap3A_1351 {strides = array<i32>} : memref<8x128xf32, #tpu.memory_space<vmem>>, vector<1x16xf32>,
        %swap3A_1352 = arith.index_cast %scan3A_28 : i32 to index
        %swap3A_1353 = arith.constant 96 : index
        %swap3A_1354 = tpu.vector_load %arg13[%swap3A_1352, %swap3A_1353] {strides = array<i32>} : memref<8x128xf32, #tpu.memory_space<vmem>>, vector<1x16xf32>,
        %swap3A_1355 = vector.shape_cast %swap3A_1354 : vector<1x16xf32> to vector<16xf32>
        %swap3A_1356 = vector.shape_cast %add3A_1336 : vector<16xf32> to vector<1x16xf32>
        tpu.vector_store %arg13[%swap3A_1352, %swap3A_1353], %swap3A_1356 {strides = array<i32>} : memref<8x128xf32, #tpu.memory_space<vmem>>, vector<1x16xf32>,
        %get3A_1357 = arith.index_cast %mul3A_30 : i32 to index
        %get3A_1358 = arith.constant 112 : index
        %get3A_1359 = tpu.vector_load %arg9[%get3A_1357, %get3A_1358] {strides = array<i32>} : memref<128x128xf32, #tpu.memory_space<vmem>>, vector<1x16xf32>,
        %get3A_1360 = vector.shape_cast %get3A_1359 : vector<1x16xf32> to vector<16xf32>
        %mul3A_1361 = arith.mulf %get3A_1360, %get3A_1360 : vector<16xf32>
        %add3A_1362 = arith.constant 1 : i32
        %add3A_1363 = arith.addi %mul3A_30, %add3A_1362 : i32
        %get3A_1364 = arith.index_cast %add3A_1363 : i32 to index
        %get3A_1365 = arith.constant 112 : index
        %get3A_1366 = tpu.vector_load %arg9[%get3A_1364, %get3A_1365] {strides = array<i32>} : memref<128x128xf32, #tpu.memory_space<vmem>>, vector<1x16xf32>,
        %get3A_1367 = vector.shape_cast %get3A_1366 : vector<1x16xf32> to vector<16xf32>
        %max3A_1368 = arith.maximumf %get3A_1360, %get3A_1367 : vector<16xf32>
        %min3A_1369 = arith.minimumf %get3A_1360, %get3A_1367 : vector<16xf32>
        %add3A_1370 = arith.addf %get3A_1360, %get3A_1367 : vector<16xf32>
        %mul3A_1371 = arith.mulf %get3A_1367, %get3A_1367 : vector<16xf32>
        %add3A_1372 = arith.addf %mul3A_1361, %mul3A_1371 : vector<16xf32>
        %add3A_1373 = arith.constant 2 : i32
        %add3A_1374 = arith.addi %mul3A_30, %add3A_1373 : i32
        %get3A_1375 = arith.index_cast %add3A_1374 : i32 to index
        %get3A_1376 = arith.constant 112 : index
        %get3A_1377 = tpu.vector_load %arg9[%get3A_1375, %get3A_1376] {strides = array<i32>} : memref<128x128xf32, #tpu.memory_space<vmem>>, vector<1x16xf32>,
        %get3A_1378 = vector.shape_cast %get3A_1377 : vector<1x16xf32> to vector<16xf32>
        %max3A_1379 = arith.maximumf %max3A_1368, %get3A_1378 : vector<16xf32>
        %min3A_1380 = arith.minimumf %min3A_1369, %get3A_1378 : vector<16xf32>
        %add3A_1381 = arith.addf %add3A_1370, %get3A_1378 : vector<16xf32>
        %mul3A_1382 = arith.mulf %get3A_1378, %get3A_1378 : vector<16xf32>
        %add3A_1383 = arith.addf %add3A_1372, %mul3A_1382 : vector<16xf32>
        %add3A_1384 = arith.constant 3 : i32
        %add3A_1385 = arith.addi %mul3A_30, %add3A_1384 : i32
        %get3A_1386 = arith.index_cast %add3A_1385 : i32 to index
        %get3A_1387 = arith.constant 112 : index
        %get3A_1388 = tpu.vector_load %arg9[%get3A_1386, %get3A_1387] {strides = array<i32>} : memref<128x128xf32, #tpu.memory_space<vmem>>, vector<1x16xf32>,
        %get3A_1389 = vector.shape_cast %get3A_1388 : vector<1x16xf32> to vector<16xf32>
        %max3A_1390 = arith.maximumf %max3A_1379, %get3A_1389 : vector<16xf32>
        %min3A_1391 = arith.minimumf %min3A_1380, %get3A_1389 : vector<16xf32>
        %add3A_1392 = arith.addf %add3A_1381, %get3A_1389 : vector<16xf32>
        %mul3A_1393 = arith.mulf %get3A_1389, %get3A_1389 : vector<16xf32>
        %add3A_1394 = arith.addf %add3A_1383, %mul3A_1393 : vector<16xf32>
        %add3A_1395 = arith.constant 4 : i32
        %add3A_1396 = arith.addi %mul3A_30, %add3A_1395 : i32
        %get3A_1397 = arith.index_cast %add3A_1396 : i32 to index
        %get3A_1398 = arith.constant 112 : index
        %get3A_1399 = tpu.vector_load %arg9[%get3A_1397, %get3A_1398] {strides = array<i32>} : memref<128x128xf32, #tpu.memory_space<vmem>>, vector<1x16xf32>,
        %get3A_1400 = vector.shape_cast %get3A_1399 : vector<1x16xf32> to vector<16xf32>
        %max3A_1401 = arith.maximumf %max3A_1390, %get3A_1400 : vector<16xf32>
        %min3A_1402 = arith.minimumf %min3A_1391, %get3A_1400 : vector<16xf32>
        %add3A_1403 = arith.addf %add3A_1392, %get3A_1400 : vector<16xf32>
        %mul3A_1404 = arith.mulf %get3A_1400, %get3A_1400 : vector<16xf32>
        %add3A_1405 = arith.addf %add3A_1394, %mul3A_1404 : vector<16xf32>
        %add3A_1406 = arith.constant 5 : i32
        %add3A_1407 = arith.addi %mul3A_30, %add3A_1406 : i32
        %get3A_1408 = arith.index_cast %add3A_1407 : i32 to index
        %get3A_1409 = arith.constant 112 : index
        %get3A_1410 = tpu.vector_load %arg9[%get3A_1408, %get3A_1409] {strides = array<i32>} : memref<128x128xf32, #tpu.memory_space<vmem>>, vector<1x16xf32>,
        %get3A_1411 = vector.shape_cast %get3A_1410 : vector<1x16xf32> to vector<16xf32>
        %max3A_1412 = arith.maximumf %max3A_1401, %get3A_1411 : vector<16xf32>
        %min3A_1413 = arith.minimumf %min3A_1402, %get3A_1411 : vector<16xf32>
        %add3A_1414 = arith.addf %add3A_1403, %get3A_1411 : vector<16xf32>
        %mul3A_1415 = arith.mulf %get3A_1411, %get3A_1411 : vector<16xf32>
        %add3A_1416 = arith.addf %add3A_1405, %mul3A_1415 : vector<16xf32>
        %add3A_1417 = arith.constant 6 : i32
        %add3A_1418 = arith.addi %mul3A_30, %add3A_1417 : i32
        %get3A_1419 = arith.index_cast %add3A_1418 : i32 to index
        %get3A_1420 = arith.constant 112 : index
        %get3A_1421 = tpu.vector_load %arg9[%get3A_1419, %get3A_1420] {strides = array<i32>} : memref<128x128xf32, #tpu.memory_space<vmem>>, vector<1x16xf32>,
        %get3A_1422 = vector.shape_cast %get3A_1421 : vector<1x16xf32> to vector<16xf32>
        %max3A_1423 = arith.maximumf %max3A_1412, %get3A_1422 : vector<16xf32>
        %min3A_1424 = arith.minimumf %min3A_1413, %get3A_1422 : vector<16xf32>
        %add3A_1425 = arith.addf %add3A_1414, %get3A_1422 : vector<16xf32>
        %mul3A_1426 = arith.mulf %get3A_1422, %get3A_1422 : vector<16xf32>
        %add3A_1427 = arith.addf %add3A_1416, %mul3A_1426 : vector<16xf32>
        %add3A_1428 = arith.constant 7 : i32
        %add3A_1429 = arith.addi %mul3A_30, %add3A_1428 : i32
        %get3A_1430 = arith.index_cast %add3A_1429 : i32 to index
        %get3A_1431 = arith.constant 112 : index
        %get3A_1432 = tpu.vector_load %arg9[%get3A_1430, %get3A_1431] {strides = array<i32>} : memref<128x128xf32, #tpu.memory_space<vmem>>, vector<1x16xf32>,
        %get3A_1433 = vector.shape_cast %get3A_1432 : vector<1x16xf32> to vector<16xf32>
        %max3A_1434 = arith.maximumf %max3A_1423, %get3A_1433 : vector<16xf32>
        %min3A_1435 = arith.minimumf %min3A_1424, %get3A_1433 : vector<16xf32>
        %add3A_1436 = arith.addf %add3A_1425, %get3A_1433 : vector<16xf32>
        %mul3A_1437 = arith.mulf %get3A_1433, %get3A_1433 : vector<16xf32>
        %add3A_1438 = arith.addf %add3A_1427, %mul3A_1437 : vector<16xf32>
        %add3A_1439 = arith.constant 8 : i32
        %add3A_1440 = arith.addi %mul3A_30, %add3A_1439 : i32
        %get3A_1441 = arith.index_cast %add3A_1440 : i32 to index
        %get3A_1442 = arith.constant 112 : index
        %get3A_1443 = tpu.vector_load %arg9[%get3A_1441, %get3A_1442] {strides = array<i32>} : memref<128x128xf32, #tpu.memory_space<vmem>>, vector<1x16xf32>,
        %get3A_1444 = vector.shape_cast %get3A_1443 : vector<1x16xf32> to vector<16xf32>
        %max3A_1445 = arith.maximumf %max3A_1434, %get3A_1444 : vector<16xf32>
        %min3A_1446 = arith.minimumf %min3A_1435, %get3A_1444 : vector<16xf32>
        %add3A_1447 = arith.addf %add3A_1436, %get3A_1444 : vector<16xf32>
        %mul3A_1448 = arith.mulf %get3A_1444, %get3A_1444 : vector<16xf32>
        %add3A_1449 = arith.addf %add3A_1438, %mul3A_1448 : vector<16xf32>
        %add3A_1450 = arith.constant 9 : i32
        %add3A_1451 = arith.addi %mul3A_30, %add3A_1450 : i32
        %get3A_1452 = arith.index_cast %add3A_1451 : i32 to index
        %get3A_1453 = arith.constant 112 : index
        %get3A_1454 = tpu.vector_load %arg9[%get3A_1452, %get3A_1453] {strides = array<i32>} : memref<128x128xf32, #tpu.memory_space<vmem>>, vector<1x16xf32>,
        %get3A_1455 = vector.shape_cast %get3A_1454 : vector<1x16xf32> to vector<16xf32>
        %max3A_1456 = arith.maximumf %max3A_1445, %get3A_1455 : vector<16xf32>
        %min3A_1457 = arith.minimumf %min3A_1446, %get3A_1455 : vector<16xf32>
        %add3A_1458 = arith.addf %add3A_1447, %get3A_1455 : vector<16xf32>
        %mul3A_1459 = arith.mulf %get3A_1455, %get3A_1455 : vector<16xf32>
        %add3A_1460 = arith.addf %add3A_1449, %mul3A_1459 : vector<16xf32>
        %add3A_1461 = arith.constant 10 : i32
        %add3A_1462 = arith.addi %mul3A_30, %add3A_1461 : i32
        %get3A_1463 = arith.index_cast %add3A_1462 : i32 to index
        %get3A_1464 = arith.constant 112 : index
        %get3A_1465 = tpu.vector_load %arg9[%get3A_1463, %get3A_1464] {strides = array<i32>} : memref<128x128xf32, #tpu.memory_space<vmem>>, vector<1x16xf32>,
        %get3A_1466 = vector.shape_cast %get3A_1465 : vector<1x16xf32> to vector<16xf32>
        %max3A_1467 = arith.maximumf %max3A_1456, %get3A_1466 : vector<16xf32>
        %min3A_1468 = arith.minimumf %min3A_1457, %get3A_1466 : vector<16xf32>
        %add3A_1469 = arith.addf %add3A_1458, %get3A_1466 : vector<16xf32>
        %mul3A_1470 = arith.mulf %get3A_1466, %get3A_1466 : vector<16xf32>
        %add3A_1471 = arith.addf %add3A_1460, %mul3A_1470 : vector<16xf32>
        %add3A_1472 = arith.constant 11 : i32
        %add3A_1473 = arith.addi %mul3A_30, %add3A_1472 : i32
        %get3A_1474 = arith.index_cast %add3A_1473 : i32 to index
        %get3A_1475 = arith.constant 112 : index
        %get3A_1476 = tpu.vector_load %arg9[%get3A_1474, %get3A_1475] {strides = array<i32>} : memref<128x128xf32, #tpu.memory_space<vmem>>, vector<1x16xf32>,
        %get3A_1477 = vector.shape_cast %get3A_1476 : vector<1x16xf32> to vector<16xf32>
        %max3A_1478 = arith.maximumf %max3A_1467, %get3A_1477 : vector<16xf32>
        %min3A_1479 = arith.minimumf %min3A_1468, %get3A_1477 : vector<16xf32>
        %add3A_1480 = arith.addf %add3A_1469, %get3A_1477 : vector<16xf32>
        %mul3A_1481 = arith.mulf %get3A_1477, %get3A_1477 : vector<16xf32>
        %add3A_1482 = arith.addf %add3A_1471, %mul3A_1481 : vector<16xf32>
        %add3A_1483 = arith.constant 12 : i32
        %add3A_1484 = arith.addi %mul3A_30, %add3A_1483 : i32
        %get3A_1485 = arith.index_cast %add3A_1484 : i32 to index
        %get3A_1486 = arith.constant 112 : index
        %get3A_1487 = tpu.vector_load %arg9[%get3A_1485, %get3A_1486] {strides = array<i32>} : memref<128x128xf32, #tpu.memory_space<vmem>>, vector<1x16xf32>,
        %get3A_1488 = vector.shape_cast %get3A_1487 : vector<1x16xf32> to vector<16xf32>
        %max3A_1489 = arith.maximumf %max3A_1478, %get3A_1488 : vector<16xf32>
        %min3A_1490 = arith.minimumf %min3A_1479, %get3A_1488 : vector<16xf32>
        %add3A_1491 = arith.addf %add3A_1480, %get3A_1488 : vector<16xf32>
        %mul3A_1492 = arith.mulf %get3A_1488, %get3A_1488 : vector<16xf32>
        %add3A_1493 = arith.addf %add3A_1482, %mul3A_1492 : vector<16xf32>
        %add3A_1494 = arith.constant 13 : i32
        %add3A_1495 = arith.addi %mul3A_30, %add3A_1494 : i32
        %get3A_1496 = arith.index_cast %add3A_1495 : i32 to index
        %get3A_1497 = arith.constant 112 : index
        %get3A_1498 = tpu.vector_load %arg9[%get3A_1496, %get3A_1497] {strides = array<i32>} : memref<128x128xf32, #tpu.memory_space<vmem>>, vector<1x16xf32>,
        %get3A_1499 = vector.shape_cast %get3A_1498 : vector<1x16xf32> to vector<16xf32>
        %max3A_1500 = arith.maximumf %max3A_1489, %get3A_1499 : vector<16xf32>
        %min3A_1501 = arith.minimumf %min3A_1490, %get3A_1499 : vector<16xf32>
        %add3A_1502 = arith.addf %add3A_1491, %get3A_1499 : vector<16xf32>
        %mul3A_1503 = arith.mulf %get3A_1499, %get3A_1499 : vector<16xf32>
        %add3A_1504 = arith.addf %add3A_1493, %mul3A_1503 : vector<16xf32>
        %add3A_1505 = arith.constant 14 : i32
        %add3A_1506 = arith.addi %mul3A_30, %add3A_1505 : i32
        %get3A_1507 = arith.index_cast %add3A_1506 : i32 to index
        %get3A_1508 = arith.constant 112 : index
        %get3A_1509 = tpu.vector_load %arg9[%get3A_1507, %get3A_1508] {strides = array<i32>} : memref<128x128xf32, #tpu.memory_space<vmem>>, vector<1x16xf32>,
        %get3A_1510 = vector.shape_cast %get3A_1509 : vector<1x16xf32> to vector<16xf32>
        %max3A_1511 = arith.maximumf %max3A_1500, %get3A_1510 : vector<16xf32>
        %min3A_1512 = arith.minimumf %min3A_1501, %get3A_1510 : vector<16xf32>
        %add3A_1513 = arith.addf %add3A_1502, %get3A_1510 : vector<16xf32>
        %mul3A_1514 = arith.mulf %get3A_1510, %get3A_1510 : vector<16xf32>
        %add3A_1515 = arith.addf %add3A_1504, %mul3A_1514 : vector<16xf32>
        %add3A_1516 = arith.constant 15 : i32
        %add3A_1517 = arith.addi %mul3A_30, %add3A_1516 : i32
        %get3A_1518 = arith.index_cast %add3A_1517 : i32 to index
        %get3A_1519 = arith.constant 112 : index
        %get3A_1520 = tpu.vector_load %arg9[%get3A_1518, %get3A_1519] {strides = array<i32>} : memref<128x128xf32, #tpu.memory_space<vmem>>, vector<1x16xf32>,
        %get3A_1521 = vector.shape_cast %get3A_1520 : vector<1x16xf32> to vector<16xf32>
        %max3A_1522 = arith.maximumf %max3A_1511, %get3A_1521 : vector<16xf32>
        %min3A_1523 = arith.minimumf %min3A_1512, %get3A_1521 : vector<16xf32>
        %add3A_1524 = arith.addf %add3A_1513, %get3A_1521 : vector<16xf32>
        %mul3A_1525 = arith.mulf %get3A_1521, %get3A_1521 : vector<16xf32>
        %add3A_1526 = arith.addf %add3A_1515, %mul3A_1525 : vector<16xf32>
        %swap3A_1527 = arith.index_cast %scan3A_28 : i32 to index
        %swap3A_1528 = arith.constant 112 : index
        %swap3A_1529 = tpu.vector_load %arg10[%swap3A_1527, %swap3A_1528] {strides = array<i32>} : memref<8x128xf32, #tpu.memory_space<vmem>>, vector<1x16xf32>,
        %swap3A_1530 = vector.shape_cast %swap3A_1529 : vector<1x16xf32> to vector<16xf32>
        %swap3A_1531 = vector.shape_cast %max3A_1522 : vector<16xf32> to vector<1x16xf32>
        tpu.vector_store %arg10[%swap3A_1527, %swap3A_1528], %swap3A_1531 {strides = array<i32>} : memref<8x128xf32, #tpu.memory_space<vmem>>, vector<1x16xf32>,
        %swap3A_1532 = arith.index_cast %scan3A_28 : i32 to index
        %swap3A_1533 = arith.constant 112 : index
        %swap3A_1534 = tpu.vector_load %arg11[%swap3A_1532, %swap3A_1533] {strides = array<i32>} : memref<8x128xf32, #tpu.memory_space<vmem>>, vector<1x16xf32>,
        %swap3A_1535 = vector.shape_cast %swap3A_1534 : vector<1x16xf32> to vector<16xf32>
        %swap3A_1536 = vector.shape_cast %min3A_1523 : vector<16xf32> to vector<1x16xf32>
        tpu.vector_store %arg11[%swap3A_1532, %swap3A_1533], %swap3A_1536 {strides = array<i32>} : memref<8x128xf32, #tpu.memory_space<vmem>>, vector<1x16xf32>,
        %swap3A_1537 = arith.index_cast %scan3A_28 : i32 to index
        %swap3A_1538 = arith.constant 112 : index
        %swap3A_1539 = tpu.vector_load %arg12[%swap3A_1537, %swap3A_1538] {strides = array<i32>} : memref<8x128xf32, #tpu.memory_space<vmem>>, vector<1x16xf32>,
        %swap3A_1540 = vector.shape_cast %swap3A_1539 : vector<1x16xf32> to vector<16xf32>
        %swap3A_1541 = vector.shape_cast %add3A_1524 : vector<16xf32> to vector<1x16xf32>
        tpu.vector_store %arg12[%swap3A_1537, %swap3A_1538], %swap3A_1541 {strides = array<i32>} : memref<8x128xf32, #tpu.memory_space<vmem>>, vector<1x16xf32>,
        %swap3A_1542 = arith.index_cast %scan3A_28 : i32 to index
        %swap3A_1543 = arith.constant 112 : index
        %swap3A_1544 = tpu.vector_load %arg13[%swap3A_1542, %swap3A_1543] {strides = array<i32>} : memref<8x128xf32, #tpu.memory_space<vmem>>, vector<1x16xf32>,
        %swap3A_1545 = vector.shape_cast %swap3A_1544 : vector<1x16xf32> to vector<16xf32>
        %swap3A_1546 = vector.shape_cast %add3A_1526 : vector<16xf32> to vector<1x16xf32>
        tpu.vector_store %arg13[%swap3A_1542, %swap3A_1543], %swap3A_1546 {strides = array<i32>} : memref<8x128xf32, #tpu.memory_space<vmem>>, vector<1x16xf32>,
      }
      %scan3A_24 = arith.constant 8 : i32
      %mul3A_25 = arith.constant 8 : i32
      %mul3A_26 = arith.muli %scan3A_10, %mul3A_25 : i32
      %add3A_27 = arith.addi %mul3A_2, %mul3A_26 : i32
      "tpu.region"() ({
        %run_scoped3A = tpu.sem_alloc : memref<!tpu.dma_semaphore, #tpu.memory_space<semaphore_mem>>
        %dma_start3A_28 = arith.constant 0 : i32
        %dma_start3A_29 = tpu.memref_slice %arg4[%add3A_27, %dma_start3A_28] : memref<8192x128xf32, #tpu.memory_space<hbm>> -> memref<8x128xf32, #tpu.memory_space<hbm>>
        %dma_start3A_30 = arith.constant 0 : i32
        %dma_start3A_31 = tpu.memref_slice %arg4[%add3A_27, %dma_start3A_30] : memref<8192x128xf32, #tpu.memory_space<hbm>> -> memref<8x128xf32, #tpu.memory_space<hbm>>
        tpu.enqueue_dma source(%arg10 : memref<8x128xf32, #tpu.memory_space<vmem>>) target(%dma_start3A_31 : memref<8x128xf32, #tpu.memory_space<hbm>>) target_semaphore(%run_scoped3A : memref<!tpu.dma_semaphore, #tpu.memory_space<semaphore_mem>>)
        %dma_wait3A_32 = arith.constant 0 : i32
        %dma_wait3A_33 = tpu.memref_slice %arg4[%add3A_27, %dma_wait3A_32] : memref<8192x128xf32, #tpu.memory_space<hbm>> -> memref<8x128xf32, #tpu.memory_space<hbm>>
        %dma_wait3A_34 = arith.constant 0 : i32
        %dma_wait3A_35 = tpu.memref_slice %arg4[%add3A_27, %dma_wait3A_34] : memref<8192x128xf32, #tpu.memory_space<hbm>> -> memref<8x128xf32, #tpu.memory_space<hbm>>
        tpu.wait_dma2 semaphore(%run_scoped3A : memref<!tpu.dma_semaphore, #tpu.memory_space<semaphore_mem>>) src(%arg10 : memref<8x128xf32, #tpu.memory_space<vmem>>) dst(%dma_wait3A_35 : memref<8x128xf32, #tpu.memory_space<hbm>>)
        tpu.yield
      }) : () -> ()
      "tpu.region"() ({
        %run_scoped3A = tpu.sem_alloc : memref<!tpu.dma_semaphore, #tpu.memory_space<semaphore_mem>>
        %dma_start3A_28 = arith.constant 0 : i32
        %dma_start3A_29 = tpu.memref_slice %arg5[%add3A_27, %dma_start3A_28] : memref<8192x128xf32, #tpu.memory_space<hbm>> -> memref<8x128xf32, #tpu.memory_space<hbm>>
        %dma_start3A_30 = arith.constant 0 : i32
        %dma_start3A_31 = tpu.memref_slice %arg5[%add3A_27, %dma_start3A_30] : memref<8192x128xf32, #tpu.memory_space<hbm>> -> memref<8x128xf32, #tpu.memory_space<hbm>>
        tpu.enqueue_dma source(%arg11 : memref<8x128xf32, #tpu.memory_space<vmem>>) target(%dma_start3A_31 : memref<8x128xf32, #tpu.memory_space<hbm>>) target_semaphore(%run_scoped3A : memref<!tpu.dma_semaphore, #tpu.memory_space<semaphore_mem>>)
        %dma_wait3A_32 = arith.constant 0 : i32
        %dma_wait3A_33 = tpu.memref_slice %arg5[%add3A_27, %dma_wait3A_32] : memref<8192x128xf32, #tpu.memory_space<hbm>> -> memref<8x128xf32, #tpu.memory_space<hbm>>
        %dma_wait3A_34 = arith.constant 0 : i32
        %dma_wait3A_35 = tpu.memref_slice %arg5[%add3A_27, %dma_wait3A_34] : memref<8192x128xf32, #tpu.memory_space<hbm>> -> memref<8x128xf32, #tpu.memory_space<hbm>>
        tpu.wait_dma2 semaphore(%run_scoped3A : memref<!tpu.dma_semaphore, #tpu.memory_space<semaphore_mem>>) src(%arg11 : memref<8x128xf32, #tpu.memory_space<vmem>>) dst(%dma_wait3A_35 : memref<8x128xf32, #tpu.memory_space<hbm>>)
        tpu.yield
      }) : () -> ()
      "tpu.region"() ({
        %run_scoped3A = tpu.sem_alloc : memref<!tpu.dma_semaphore, #tpu.memory_space<semaphore_mem>>
        %dma_start3A_28 = arith.constant 0 : i32
        %dma_start3A_29 = tpu.memref_slice %arg6[%add3A_27, %dma_start3A_28] : memref<8192x128xf32, #tpu.memory_space<hbm>> -> memref<8x128xf32, #tpu.memory_space<hbm>>
        %dma_start3A_30 = arith.constant 0 : i32
        %dma_start3A_31 = tpu.memref_slice %arg6[%add3A_27, %dma_start3A_30] : memref<8192x128xf32, #tpu.memory_space<hbm>> -> memref<8x128xf32, #tpu.memory_space<hbm>>
        tpu.enqueue_dma source(%arg12 : memref<8x128xf32, #tpu.memory_space<vmem>>) target(%dma_start3A_31 : memref<8x128xf32, #tpu.memory_space<hbm>>) target_semaphore(%run_scoped3A : memref<!tpu.dma_semaphore, #tpu.memory_space<semaphore_mem>>)
        %dma_wait3A_32 = arith.constant 0 : i32
        %dma_wait3A_33 = tpu.memref_slice %arg6[%add3A_27, %dma_wait3A_32] : memref<8192x128xf32, #tpu.memory_space<hbm>> -> memref<8x128xf32, #tpu.memory_space<hbm>>
        %dma_wait3A_34 = arith.constant 0 : i32
        %dma_wait3A_35 = tpu.memref_slice %arg6[%add3A_27, %dma_wait3A_34] : memref<8192x128xf32, #tpu.memory_space<hbm>> -> memref<8x128xf32, #tpu.memory_space<hbm>>
        tpu.wait_dma2 semaphore(%run_scoped3A : memref<!tpu.dma_semaphore, #tpu.memory_space<semaphore_mem>>) src(%arg12 : memref<8x128xf32, #tpu.memory_space<vmem>>) dst(%dma_wait3A_35 : memref<8x128xf32, #tpu.memory_space<hbm>>)
        tpu.yield
      }) : () -> ()
      "tpu.region"() ({
        %run_scoped3A = tpu.sem_alloc : memref<!tpu.dma_semaphore, #tpu.memory_space<semaphore_mem>>
        %dma_start3A_28 = arith.constant 0 : i32
        %dma_start3A_29 = tpu.memref_slice %arg7[%add3A_27, %dma_start3A_28] : memref<8192x128xf32, #tpu.memory_space<hbm>> -> memref<8x128xf32, #tpu.memory_space<hbm>>
        %dma_start3A_30 = arith.constant 0 : i32
        %dma_start3A_31 = tpu.memref_slice %arg7[%add3A_27, %dma_start3A_30] : memref<8192x128xf32, #tpu.memory_space<hbm>> -> memref<8x128xf32, #tpu.memory_space<hbm>>
        tpu.enqueue_dma source(%arg13 : memref<8x128xf32, #tpu.memory_space<vmem>>) target(%dma_start3A_31 : memref<8x128xf32, #tpu.memory_space<hbm>>) target_semaphore(%run_scoped3A : memref<!tpu.dma_semaphore, #tpu.memory_space<semaphore_mem>>)
        %dma_wait3A_32 = arith.constant 0 : i32
        %dma_wait3A_33 = tpu.memref_slice %arg7[%add3A_27, %dma_wait3A_32] : memref<8192x128xf32, #tpu.memory_space<hbm>> -> memref<8x128xf32, #tpu.memory_space<hbm>>
        %dma_wait3A_34 = arith.constant 0 : i32
        %dma_wait3A_35 = tpu.memref_slice %arg7[%add3A_27, %dma_wait3A_34] : memref<8192x128xf32, #tpu.memory_space<hbm>> -> memref<8x128xf32, #tpu.memory_space<hbm>>
        tpu.wait_dma2 semaphore(%run_scoped3A : memref<!tpu.dma_semaphore, #tpu.memory_space<semaphore_mem>>) src(%arg13 : memref<8x128xf32, #tpu.memory_space<vmem>>) dst(%dma_wait3A_35 : memref<8x128xf32, #tpu.memory_space<hbm>>)
        tpu.yield
      }) : () -> ()
    }
    %scan3A_9 = arith.constant 32 : i32
    return
  }
}

module attributes {stable_mosaic.version = 14 : i64} {
  func.func @_fps_body(%arg0: memref<4x64x128xf32, #tpu.memory_space<vmem>>, %arg1: memref<4x64x128xf32, #tpu.memory_space<vmem>>, %arg2: memref<4x64x128xf32, #tpu.memory_space<vmem>>, %arg3: memref<4x16x128xf32, #tpu.memory_space<vmem>>, %arg4: memref<4x16x128xf32, #tpu.memory_space<vmem>>, %arg5: memref<4x16x128xf32, #tpu.memory_space<vmem>>) attributes {dimension_semantics = [], scalar_prefetch = 0 : i64, scratch_operands = 0 : i64, tpu.core_type = #tpu.core_type<tc>} {
    %iota3A = tpu.iota {dimensions = array<i32: 0>} : vector<64x128xi32>
    %mul3A = arith.constant 128 : i32
    %mul3A_0 = vector.broadcast %mul3A : i32 to vector<64x128xi32>
    %mul3A_1 = arith.muli %iota3A, %mul3A_0 : vector<64x128xi32>
    %iota3A_2 = tpu.iota {dimensions = array<i32: 1>} : vector<64x128xi32>
    %add3A = arith.addi %mul3A_1, %iota3A_2 : vector<64x128xi32>
    %broadcast_in_dim3A = vector.shape_cast %add3A : vector<64x128xi32> to vector<1x64x128xi32>
    %iota3A_3 = tpu.iota {dimensions = array<i32: 0>} : vector<16x128xi32>
    %mul3A_4 = arith.constant 128 : i32
    %mul3A_5 = vector.broadcast %mul3A_4 : i32 to vector<16x128xi32>
    %mul3A_6 = arith.muli %iota3A_3, %mul3A_5 : vector<16x128xi32>
    %iota3A_7 = tpu.iota {dimensions = array<i32: 1>} : vector<16x128xi32>
    %add3A_8 = arith.addi %mul3A_6, %iota3A_7 : vector<16x128xi32>
    %broadcast_in_dim3A_9 = vector.shape_cast %add3A_8 : vector<16x128xi32> to vector<1x16x128xi32>
    %get3A = arith.constant 0 : index
    %get3A_10 = arith.constant 0 : index
    %get3A_11 = arith.constant 0 : index
    %get3A_12 = vector.load %arg0[%get3A, %get3A_10, %get3A_11] : memref<4x64x128xf32, #tpu.memory_space<vmem>>, vector<4x64x128xf32>
    %get3A_13 = arith.constant 0 : index
    %get3A_14 = arith.constant 0 : index
    %get3A_15 = arith.constant 0 : index
    %get3A_16 = vector.load %arg1[%get3A_13, %get3A_14, %get3A_15] : memref<4x64x128xf32, #tpu.memory_space<vmem>>, vector<4x64x128xf32>
    %get3A_17 = arith.constant 0 : index
    %get3A_18 = arith.constant 0 : index
    %get3A_19 = arith.constant 0 : index
    %get3A_20 = vector.load %arg2[%get3A_17, %get3A_18, %get3A_19] : memref<4x64x128xf32, #tpu.memory_space<vmem>>, vector<4x64x128xf32>
    %broadcast_in_dim3A_21 = arith.constant 1.000000e+10 : f32
    %broadcast_in_dim3A_22 = vector.broadcast %broadcast_in_dim3A_21 : f32 to vector<4x64x128xf32>
    %broadcast_in_dim3A_23 = arith.constant 0 : i32
    %broadcast_in_dim3A_24 = vector.broadcast %broadcast_in_dim3A_23 : i32 to vector<4x1x1xi32>
    %broadcast_in_dim3A_25 = arith.constant 0.000000e+00 : f32
    %broadcast_in_dim3A_26 = vector.broadcast %broadcast_in_dim3A_25 : f32 to vector<4x16x128xf32>
    %scan3A = arith.constant 0 : i32
    %scan3A_27 = arith.constant 2048 : i32
    %scan3A_28 = arith.addi %scan3A, %scan3A_27 : i32
    %scan3A_29 = arith.constant 1 : i32
    %scan3A_30:5 = scf.for %scan3A_43 = %scan3A to %scan3A_28 step %scan3A_29 iter_args(%scan3A_44 = %broadcast_in_dim3A_22, %scan3A_45 = %broadcast_in_dim3A_24, %scan3A_46 = %broadcast_in_dim3A_26, %scan3A_47 = %broadcast_in_dim3A_26, %scan3A_48 = %broadcast_in_dim3A_26) -> (vector<4x64x128xf32>, vector<4x1x1xi32>, vector<4x16x128xf32>, vector<4x16x128xf32>, vector<4x16x128xf32>)  : i32 {
      %eq3A = vector.broadcast %broadcast_in_dim3A : vector<1x64x128xi32> to vector<4x64x128xi32>
      %eq3A_49 = vector.broadcast %scan3A_45 : vector<4x1x1xi32> to vector<4x64x128xi32>
      %eq3A_50 = arith.cmpi eq, %eq3A, %eq3A_49 : vector<4x64x128xi32>
      %jit3A = arith.constant 0.000000e+00 : f32
      %broadcast_in_dim3A_51 = vector.broadcast %jit3A : f32 to vector<4x64x128xf32>
      %select_n3A = arith.select %eq3A_50, %get3A_12, %broadcast_in_dim3A_51 : vector<4x64x128xi1>, vector<4x64x128xf32>
      %reduce_sum3A = arith.constant dense<0.000000e+00> : vector<4xf32>
      %reduce_sum3A_52 = vector.multi_reduction <add>, %select_n3A, %reduce_sum3A [1, 2] : vector<4x64x128xf32> to vector<4xf32>
      %broadcast_in_dim3A_53 = vector.shape_cast %reduce_sum3A_52 : vector<4xf32> to vector<4x1x1xf32>
      %jit3A_54 = arith.constant 0.000000e+00 : f32
      %broadcast_in_dim3A_55 = vector.broadcast %jit3A_54 : f32 to vector<4x64x128xf32>
      %select_n3A_56 = arith.select %eq3A_50, %get3A_16, %broadcast_in_dim3A_55 : vector<4x64x128xi1>, vector<4x64x128xf32>
      %reduce_sum3A_57 = arith.constant dense<0.000000e+00> : vector<4xf32>
      %reduce_sum3A_58 = vector.multi_reduction <add>, %select_n3A_56, %reduce_sum3A_57 [1, 2] : vector<4x64x128xf32> to vector<4xf32>
      %broadcast_in_dim3A_59 = vector.shape_cast %reduce_sum3A_58 : vector<4xf32> to vector<4x1x1xf32>
      %jit3A_60 = arith.constant 0.000000e+00 : f32
      %broadcast_in_dim3A_61 = vector.broadcast %jit3A_60 : f32 to vector<4x64x128xf32>
      %select_n3A_62 = arith.select %eq3A_50, %get3A_20, %broadcast_in_dim3A_61 : vector<4x64x128xi1>, vector<4x64x128xf32>
      %reduce_sum3A_63 = arith.constant dense<0.000000e+00> : vector<4xf32>
      %reduce_sum3A_64 = vector.multi_reduction <add>, %select_n3A_62, %reduce_sum3A_63 [1, 2] : vector<4x64x128xf32> to vector<4xf32>
      %broadcast_in_dim3A_65 = vector.shape_cast %reduce_sum3A_64 : vector<4xf32> to vector<4x1x1xf32>
      %eq3A_66 = vector.broadcast %scan3A_43 : i32 to vector<1x16x128xi32>
      %eq3A_67 = arith.cmpi eq, %broadcast_in_dim3A_9, %eq3A_66 : vector<1x16x128xi32>
      %broadcast_in_dim3A_68 = vector.shape_cast %eq3A_67 : vector<1x16x128xi1> to vector<1x16x128xi1>
      %broadcast_in_dim3A_69 = vector.broadcast %broadcast_in_dim3A_68 : vector<1x16x128xi1> to vector<4x16x128xi1>
      %broadcast_in_dim3A_70 = vector.shape_cast %broadcast_in_dim3A_53 : vector<4x1x1xf32> to vector<4x1x1xf32>
      %broadcast_in_dim3A_71 = vector.broadcast %broadcast_in_dim3A_70 : vector<4x1x1xf32> to vector<4x16x128xf32>
      %select_n3A_72 = arith.select %broadcast_in_dim3A_69, %broadcast_in_dim3A_71, %scan3A_46 : vector<4x16x128xi1>, vector<4x16x128xf32>
      %broadcast_in_dim3A_73 = vector.shape_cast %eq3A_67 : vector<1x16x128xi1> to vector<1x16x128xi1>
      %broadcast_in_dim3A_74 = vector.broadcast %broadcast_in_dim3A_73 : vector<1x16x128xi1> to vector<4x16x128xi1>
      %broadcast_in_dim3A_75 = vector.shape_cast %broadcast_in_dim3A_59 : vector<4x1x1xf32> to vector<4x1x1xf32>
      %broadcast_in_dim3A_76 = vector.broadcast %broadcast_in_dim3A_75 : vector<4x1x1xf32> to vector<4x16x128xf32>
      %select_n3A_77 = arith.select %broadcast_in_dim3A_74, %broadcast_in_dim3A_76, %scan3A_47 : vector<4x16x128xi1>, vector<4x16x128xf32>
      %broadcast_in_dim3A_78 = vector.shape_cast %eq3A_67 : vector<1x16x128xi1> to vector<1x16x128xi1>
      %broadcast_in_dim3A_79 = vector.broadcast %broadcast_in_dim3A_78 : vector<1x16x128xi1> to vector<4x16x128xi1>
      %broadcast_in_dim3A_80 = vector.shape_cast %broadcast_in_dim3A_65 : vector<4x1x1xf32> to vector<4x1x1xf32>
      %broadcast_in_dim3A_81 = vector.broadcast %broadcast_in_dim3A_80 : vector<4x1x1xf32> to vector<4x16x128xf32>
      %select_n3A_82 = arith.select %broadcast_in_dim3A_79, %broadcast_in_dim3A_81, %scan3A_48 : vector<4x16x128xi1>, vector<4x16x128xf32>
      %sub3A = vector.broadcast %broadcast_in_dim3A_53 : vector<4x1x1xf32> to vector<4x64x128xf32>
      %sub3A_83 = arith.subf %get3A_12, %sub3A : vector<4x64x128xf32>
      %integer_pow3A = arith.mulf %sub3A_83, %sub3A_83 : vector<4x64x128xf32>
      %sub3A_84 = vector.broadcast %broadcast_in_dim3A_59 : vector<4x1x1xf32> to vector<4x64x128xf32>
      %sub3A_85 = arith.subf %get3A_16, %sub3A_84 : vector<4x64x128xf32>
      %integer_pow3A_86 = arith.mulf %sub3A_85, %sub3A_85 : vector<4x64x128xf32>
      %add3A_87 = arith.addf %integer_pow3A, %integer_pow3A_86 : vector<4x64x128xf32>
      %sub3A_88 = vector.broadcast %broadcast_in_dim3A_65 : vector<4x1x1xf32> to vector<4x64x128xf32>
      %sub3A_89 = arith.subf %get3A_20, %sub3A_88 : vector<4x64x128xf32>
      %integer_pow3A_90 = arith.mulf %sub3A_89, %sub3A_89 : vector<4x64x128xf32>
      %add3A_91 = arith.addf %add3A_87, %integer_pow3A_90 : vector<4x64x128xf32>
      %min3A = arith.minimumf %scan3A_44, %add3A_91 : vector<4x64x128xf32>
      %reduce_max3A = arith.constant dense<0xFF800000> : vector<4xf32>
      %reduce_max3A_92 = vector.multi_reduction <maximumf>, %min3A, %reduce_max3A [1, 2] : vector<4x64x128xf32> to vector<4xf32>
      %broadcast_in_dim3A_93 = vector.shape_cast %reduce_max3A_92 : vector<4xf32> to vector<4x1x1xf32>
      %eq3A_94 = vector.broadcast %broadcast_in_dim3A_93 : vector<4x1x1xf32> to vector<4x64x128xf32>
      %eq3A_95 = arith.cmpf oeq, %min3A, %eq3A_94 : vector<4x64x128xf32>
      %jit3A_96 = arith.constant 8192 : i32
      %broadcast_in_dim3A_97 = vector.shape_cast %broadcast_in_dim3A : vector<1x64x128xi32> to vector<1x64x128xi32>
      %broadcast_in_dim3A_98 = vector.broadcast %broadcast_in_dim3A_97 : vector<1x64x128xi32> to vector<4x64x128xi32>
      %broadcast_in_dim3A_99 = vector.broadcast %jit3A_96 : i32 to vector<4x64x128xi32>
      %select_n3A_100 = arith.select %eq3A_95, %broadcast_in_dim3A_98, %broadcast_in_dim3A_99 : vector<4x64x128xi1>, vector<4x64x128xi32>
      %reduce_min3A = arith.constant dense<2147483647> : vector<4xi32>
      %reduce_min3A_101 = vector.multi_reduction <minsi>, %select_n3A_100, %reduce_min3A [1, 2] : vector<4x64x128xi32> to vector<4xi32>
      %broadcast_in_dim3A_102 = vector.shape_cast %reduce_min3A_101 : vector<4xi32> to vector<4x1x1xi32>
      scf.yield %min3A, %broadcast_in_dim3A_102, %select_n3A_72, %select_n3A_77, %select_n3A_82 : vector<4x64x128xf32>, vector<4x1x1xi32>, vector<4x16x128xf32>, vector<4x16x128xf32>, vector<4x16x128xf32>
    }
    %scan3A_31 = arith.constant 2048 : i32
    %swap3A = arith.constant 0 : index
    %swap3A_32 = arith.constant 0 : index
    %swap3A_33 = arith.constant 0 : index
    %swap3A_34 = vector.load %arg3[%swap3A, %swap3A_32, %swap3A_33] : memref<4x16x128xf32, #tpu.memory_space<vmem>>, vector<4x16x128xf32>
    tpu.vector_store %arg3[%swap3A, %swap3A_32, %swap3A_33], %scan3A_30#2 {strides = array<i32>} : memref<4x16x128xf32, #tpu.memory_space<vmem>>, vector<4x16x128xf32>,
    %swap3A_35 = arith.constant 0 : index
    %swap3A_36 = arith.constant 0 : index
    %swap3A_37 = arith.constant 0 : index
    %swap3A_38 = vector.load %arg4[%swap3A_35, %swap3A_36, %swap3A_37] : memref<4x16x128xf32, #tpu.memory_space<vmem>>, vector<4x16x128xf32>
    tpu.vector_store %arg4[%swap3A_35, %swap3A_36, %swap3A_37], %scan3A_30#3 {strides = array<i32>} : memref<4x16x128xf32, #tpu.memory_space<vmem>>, vector<4x16x128xf32>,
    %swap3A_39 = arith.constant 0 : index
    %swap3A_40 = arith.constant 0 : index
    %swap3A_41 = arith.constant 0 : index
    %swap3A_42 = vector.load %arg5[%swap3A_39, %swap3A_40, %swap3A_41] : memref<4x16x128xf32, #tpu.memory_space<vmem>>, vector<4x16x128xf32>
    tpu.vector_store %arg5[%swap3A_39, %swap3A_40, %swap3A_41], %scan3A_30#4 {strides = array<i32>} : memref<4x16x128xf32, #tpu.memory_space<vmem>>, vector<4x16x128xf32>,
    return
  }
}

module attributes {stable_mosaic.version = 14 : i64} {
  func.func @_knn_body(%arg0: i32, %arg1: i32, %arg2: memref<1x128x1xf32, #tpu.memory_space<vmem>>, %arg3: memref<1x128x1xf32, #tpu.memory_space<vmem>>, %arg4: memref<1x128x1xf32, #tpu.memory_space<vmem>>, %arg5: memref<1x1x8192xf32, #tpu.memory_space<vmem>>, %arg6: memref<1x1x8192xf32, #tpu.memory_space<vmem>>, %arg7: memref<1x1x8192xf32, #tpu.memory_space<vmem>>, %arg8: memref<1x128x16xi32, #tpu.memory_space<vmem>>) attributes {dimension_semantics = [#tpu.dimension_semantics<arbitrary>, #tpu.dimension_semantics<arbitrary>], iteration_bounds = array<i64: 4, 16>, scalar_prefetch = 0 : i64, scratch_operands = 0 : i64, tpu.core_type = #tpu.core_type<tc>, window_params = [{transform_indices = @transform_0, window_bounds = array<i64: 1, 128, 1>}, {transform_indices = @transform_1, window_bounds = array<i64: 1, 128, 1>}, {transform_indices = @transform_2, window_bounds = array<i64: 1, 128, 1>}, {transform_indices = @transform_3, window_bounds = array<i64: 1, 1, 8192>}, {transform_indices = @transform_4, window_bounds = array<i64: 1, 1, 8192>}, {transform_indices = @transform_5, window_bounds = array<i64: 1, 1, 8192>}, {transform_indices = @transform_6, window_bounds = array<i64: 1, 128, 16>}]} {
    %get3A = arith.constant 0 : index
    %get3A_0 = arith.constant 0 : index
    %get3A_1 = arith.constant 0 : index
    %get3A_2 = vector.load %arg2[%get3A, %get3A_0, %get3A_1] : memref<1x128x1xf32, #tpu.memory_space<vmem>>, vector<1x128x1xf32>
    %get3A_3 = vector.shape_cast %get3A_2 : vector<1x128x1xf32> to vector<128x1xf32>
    %get3A_4 = arith.constant 0 : index
    %get3A_5 = arith.constant 0 : index
    %get3A_6 = arith.constant 0 : index
    %get3A_7 = vector.load %arg3[%get3A_4, %get3A_5, %get3A_6] : memref<1x128x1xf32, #tpu.memory_space<vmem>>, vector<1x128x1xf32>
    %get3A_8 = vector.shape_cast %get3A_7 : vector<1x128x1xf32> to vector<128x1xf32>
    %get3A_9 = arith.constant 0 : index
    %get3A_10 = arith.constant 0 : index
    %get3A_11 = arith.constant 0 : index
    %get3A_12 = vector.load %arg4[%get3A_9, %get3A_10, %get3A_11] : memref<1x128x1xf32, #tpu.memory_space<vmem>>, vector<1x128x1xf32>
    %get3A_13 = vector.shape_cast %get3A_12 : vector<1x128x1xf32> to vector<128x1xf32>
    %get3A_14 = arith.constant 0 : index
    %get3A_15 = arith.constant 0 : index
    %get3A_16 = arith.constant 0 : index
    %get3A_17 = vector.load %arg5[%get3A_14, %get3A_15, %get3A_16] : memref<1x1x8192xf32, #tpu.memory_space<vmem>>, vector<1x1x8192xf32>
    %get3A_18 = vector.shape_cast %get3A_17 : vector<1x1x8192xf32> to vector<1x8192xf32>
    %get3A_19 = arith.constant 0 : index
    %get3A_20 = arith.constant 0 : index
    %get3A_21 = arith.constant 0 : index
    %get3A_22 = vector.load %arg6[%get3A_19, %get3A_20, %get3A_21] : memref<1x1x8192xf32, #tpu.memory_space<vmem>>, vector<1x1x8192xf32>
    %get3A_23 = vector.shape_cast %get3A_22 : vector<1x1x8192xf32> to vector<1x8192xf32>
    %get3A_24 = arith.constant 0 : index
    %get3A_25 = arith.constant 0 : index
    %get3A_26 = arith.constant 0 : index
    %get3A_27 = vector.load %arg7[%get3A_24, %get3A_25, %get3A_26] : memref<1x1x8192xf32, #tpu.memory_space<vmem>>, vector<1x1x8192xf32>
    %get3A_28 = vector.shape_cast %get3A_27 : vector<1x1x8192xf32> to vector<1x8192xf32>
    %iota3A = tpu.iota {dimensions = array<i32: 1>} : vector<128x8192xi32>
    %iota3A_29 = tpu.iota {dimensions = array<i32: 1>} : vector<128x16xi32>
    %sub3A = vector.broadcast %get3A_3 : vector<128x1xf32> to vector<128x8192xf32>
    %sub3A_30 = vector.broadcast %get3A_18 : vector<1x8192xf32> to vector<128x8192xf32>
    %sub3A_31 = arith.subf %sub3A, %sub3A_30 : vector<128x8192xf32>
    %integer_pow3A = arith.mulf %sub3A_31, %sub3A_31 : vector<128x8192xf32>
    %sub3A_32 = vector.broadcast %get3A_8 : vector<128x1xf32> to vector<128x8192xf32>
    %sub3A_33 = vector.broadcast %get3A_23 : vector<1x8192xf32> to vector<128x8192xf32>
    %sub3A_34 = arith.subf %sub3A_32, %sub3A_33 : vector<128x8192xf32>
    %integer_pow3A_35 = arith.mulf %sub3A_34, %sub3A_34 : vector<128x8192xf32>
    %add3A = arith.addf %integer_pow3A, %integer_pow3A_35 : vector<128x8192xf32>
    %sub3A_36 = vector.broadcast %get3A_13 : vector<128x1xf32> to vector<128x8192xf32>
    %sub3A_37 = vector.broadcast %get3A_28 : vector<1x8192xf32> to vector<128x8192xf32>
    %sub3A_38 = arith.subf %sub3A_36, %sub3A_37 : vector<128x8192xf32>
    %integer_pow3A_39 = arith.mulf %sub3A_38, %sub3A_38 : vector<128x8192xf32>
    %add3A_40 = arith.addf %add3A, %integer_pow3A_39 : vector<128x8192xf32>
    %broadcast_in_dim3A = arith.constant 0 : i32
    %broadcast_in_dim3A_41 = vector.broadcast %broadcast_in_dim3A : i32 to vector<128x16xi32>
    %broadcast_in_dim3A_42 = arith.constant -1 : i32
    %broadcast_in_dim3A_43 = vector.broadcast %broadcast_in_dim3A_42 : i32 to vector<128x1xi32>
    %scan3A = arith.constant 0 : i32
    %scan3A_44 = arith.constant 16 : i32
    %scan3A_45 = arith.addi %scan3A, %scan3A_44 : i32
    %scan3A_46 = arith.constant 1 : i32
    %scan3A_47:3 = scf.for %scan3A_57 = %scan3A to %scan3A_45 step %scan3A_46 iter_args(%scan3A_58 = %add3A_40, %scan3A_59 = %broadcast_in_dim3A_43, %scan3A_60 = %broadcast_in_dim3A_41) -> (vector<128x8192xf32>, vector<128x1xi32>, vector<128x16xi32>)  : i32 {
      %eq3A = vector.broadcast %scan3A_59 : vector<128x1xi32> to vector<128x8192xi32>
      %eq3A_61 = arith.cmpi eq, %iota3A, %eq3A : vector<128x8192xi32>
      %jit3A = arith.constant 0x7F800000 : f32
      %broadcast_in_dim3A_62 = vector.broadcast %jit3A : f32 to vector<128x8192xf32>
      %select_n3A = arith.select %eq3A_61, %broadcast_in_dim3A_62, %scan3A_58 : vector<128x8192xi1>, vector<128x8192xf32>
      %argmin3A = tpu.reduce_index %select_n3A {axis = 1 : i32, kind = #tpu.reduction_kind<arg_min>} : vector<128x8192xf32> -> vector<128xi32>
      %broadcast_in_dim3A_63 = vector.shape_cast %argmin3A : vector<128xi32> to vector<128x1xi32>
      %eq3A_64 = vector.broadcast %scan3A_57 : i32 to vector<128x16xi32>
      %eq3A_65 = arith.cmpi eq, %iota3A_29, %eq3A_64 : vector<128x16xi32>
      %broadcast_in_dim3A_66 = vector.shape_cast %broadcast_in_dim3A_63 : vector<128x1xi32> to vector<128x1xi32>
      %broadcast_in_dim3A_67 = vector.broadcast %broadcast_in_dim3A_66 : vector<128x1xi32> to vector<128x16xi32>
      %select_n3A_68 = arith.select %eq3A_65, %broadcast_in_dim3A_67, %scan3A_60 : vector<128x16xi1>, vector<128x16xi32>
      scf.yield %select_n3A, %broadcast_in_dim3A_63, %select_n3A_68 : vector<128x8192xf32>, vector<128x1xi32>, vector<128x16xi32>
    }
    %scan3A_48 = arith.constant 16 : i32
    %mul3A = arith.constant 8192 : i32
    %mul3A_49 = arith.muli %arg0, %mul3A : i32
    %add3A_50 = vector.broadcast %mul3A_49 : i32 to vector<128x16xi32>
    %add3A_51 = arith.addi %scan3A_47#2, %add3A_50 : vector<128x16xi32>
    %swap3A = arith.constant 0 : index
    %swap3A_52 = arith.constant 0 : index
    %swap3A_53 = arith.constant 0 : index
    %swap3A_54 = vector.load %arg8[%swap3A, %swap3A_52, %swap3A_53] : memref<1x128x16xi32, #tpu.memory_space<vmem>>, vector<1x128x16xi32>
    %swap3A_55 = vector.shape_cast %swap3A_54 : vector<1x128x16xi32> to vector<128x16xi32>
    %swap3A_56 = vector.shape_cast %add3A_51 : vector<128x16xi32> to vector<1x128x16xi32>
    tpu.vector_store %arg8[%swap3A, %swap3A_52, %swap3A_53], %swap3A_56 {strides = array<i32>} : memref<1x128x16xi32, #tpu.memory_space<vmem>>, vector<1x128x16xi32>,
    return
  }
  func.func @transform_0(%arg0: i32, %arg1: i32) -> (i32, i32, i32) {
    %c0_i32 = arith.constant 0 : i32
    %c0_i32_0 = arith.constant 0 : i32
    return %arg0, %arg1, %c0_i32 : i32, i32, i32
  }
  func.func @transform_1(%arg0: i32, %arg1: i32) -> (i32, i32, i32) {
    %c0_i32 = arith.constant 0 : i32
    %c0_i32_0 = arith.constant 0 : i32
    return %arg0, %arg1, %c0_i32 : i32, i32, i32
  }
  func.func @transform_2(%arg0: i32, %arg1: i32) -> (i32, i32, i32) {
    %c0_i32 = arith.constant 0 : i32
    %c0_i32_0 = arith.constant 0 : i32
    return %arg0, %arg1, %c0_i32 : i32, i32, i32
  }
  func.func @transform_3(%arg0: i32, %arg1: i32) -> (i32, i32, i32) {
    %c0_i32 = arith.constant 0 : i32
    %c0_i32_0 = arith.constant 0 : i32
    %c0_i32_1 = arith.constant 0 : i32
    return %arg0, %c0_i32, %c0_i32_0 : i32, i32, i32
  }
  func.func @transform_4(%arg0: i32, %arg1: i32) -> (i32, i32, i32) {
    %c0_i32 = arith.constant 0 : i32
    %c0_i32_0 = arith.constant 0 : i32
    %c0_i32_1 = arith.constant 0 : i32
    return %arg0, %c0_i32, %c0_i32_0 : i32, i32, i32
  }
  func.func @transform_5(%arg0: i32, %arg1: i32) -> (i32, i32, i32) {
    %c0_i32 = arith.constant 0 : i32
    %c0_i32_0 = arith.constant 0 : i32
    %c0_i32_1 = arith.constant 0 : i32
    return %arg0, %c0_i32, %c0_i32_0 : i32, i32, i32
  }
  func.func @transform_6(%arg0: i32, %arg1: i32) -> (i32, i32, i32) {
    %c0_i32 = arith.constant 0 : i32
    %c0_i32_0 = arith.constant 0 : i32
    return %arg0, %arg1, %c0_i32 : i32, i32, i32
  }
}

module attributes {stable_mosaic.version = 14 : i64} {
  func.func @_lin_body(%arg0: i32, %arg1: memref<1x8192x128xf32, #tpu.memory_space<vmem>>, %arg2: memref<128x128xf32, #tpu.memory_space<vmem>>, %arg3: memref<1x8192x128xf32, #tpu.memory_space<vmem>>) attributes {dimension_semantics = [#tpu.dimension_semantics<arbitrary>], iteration_bounds = array<i64: 4>, scalar_prefetch = 0 : i64, scratch_operands = 0 : i64, tpu.core_type = #tpu.core_type<tc>, window_params = [{transform_indices = @transform_0, window_bounds = array<i64: 1, 8192, 128>}, {pipeline_mode = #tpu.pipeline_mode<synchronous>, transform_indices = @transform_1, window_bounds = array<i64: 128, 128>}, {transform_indices = @transform_2, window_bounds = array<i64: 1, 8192, 128>}]} {
    %get3A = arith.constant 0 : index
    %get3A_0 = arith.constant 0 : index
    %get3A_1 = arith.constant 0 : index
    %get3A_2 = vector.load %arg1[%get3A, %get3A_0, %get3A_1] : memref<1x8192x128xf32, #tpu.memory_space<vmem>>, vector<1x8192x128xf32>
    %get3A_3 = vector.shape_cast %get3A_2 : vector<1x8192x128xf32> to vector<8192x128xf32>
    %get3A_4 = arith.constant 0 : index
    %get3A_5 = arith.constant 0 : index
    %get3A_6 = vector.load %arg2[%get3A_4, %get3A_5] : memref<128x128xf32, #tpu.memory_space<vmem>>, vector<128x128xf32>
    %dot_general3A = arith.constant dense<0.000000e+00> : vector<8192x128xf32>
    %dot_general3A_7 = tpu.matmul %get3A_3, %get3A_6, %dot_general3A {dimension_numbers = #tpu.dot_dimension_numbers<[1], [0], [0], [1], [0, 0, 1, 1], [], []>, transpose_lhs_hint = false} : vector<8192x128xf32>, vector<128x128xf32>, vector<8192x128xf32> -> vector<8192x128xf32>
    %swap3A = arith.constant 0 : index
    %swap3A_8 = arith.constant 0 : index
    %swap3A_9 = arith.constant 0 : index
    %swap3A_10 = vector.load %arg3[%swap3A, %swap3A_8, %swap3A_9] : memref<1x8192x128xf32, #tpu.memory_space<vmem>>, vector<1x8192x128xf32>
    %swap3A_11 = vector.shape_cast %swap3A_10 : vector<1x8192x128xf32> to vector<8192x128xf32>
    %swap3A_12 = vector.shape_cast %dot_general3A_7 : vector<8192x128xf32> to vector<1x8192x128xf32>
    tpu.vector_store %arg3[%swap3A, %swap3A_8, %swap3A_9], %swap3A_12 {strides = array<i32>} : memref<1x8192x128xf32, #tpu.memory_space<vmem>>, vector<1x8192x128xf32>,
    return
  }
  func.func @transform_0(%arg0: i32) -> (i32, i32, i32) {
    %c0_i32 = arith.constant 0 : i32
    %c0_i32_0 = arith.constant 0 : i32
    %c0_i32_1 = arith.constant 0 : i32
    return %arg0, %c0_i32, %c0_i32_0 : i32, i32, i32
  }
  func.func @transform_1(%arg0: i32) -> (i32, i32) {
    %c0_i32 = arith.constant 0 : i32
    %c0_i32_0 = arith.constant 0 : i32
    %c0_i32_1 = arith.constant 0 : i32
    return %c0_i32, %c0_i32_0 : i32, i32
  }
  func.func @transform_2(%arg0: i32) -> (i32, i32, i32) {
    %c0_i32 = arith.constant 0 : i32
    %c0_i32_0 = arith.constant 0 : i32
    %c0_i32_1 = arith.constant 0 : i32
    return %arg0, %c0_i32, %c0_i32_0 : i32, i32, i32
  }
}

module attributes {stable_mosaic.version = 14 : i64} {
  func.func @_stats_body(%arg0: i32, %arg1: memref<1x2048x128xf32, #tpu.memory_space<vmem>>, %arg2: memref<1x2048x128xf32, #tpu.memory_space<vmem>>, %arg3: memref<1x2048x1xf32, #tpu.memory_space<vmem>>, %arg4: memref<1x2048x1xf32, #tpu.memory_space<vmem>>, %arg5: memref<1x2048x1xf32, #tpu.memory_space<vmem>>, %arg6: memref<128x128xf32, #tpu.memory_space<vmem>>, %arg7: memref<8x128xf32, #tpu.memory_space<vmem>>) attributes {dimension_semantics = [#tpu.dimension_semantics<arbitrary>], iteration_bounds = array<i64: 4>, scalar_prefetch = 0 : i64, scratch_operands = 0 : i64, tpu.core_type = #tpu.core_type<tc>, window_params = [{transform_indices = @transform_0, window_bounds = array<i64: 1, 2048, 128>}, {transform_indices = @transform_1, window_bounds = array<i64: 1, 2048, 128>}, {transform_indices = @transform_2, window_bounds = array<i64: 1, 2048, 1>}, {transform_indices = @transform_3, window_bounds = array<i64: 1, 2048, 1>}, {transform_indices = @transform_4, window_bounds = array<i64: 1, 2048, 1>}, {pipeline_mode = #tpu.pipeline_mode<synchronous>, transform_indices = @transform_5, window_bounds = array<i64: 128, 128>}, {pipeline_mode = #tpu.pipeline_mode<synchronous>, transform_indices = @transform_6, window_bounds = array<i64: 8, 128>}]} {
    %get3A = arith.constant 0 : index
    %get3A_0 = arith.constant 0 : index
    %get3A_1 = arith.constant 0 : index
    %get3A_2 = vector.load %arg3[%get3A, %get3A_0, %get3A_1] : memref<1x2048x1xf32, #tpu.memory_space<vmem>>, vector<1x2048x1xf32>
    %get3A_3 = vector.shape_cast %get3A_2 : vector<1x2048x1xf32> to vector<2048x1xf32>
    %get3A_4 = arith.constant 0 : index
    %get3A_5 = arith.constant 0 : index
    %get3A_6 = vector.load %arg6[%get3A_4, %get3A_5] : memref<128x128xf32, #tpu.memory_space<vmem>>, vector<1x128xf32>
    %mul3A = vector.broadcast %get3A_3 : vector<2048x1xf32> to vector<2048x128xf32>
    %mul3A_7 = vector.broadcast %get3A_6 : vector<1x128xf32> to vector<2048x128xf32>
    %mul3A_8 = arith.mulf %mul3A, %mul3A_7 : vector<2048x128xf32>
    %get3A_9 = arith.constant 0 : index
    %get3A_10 = arith.constant 0 : index
    %get3A_11 = arith.constant 0 : index
    %get3A_12 = vector.load %arg4[%get3A_9, %get3A_10, %get3A_11] : memref<1x2048x1xf32, #tpu.memory_space<vmem>>, vector<1x2048x1xf32>
    %get3A_13 = vector.shape_cast %get3A_12 : vector<1x2048x1xf32> to vector<2048x1xf32>
    %get3A_14 = arith.constant 1 : index
    %get3A_15 = arith.constant 0 : index
    %get3A_16 = vector.load %arg6[%get3A_14, %get3A_15] : memref<128x128xf32, #tpu.memory_space<vmem>>, vector<1x128xf32>
    %mul3A_17 = vector.broadcast %get3A_13 : vector<2048x1xf32> to vector<2048x128xf32>
    %mul3A_18 = vector.broadcast %get3A_16 : vector<1x128xf32> to vector<2048x128xf32>
    %mul3A_19 = arith.mulf %mul3A_17, %mul3A_18 : vector<2048x128xf32>
    %add3A = arith.addf %mul3A_8, %mul3A_19 : vector<2048x128xf32>
    %get3A_20 = arith.constant 0 : index
    %get3A_21 = arith.constant 0 : index
    %get3A_22 = arith.constant 0 : index
    %get3A_23 = vector.load %arg5[%get3A_20, %get3A_21, %get3A_22] : memref<1x2048x1xf32, #tpu.memory_space<vmem>>, vector<1x2048x1xf32>
    %get3A_24 = vector.shape_cast %get3A_23 : vector<1x2048x1xf32> to vector<2048x1xf32>
    %get3A_25 = arith.constant 2 : index
    %get3A_26 = arith.constant 0 : index
    %get3A_27 = vector.load %arg6[%get3A_25, %get3A_26] : memref<128x128xf32, #tpu.memory_space<vmem>>, vector<1x128xf32>
    %mul3A_28 = vector.broadcast %get3A_24 : vector<2048x1xf32> to vector<2048x128xf32>
    %mul3A_29 = vector.broadcast %get3A_27 : vector<1x128xf32> to vector<2048x128xf32>
    %mul3A_30 = arith.mulf %mul3A_28, %mul3A_29 : vector<2048x128xf32>
    %add3A_31 = arith.addf %add3A, %mul3A_30 : vector<2048x128xf32>
    %get3A_32 = arith.constant 0 : index
    %get3A_33 = arith.constant 0 : index
    %get3A_34 = arith.constant 0 : index
    %get3A_35 = vector.load %arg1[%get3A_32, %get3A_33, %get3A_34] : memref<1x2048x128xf32, #tpu.memory_space<vmem>>, vector<1x2048x128xf32>
    %get3A_36 = vector.shape_cast %get3A_35 : vector<1x2048x128xf32> to vector<2048x128xf32>
    %get3A_37 = arith.constant 0 : index
    %get3A_38 = arith.constant 0 : index
    %get3A_39 = arith.constant 0 : index
    %get3A_40 = vector.load %arg2[%get3A_37, %get3A_38, %get3A_39] : memref<1x2048x128xf32, #tpu.memory_space<vmem>>, vector<1x2048x128xf32>
    %get3A_41 = vector.shape_cast %get3A_40 : vector<1x2048x128xf32> to vector<2048x128xf32>
    %mul3A_42 = arith.constant 1.600000e+01 : f32
    %mul3A_43 = vector.broadcast %mul3A_42 : f32 to vector<2048x128xf32>
    %mul3A_44 = arith.mulf %mul3A_43, %add3A_31 : vector<2048x128xf32>
    %sub3A = arith.subf %get3A_36, %mul3A_44 : vector<2048x128xf32>
    %mul3A_45 = arith.constant 2.000000e+00 : f32
    %mul3A_46 = vector.broadcast %mul3A_45 : f32 to vector<2048x128xf32>
    %mul3A_47 = arith.mulf %mul3A_46, %add3A_31 : vector<2048x128xf32>
    %mul3A_48 = arith.mulf %mul3A_47, %get3A_36 : vector<2048x128xf32>
    %sub3A_49 = arith.subf %get3A_41, %mul3A_48 : vector<2048x128xf32>
    %mul3A_50 = arith.mulf %add3A_31, %add3A_31 : vector<2048x128xf32>
    %mul3A_51 = arith.constant 1.600000e+01 : f32
    %mul3A_52 = vector.broadcast %mul3A_51 : f32 to vector<2048x128xf32>
    %mul3A_53 = arith.mulf %mul3A_52, %mul3A_50 : vector<2048x128xf32>
    %add3A_54 = arith.addf %sub3A_49, %mul3A_53 : vector<2048x128xf32>
    %eq3A = arith.constant 0 : i32
    %eq3A_55 = arith.cmpi eq, %arg0, %eq3A : i32
    %convert_element_type3A = arith.extui %eq3A_55 : i1 to i32
    %cond3A = arith.constant 0 : i32
    %cond3A_56 = arith.cmpi ne, %convert_element_type3A, %cond3A : i32
    scf.if %cond3A_56 {
      %broadcast_in_dim3A_74 = arith.constant 0.000000e+00 : f32
      %broadcast_in_dim3A_75 = vector.broadcast %broadcast_in_dim3A_74 : f32 to vector<8x128xf32>
      %swap3A_76 = arith.constant 0 : index
      %swap3A_77 = arith.constant 0 : index
      %swap3A_78 = vector.load %arg7[%swap3A_76, %swap3A_77] : memref<8x128xf32, #tpu.memory_space<vmem>>, vector<8x128xf32>
      tpu.vector_store %arg7[%swap3A_76, %swap3A_77], %broadcast_in_dim3A_75 {strides = array<i32>} : memref<8x128xf32, #tpu.memory_space<vmem>>, vector<8x128xf32>,
    } else {
    }
    %get3A_57 = arith.constant 0 : index
    %get3A_58 = arith.constant 0 : index
    %get3A_59 = vector.load %arg7[%get3A_57, %get3A_58] : memref<8x128xf32, #tpu.memory_space<vmem>>, vector<1x128xf32>
    %reduce_sum3A = arith.constant dense<0.000000e+00> : vector<128xf32>
    %reduce_sum3A_60 = vector.multi_reduction <add>, %sub3A, %reduce_sum3A [0] : vector<2048x128xf32> to vector<128xf32>
    %broadcast_in_dim3A = vector.shape_cast %reduce_sum3A_60 : vector<128xf32> to vector<1x128xf32>
    %add3A_61 = arith.addf %get3A_59, %broadcast_in_dim3A : vector<1x128xf32>
    %swap3A = arith.constant 0 : index
    %swap3A_62 = arith.constant 0 : index
    %swap3A_63 = vector.load %arg7[%swap3A, %swap3A_62] : memref<8x128xf32, #tpu.memory_space<vmem>>, vector<1x128xf32>
    tpu.vector_store %arg7[%swap3A, %swap3A_62], %add3A_61 {strides = array<i32>} : memref<8x128xf32, #tpu.memory_space<vmem>>, vector<1x128xf32>,
    %get3A_64 = arith.constant 1 : index
    %get3A_65 = arith.constant 0 : index
    %get3A_66 = vector.load %arg7[%get3A_64, %get3A_65] : memref<8x128xf32, #tpu.memory_space<vmem>>, vector<1x128xf32>
    %reduce_sum3A_67 = arith.constant dense<0.000000e+00> : vector<128xf32>
    %reduce_sum3A_68 = vector.multi_reduction <add>, %add3A_54, %reduce_sum3A_67 [0] : vector<2048x128xf32> to vector<128xf32>
    %broadcast_in_dim3A_69 = vector.shape_cast %reduce_sum3A_68 : vector<128xf32> to vector<1x128xf32>
    %add3A_70 = arith.addf %get3A_66, %broadcast_in_dim3A_69 : vector<1x128xf32>
    %swap3A_71 = arith.constant 1 : index
    %swap3A_72 = arith.constant 0 : index
    %swap3A_73 = vector.load %arg7[%swap3A_71, %swap3A_72] : memref<8x128xf32, #tpu.memory_space<vmem>>, vector<1x128xf32>
    tpu.vector_store %arg7[%swap3A_71, %swap3A_72], %add3A_70 {strides = array<i32>} : memref<8x128xf32, #tpu.memory_space<vmem>>, vector<1x128xf32>,
    return
  }
  func.func @transform_0(%arg0: i32) -> (i32, i32, i32) {
    %c0_i32 = arith.constant 0 : i32
    %c0_i32_0 = arith.constant 0 : i32
    %c0_i32_1 = arith.constant 0 : i32
    return %arg0, %c0_i32, %c0_i32_0 : i32, i32, i32
  }
  func.func @transform_1(%arg0: i32) -> (i32, i32, i32) {
    %c0_i32 = arith.constant 0 : i32
    %c0_i32_0 = arith.constant 0 : i32
    %c0_i32_1 = arith.constant 0 : i32
    return %arg0, %c0_i32, %c0_i32_0 : i32, i32, i32
  }
  func.func @transform_2(%arg0: i32) -> (i32, i32, i32) {
    %c0_i32 = arith.constant 0 : i32
    %c0_i32_0 = arith.constant 0 : i32
    %c0_i32_1 = arith.constant 0 : i32
    return %arg0, %c0_i32, %c0_i32_0 : i32, i32, i32
  }
  func.func @transform_3(%arg0: i32) -> (i32, i32, i32) {
    %c0_i32 = arith.constant 0 : i32
    %c0_i32_0 = arith.constant 0 : i32
    %c0_i32_1 = arith.constant 0 : i32
    return %arg0, %c0_i32, %c0_i32_0 : i32, i32, i32
  }
  func.func @transform_4(%arg0: i32) -> (i32, i32, i32) {
    %c0_i32 = arith.constant 0 : i32
    %c0_i32_0 = arith.constant 0 : i32
    %c0_i32_1 = arith.constant 0 : i32
    return %arg0, %c0_i32, %c0_i32_0 : i32, i32, i32
  }
  func.func @transform_5(%arg0: i32) -> (i32, i32) {
    %c0_i32 = arith.constant 0 : i32
    %c0_i32_0 = arith.constant 0 : i32
    %c0_i32_1 = arith.constant 0 : i32
    return %c0_i32, %c0_i32_0 : i32, i32
  }
  func.func @transform_6(%arg0: i32) -> (i32, i32) {
    %c0_i32 = arith.constant 0 : i32
    %c0_i32_0 = arith.constant 0 : i32
    %c0_i32_1 = arith.constant 0 : i32
    return %c0_i32, %c0_i32_0 : i32, i32
  }
}

module attributes {stable_mosaic.version = 14 : i64} {
  func.func @_apply_body(%arg0: i32, %arg1: memref<1x2048x128xf32, #tpu.memory_space<vmem>>, %arg2: memref<1x2048x128xf32, #tpu.memory_space<vmem>>, %arg3: memref<1x2048x1xf32, #tpu.memory_space<vmem>>, %arg4: memref<1x2048x1xf32, #tpu.memory_space<vmem>>, %arg5: memref<1x2048x1xf32, #tpu.memory_space<vmem>>, %arg6: memref<128x128xf32, #tpu.memory_space<vmem>>, %arg7: memref<8x128xf32, #tpu.memory_space<vmem>>, %arg8: memref<8x128xf32, #tpu.memory_space<vmem>>, %arg9: memref<1x2048x128xf32, #tpu.memory_space<vmem>>) attributes {dimension_semantics = [#tpu.dimension_semantics<arbitrary>], iteration_bounds = array<i64: 4>, scalar_prefetch = 0 : i64, scratch_operands = 0 : i64, tpu.core_type = #tpu.core_type<tc>, window_params = [{transform_indices = @transform_0, window_bounds = array<i64: 1, 2048, 128>}, {transform_indices = @transform_1, window_bounds = array<i64: 1, 2048, 128>}, {transform_indices = @transform_2, window_bounds = array<i64: 1, 2048, 1>}, {transform_indices = @transform_3, window_bounds = array<i64: 1, 2048, 1>}, {transform_indices = @transform_4, window_bounds = array<i64: 1, 2048, 1>}, {pipeline_mode = #tpu.pipeline_mode<synchronous>, transform_indices = @transform_5, window_bounds = array<i64: 128, 128>}, {pipeline_mode = #tpu.pipeline_mode<synchronous>, transform_indices = @transform_6, window_bounds = array<i64: 8, 128>}, {pipeline_mode = #tpu.pipeline_mode<synchronous>, transform_indices = @transform_7, window_bounds = array<i64: 8, 128>}, {transform_indices = @transform_8, window_bounds = array<i64: 1, 2048, 128>}]} {
    %get3A = arith.constant 0 : index
    %get3A_0 = arith.constant 0 : index
    %get3A_1 = arith.constant 0 : index
    %get3A_2 = vector.load %arg3[%get3A, %get3A_0, %get3A_1] : memref<1x2048x1xf32, #tpu.memory_space<vmem>>, vector<1x2048x1xf32>
    %get3A_3 = vector.shape_cast %get3A_2 : vector<1x2048x1xf32> to vector<2048x1xf32>
    %get3A_4 = arith.constant 0 : index
    %get3A_5 = arith.constant 0 : index
    %get3A_6 = vector.load %arg6[%get3A_4, %get3A_5] : memref<128x128xf32, #tpu.memory_space<vmem>>, vector<1x128xf32>
    %mul3A = vector.broadcast %get3A_3 : vector<2048x1xf32> to vector<2048x128xf32>
    %mul3A_7 = vector.broadcast %get3A_6 : vector<1x128xf32> to vector<2048x128xf32>
    %mul3A_8 = arith.mulf %mul3A, %mul3A_7 : vector<2048x128xf32>
    %get3A_9 = arith.constant 0 : index
    %get3A_10 = arith.constant 0 : index
    %get3A_11 = arith.constant 0 : index
    %get3A_12 = vector.load %arg4[%get3A_9, %get3A_10, %get3A_11] : memref<1x2048x1xf32, #tpu.memory_space<vmem>>, vector<1x2048x1xf32>
    %get3A_13 = vector.shape_cast %get3A_12 : vector<1x2048x1xf32> to vector<2048x1xf32>
    %get3A_14 = arith.constant 1 : index
    %get3A_15 = arith.constant 0 : index
    %get3A_16 = vector.load %arg6[%get3A_14, %get3A_15] : memref<128x128xf32, #tpu.memory_space<vmem>>, vector<1x128xf32>
    %mul3A_17 = vector.broadcast %get3A_13 : vector<2048x1xf32> to vector<2048x128xf32>
    %mul3A_18 = vector.broadcast %get3A_16 : vector<1x128xf32> to vector<2048x128xf32>
    %mul3A_19 = arith.mulf %mul3A_17, %mul3A_18 : vector<2048x128xf32>
    %add3A = arith.addf %mul3A_8, %mul3A_19 : vector<2048x128xf32>
    %get3A_20 = arith.constant 0 : index
    %get3A_21 = arith.constant 0 : index
    %get3A_22 = arith.constant 0 : index
    %get3A_23 = vector.load %arg5[%get3A_20, %get3A_21, %get3A_22] : memref<1x2048x1xf32, #tpu.memory_space<vmem>>, vector<1x2048x1xf32>
    %get3A_24 = vector.shape_cast %get3A_23 : vector<1x2048x1xf32> to vector<2048x1xf32>
    %get3A_25 = arith.constant 2 : index
    %get3A_26 = arith.constant 0 : index
    %get3A_27 = vector.load %arg6[%get3A_25, %get3A_26] : memref<128x128xf32, #tpu.memory_space<vmem>>, vector<1x128xf32>
    %mul3A_28 = vector.broadcast %get3A_24 : vector<2048x1xf32> to vector<2048x128xf32>
    %mul3A_29 = vector.broadcast %get3A_27 : vector<1x128xf32> to vector<2048x128xf32>
    %mul3A_30 = arith.mulf %mul3A_28, %mul3A_29 : vector<2048x128xf32>
    %add3A_31 = arith.addf %add3A, %mul3A_30 : vector<2048x128xf32>
    %get3A_32 = arith.constant 0 : index
    %get3A_33 = arith.constant 0 : index
    %get3A_34 = vector.load %arg7[%get3A_32, %get3A_33] : memref<8x128xf32, #tpu.memory_space<vmem>>, vector<1x128xf32>
    %div3A = arith.constant 1.310720e+05 : f32
    %div3A_35 = vector.broadcast %div3A : f32 to vector<1x128xf32>
    %div3A_36 = arith.divf %get3A_34, %div3A_35 : vector<1x128xf32>
    %get3A_37 = arith.constant 1 : index
    %get3A_38 = arith.constant 0 : index
    %get3A_39 = vector.load %arg7[%get3A_37, %get3A_38] : memref<8x128xf32, #tpu.memory_space<vmem>>, vector<1x128xf32>
    %div3A_40 = arith.constant 1.310720e+05 : f32
    %div3A_41 = vector.broadcast %div3A_40 : f32 to vector<1x128xf32>
    %div3A_42 = arith.divf %get3A_39, %div3A_41 : vector<1x128xf32>
    %mul3A_43 = arith.mulf %div3A_36, %div3A_36 : vector<1x128xf32>
    %sub3A = arith.subf %div3A_42, %mul3A_43 : vector<1x128xf32>
    %get3A_44 = arith.constant 0 : index
    %get3A_45 = arith.constant 0 : index
    %get3A_46 = vector.load %arg8[%get3A_44, %get3A_45] : memref<8x128xf32, #tpu.memory_space<vmem>>, vector<1x128xf32>
    %get3A_47 = arith.constant 1 : index
    %get3A_48 = arith.constant 0 : index
    %get3A_49 = vector.load %arg8[%get3A_47, %get3A_48] : memref<8x128xf32, #tpu.memory_space<vmem>>, vector<1x128xf32>
    %add3A_50 = arith.constant 9.99999974E-6 : f32
    %add3A_51 = vector.broadcast %add3A_50 : f32 to vector<1x128xf32>
    %add3A_52 = arith.addf %sub3A, %add3A_51 : vector<1x128xf32>
    %rsqrt3A = math.rsqrt %add3A_52 : vector<1x128xf32>
    %mul3A_53 = arith.mulf %get3A_46, %rsqrt3A : vector<1x128xf32>
    %mul3A_54 = arith.mulf %div3A_36, %mul3A_53 : vector<1x128xf32>
    %sub3A_55 = arith.subf %get3A_49, %mul3A_54 : vector<1x128xf32>
    %ge3A = arith.constant 0.000000e+00 : f32
    %ge3A_56 = vector.broadcast %ge3A : f32 to vector<1x128xf32>
    %ge3A_57 = arith.cmpf oge, %get3A_46, %ge3A_56 : vector<1x128xf32>
    %get3A_58 = arith.constant 0 : index
    %get3A_59 = arith.constant 0 : index
    %get3A_60 = arith.constant 0 : index
    %get3A_61 = vector.load %arg1[%get3A_58, %get3A_59, %get3A_60] : memref<1x2048x128xf32, #tpu.memory_space<vmem>>, vector<1x2048x128xf32>
    %get3A_62 = vector.shape_cast %get3A_61 : vector<1x2048x128xf32> to vector<2048x128xf32>
    %get3A_63 = arith.constant 0 : index
    %get3A_64 = arith.constant 0 : index
    %get3A_65 = arith.constant 0 : index
    %get3A_66 = vector.load %arg2[%get3A_63, %get3A_64, %get3A_65] : memref<1x2048x128xf32, #tpu.memory_space<vmem>>, vector<1x2048x128xf32>
    %get3A_67 = vector.shape_cast %get3A_66 : vector<1x2048x128xf32> to vector<2048x128xf32>
    %broadcast_in_dim3A = vector.shape_cast %ge3A_57 : vector<1x128xi1> to vector<1x128xi1>
    %broadcast_in_dim3A_68 = vector.broadcast %broadcast_in_dim3A : vector<1x128xi1> to vector<2048x128xi1>
    %select_n3A = arith.select %broadcast_in_dim3A_68, %get3A_62, %get3A_67 : vector<2048x128xi1>, vector<2048x128xf32>
    %sub3A_69 = arith.subf %select_n3A, %add3A_31 : vector<2048x128xf32>
    %mul3A_70 = vector.broadcast %mul3A_53 : vector<1x128xf32> to vector<2048x128xf32>
    %mul3A_71 = arith.mulf %sub3A_69, %mul3A_70 : vector<2048x128xf32>
    %add3A_72 = vector.broadcast %sub3A_55 : vector<1x128xf32> to vector<2048x128xf32>
    %add3A_73 = arith.addf %mul3A_71, %add3A_72 : vector<2048x128xf32>
    %max3A = arith.constant 0.000000e+00 : f32
    %max3A_74 = vector.broadcast %max3A : f32 to vector<2048x128xf32>
    %max3A_75 = arith.maximumf %add3A_73, %max3A_74 : vector<2048x128xf32>
    %swap3A = arith.constant 0 : index
    %swap3A_76 = arith.constant 0 : index
    %swap3A_77 = arith.constant 0 : index
    %swap3A_78 = vector.load %arg9[%swap3A, %swap3A_76, %swap3A_77] : memref<1x2048x128xf32, #tpu.memory_space<vmem>>, vector<1x2048x128xf32>
    %swap3A_79 = vector.shape_cast %swap3A_78 : vector<1x2048x128xf32> to vector<2048x128xf32>
    %swap3A_80 = vector.shape_cast %max3A_75 : vector<2048x128xf32> to vector<1x2048x128xf32>
    tpu.vector_store %arg9[%swap3A, %swap3A_76, %swap3A_77], %swap3A_80 {strides = array<i32>} : memref<1x2048x128xf32, #tpu.memory_space<vmem>>, vector<1x2048x128xf32>,
    return
  }
  func.func @transform_0(%arg0: i32) -> (i32, i32, i32) {
    %c0_i32 = arith.constant 0 : i32
    %c0_i32_0 = arith.constant 0 : i32
    %c0_i32_1 = arith.constant 0 : i32
    return %arg0, %c0_i32, %c0_i32_0 : i32, i32, i32
  }
  func.func @transform_1(%arg0: i32) -> (i32, i32, i32) {
    %c0_i32 = arith.constant 0 : i32
    %c0_i32_0 = arith.constant 0 : i32
    %c0_i32_1 = arith.constant 0 : i32
    return %arg0, %c0_i32, %c0_i32_0 : i32, i32, i32
  }
  func.func @transform_2(%arg0: i32) -> (i32, i32, i32) {
    %c0_i32 = arith.constant 0 : i32
    %c0_i32_0 = arith.constant 0 : i32
    %c0_i32_1 = arith.constant 0 : i32
    return %arg0, %c0_i32, %c0_i32_0 : i32, i32, i32
  }
  func.func @transform_3(%arg0: i32) -> (i32, i32, i32) {
    %c0_i32 = arith.constant 0 : i32
    %c0_i32_0 = arith.constant 0 : i32
    %c0_i32_1 = arith.constant 0 : i32
    return %arg0, %c0_i32, %c0_i32_0 : i32, i32, i32
  }
  func.func @transform_4(%arg0: i32) -> (i32, i32, i32) {
    %c0_i32 = arith.constant 0 : i32
    %c0_i32_0 = arith.constant 0 : i32
    %c0_i32_1 = arith.constant 0 : i32
    return %arg0, %c0_i32, %c0_i32_0 : i32, i32, i32
  }
  func.func @transform_5(%arg0: i32) -> (i32, i32) {
    %c0_i32 = arith.constant 0 : i32
    %c0_i32_0 = arith.constant 0 : i32
    %c0_i32_1 = arith.constant 0 : i32
    return %c0_i32, %c0_i32_0 : i32, i32
  }
  func.func @transform_6(%arg0: i32) -> (i32, i32) {
    %c0_i32 = arith.constant 0 : i32
    %c0_i32_0 = arith.constant 0 : i32
    %c0_i32_1 = arith.constant 0 : i32
    return %c0_i32, %c0_i32_0 : i32, i32
  }
  func.func @transform_7(%arg0: i32) -> (i32, i32) {
    %c0_i32 = arith.constant 0 : i32
    %c0_i32_0 = arith.constant 0 : i32
    %c0_i32_1 = arith.constant 0 : i32
    return %c0_i32, %c0_i32_0 : i32, i32
  }
  func.func @transform_8(%arg0: i32) -> (i32, i32, i32) {
    %c0_i32 = arith.constant 0 : i32
    %c0_i32_0 = arith.constant 0 : i32
    %c0_i32_1 = arith.constant 0 : i32
    return %arg0, %c0_i32, %c0_i32_0 : i32, i32, i32
  }
}

</mosaic_0001>

<sc_bundles>
// kernel: kernel.8.cloned.1.call-start
scs
__scs_entry_jumppad:
0x0: {  	(pc) =	sbr.rel $0x88, $3  }
0x1: {  	(tag) =	ssettag $0x0;
	lr =	simm.s32 $0x1  }
0x2: {  	[smem:$0x3F9B] =	sst lr;
	_ =	strace $0xD0000000  }
0x3: {  	_ = 	snop  }
0x4: {  	_ = 	snop  }
0x5: {  	_ = 	snop  }
0x6: {  	_ = 	snop  }
0x7: {  	_ = 	snop  }
__scs_overlays_trampoline_lowered:
0x8: {  	[smem:$0x3FAA] =	sst s0  }
0x9: {  	[smem:$0x3FAB] =	sst s1  }
0xa: {  	[smem:$0x3FAC] =	sst s2  }
0xb: {  	[smem:$0x3FAD] =	sst s3  }
0xc: {  	[smem:$0x3FAE] =	sst s4  }
0xd: {  	[smem:$0x3FAF] =	sst s5  }
0xe: {  	[smem:$0x3FB0] =	sst s6  }
0xf: {  	[smem:$0x3FB1] =	sst s7  }
0x10: {  	[smem:$0x3FB2] =	sst s8  }
0x11: {  	[smem:$0x3FB3] =	sst s9;
	s0 =	simm.s32 @!p0 $0x0  }
0x12: {  	s1 =	sld [smem:$0x3F99];
	s0 =	simm.s32 @p0 $0x1  }
0x13: {  	[smem:$0x3FB4] =	sst s0;
	s0 =	simm.s32 @!p1 $0x0  }
0x14: {  	s2 =	sld [smem:$0x3F98];
	s0 =	simm.s32 @p1 $0x1  }
0x15: {  	[smem:$0x3FB5] =	sst s0;
	s0 =	simm.s32 @!p2 $0x0  }
0x16: {  	s3 =	sld [smem:$0x3FDB];
	s0 =	simm.s32 @p2 $0x1  }
0x17: {  	s4 =	simm.s32 $0x1BF5;
	[smem:$0x3FB7] =	sst s0  }
0x18: {  	s0 =	sld [smem:$0x3F9A];
	_ =	swait.ge [sflag:s4], $0x0  }
0x19: {  	s7 =	sld [smem:$0x3F9B]  }
0x1a: {  	s8 =	sadd.s32 $0xFFFFE003, lr  }
0x1b: {  	s9 =	sadd.s32 $0xFFFFFEF7, lr;
	s5 =	simm.s32 $0xFFFFFFFF;
	p2 =	slt.u32 s8, $0xFFFFF086  }
0x1c: {  	p1 =	slt.u32 s9, $0xF7A;
	s5 =	simm.s32 @!p2 $0x0  }
0x1d: {  	s5 =	simm.s32 @p1 $0x1;
	p0 =	seq.s32 s7, s2  }
0x1e: {  	s7 =	smul.u32 @!p0 $0xF7A, s2;
	p2 =	seq.s32 @!p0 s5, $0x0  }
0x1f: {  	s9 =	smul.u32 $0xF7A, s1;
	s8 =	simm.s32 @!p0 $0x1BF5;
	p2 =	por !p2, p0  }
0x20: {  	[sflag:s8] =	ssyncset.s32 @!p0 $0xFFFFF086;
	s6 =	sadd.s32 @!p0 s3, s7;
	s7 =	simm.s32 @!p0 $0x108  }
0x21: {  	s3 =	sadd.s32 s3, s9;
	s6 =	sadd.s32 @!p0 $0x88, s6;
	s7 =	simm.s32 @p2 $0x1082  }
0x22: {  	[simem:s7], [sflag:s8] =	dma.local @!p0 [hbm:s6], $0xF7A  }
0x23: {  	s9 =	sor.u32 $0xD0000000, s2;
	s6 =	simm.s32 $0x108;
	_ =	swait.ge @!p0 [sflag:s8], $0x0  }
0x24: {  	s3 =	sadd.s32 $0x88, s3;
	s6 =	simm.s32 @!p1 $0x1082;
	[sflag:s4] =	ssyncset.s32 $0xFFFFF086  }
0x25: {  	[simem:s6], [sflag:s4] =	dma.local [hbm:s3], $0xF7A  }
0x26: {  	[smem:$0x3F9B] =	sst s1;
	(tag) =	ssettag s2;
	_ =	strace s9  }
0x27: {  	s1 =	sld [smem:$0x3FAB]  }
0x28: {  	s2 =	sld [smem:$0x3FAC]  }
0x29: {  	s4 =	sld [smem:$0x3FAE]  }
0x2a: {  	p0 =	seq.s32 s5, $0x0;
	s5 =	sld [smem:$0x3FAF]  }
0x2b: {  	s6 =	sld [smem:$0x3FB0]  }
0x2c: {  	s7 =	sld [smem:$0x3FB1]  }
0x2d: {  	s3 =	simm.s32 $0x108;
	s8 =	sld [smem:$0x3FB2]  }
0x2e: {  	s3 =	simm.s32 @!p0 $0x1082;
	s9 =	sld [smem:$0x3FB3]  }
0x2f: {  	lr =	sadd.s32 s0, s3;
	s0 =	sld [smem:$0x3FAA]  }
0x30: {  	s3 =	sld [smem:$0x3FAD]  }
0x31: {  	[smem:$0x3FB6] =	sst s10  }
0x32: {  	s10 =	sld [smem:$0x3FB4];
	_ =	sdelay $0x3  }
0x33: {  	p0 =	seq.s32 s10, $0x1;
	s10 =	sld [smem:$0x3FB6];
	_ =	sdelay $0x3  }
0x34: {  	[smem:$0x3FB6] =	sst s10  }
0x35: {  	s10 =	sld [smem:$0x3FB5];
	_ =	sdelay $0x3  }
0x36: {  	p1 =	seq.s32 s10, $0x1;
	s10 =	sld [smem:$0x3FB6];
	_ =	sdelay $0x3  }
0x37: {  	[smem:$0x3FB6] =	sst s10  }
0x38: {  	s10 =	sld [smem:$0x3FB7]  }
0x39: {  	_ = 	snop;
	(pc) =	sbr.ind lr, $3  }
0x3a: {  	_ = 	snop  }
0x3b: {  	_ = 	snop  }
0x3c: {  	p2 =	seq.s32 s10, $0x1;
	s10 =	sld [smem:$0x3FB6]  }
0x3d: {  	_ =	shalt  }
0x3e: {  	_ =	shalt  }
0x3f: {  	_ =	shalt  }
0x40: {  	_ =	shalt  }
0x41: {  	_ =	shalt  }
0x42: {  	_ =	shalt  }
0x43: {  	_ =	shalt  }
0x44: {  	_ =	shalt  }
0x45: {  	_ =	shalt  }
0x46: {  	_ =	shalt  }
0x47: {  	_ =	shalt  }
0x48: {  	_ =	shalt  }
0x49: {  	_ =	shalt  }
0x4a: {  	_ =	shalt  }
0x4b: {  	_ =	shalt  }
0x4c: {  	_ =	shalt  }
0x4d: {  	_ =	shalt  }
0x4e: {  	_ =	shalt  }
0x4f: {  	_ =	shalt  }
0x50: {  	_ =	shalt  }
0x51: {  	_ =	shalt  }
0x52: {  	_ =	shalt  }
0x53: {  	_ =	shalt  }
0x54: {  	_ =	shalt  }
0x55: {  	_ =	shalt  }
0x56: {  	_ =	shalt  }
0x57: {  	_ =	shalt  }
0x58: {  	_ =	shalt  }
0x59: {  	_ =	shalt  }
0x5a: {  	_ =	shalt  }
0x5b: {  	_ =	shalt  }
0x5c: {  	_ =	shalt  }
0x5d: {  	_ =	shalt  }
0x5e: {  	_ =	shalt  }
0x5f: {  	_ =	shalt  }
0x60: {  	_ =	shalt  }
0x61: {  	_ =	shalt  }
0x62: {  	_ =	shalt  }
0x63: {  	_ =	shalt  }
0x64: {  	_ =	shalt  }
0x65: {  	_ =	shalt  }
0x66: {  	_ =	shalt  }
0x67: {  	_ =	shalt  }
0x68: {  	_ =	shalt  }
0x69: {  	_ =	shalt  }
0x6a: {  	_ =	shalt  }
0x6b: {  	_ =	shalt  }
0x6c: {  	_ =	shalt  }
0x6d: {  	_ =	shalt  }
0x6e: {  	_ =	shalt  }
0x6f: {  	_ =	shalt  }
0x70: {  	_ =	shalt  }
0x71: {  	_ =	shalt  }
0x72: {  	_ =	shalt  }
0x73: {  	_ =	shalt  }
0x74: {  	_ =	shalt  }
0x75: {  	_ =	shalt  }
0x76: {  	_ =	shalt  }
0x77: {  	_ =	shalt  }
0x78: {  	_ =	shalt  }
0x79: {  	_ =	shalt  }
0x7a: {  	_ =	shalt  }
0x7b: {  	_ =	shalt  }
0x7c: {  	_ =	shalt  }
0x7d: {  	_ =	shalt  }
0x7e: {  	_ =	shalt  }
0x7f: {  	_ =	shalt  }
0x80: {  	_ =	shalt  }
0x81: {  	_ =	shalt  }
0x82: {  	_ =	shalt  }
0x83: {  	_ =	shalt  }
0x84: {  	_ =	shalt  }
0x85: {  	_ =	shalt  }
0x86: {  	_ =	shalt  }
0x87: {  	_ =	shalt  }
.Lfunc_end0:
.L_simem_size_0:
called_computation_lowered:
.L_overlay_start_0:
0x88: {  	s2 =	sld [smem:$0x3FD9]  }
0x89: {  	s3 =	sld [smem:$0x3FFE];
	_ =	sdelay $0x1  }
0x8a: {  	s1 =	srdreg.scid  }
0x8b: {  	s0 =	sand.u32 $0x1, s1  }
0x8c: {  	s16 =	sshll.u32 s0, $0xA;
	s2 =	sadd.s32 s3, s2  }
0x8d: {  	s2 =	sadd.s32 s2, s16  }
0x8e: {  	[smem:$0x3FC2] =	sst s2  }
0x8f: {  	_ = 	snop  }
0x90: {  	(tm) =	ssettm $0x1  }
0x91: {  	s17 =	sld [smem:$0x3FFB];
	_ =	sdelay $0x3  }
0x92: {  	_ =	strace s17  }
0x93: {  	s2 =	sld [smem:$0x3FFC];
	_ =	sdelay $0x3  }
0x94: {  	_ =	strace s2  }
0x95: {  	s2 =	sld [smem:$0x3FFD];
	_ =	sdelay $0x3  }
0x96: {  	_ =	strace s2  }
0x97: {  	_ =	strace $0x8FFFFFFF  }
0x98: {  	s18 =	sld [smem:$0x3FDB];
	_ =	sdelay $0x1  }
0x99: {  	s19 =	simm.s32 $_scs_section_size  }
0x9a: {  	s4 =	simm.s32 $_size__tile_overlayer_lowered;
	s5 =	simm.s32 $_tile_overlayer_lowered  }
0x9b: {  	s22 =	simm.s32 $0x1BFF;
	s21 =	sshll.u32 s5, $0x1;
	s2 =	sadd.s32 s19, s18  }
0x9c: {  	s6 =	simm.s32 $0x0;
	s20 =	sshll.u32 s4, $0x1;
	s4 =	sadd.s32 s21, s2  }
0x9d: {  	[timem:s6], [sflag:s22] =	dma.local [hbm:s4], s20  }
0x9e: {  	_ =	swait.ge [sflag:s22], s20  }
0x9f: {  	s3 =	ssub.s32 $0x0, s20;
	[sflag:s22] =	ssyncset.done $0x0  }
0xa0: {  	[sflag:s22] =	ssyncadd.s32 s3;
	_ =	sdelay $0x1  }
0xa1: {  	s23 =	simm.s32 $0x1B8B  }
0xa2: {  	_ =	swait.ge [sflag:s23], $0x1  }
0xa3: {  	[sflag:s23] =	ssyncset.done $0x0  }
0xa4: {  	s25 =	simm.s32 $0x1B8E;
	s24 =	sld [smem:$0x3FFE];
	[sflag:s23] =	ssyncadd.s32 $0xFFFFFFFF  }
0xa5: {  	s26 =	simm.s32 $execute0_lowered;
	[smem:$0x3FD2] =	sst s25  }
0xa6: {  	s4 =	sshll.u32 s26, $0x1;
	_ =	strace $0x80000046;
	[dreg:$0x1] =	wrdreg $0xFFFFFFFF  }
0xa7: {  	s28 =	simm.s32 $_size_execute0_lowered;
	s2 =	sadd.s32 s2, s4;
	[dreg:$0x0] =	wrdreg $0x0  }
0xa8: {  	s4 =	sshll.u32 s28, $0x1;
	[dreg:$0x2] =	wrdreg s2  }
0xa9: {  	[dreg:$0x3] =	wrdreg s4  }
0xaa: {  	[dreg:$0x4] =	wrdreg $0xC0  }
0xab: {  	_ =	task [dreg:s6], $0x5FFFF  }
0xac: {  	[dreg:$0x1] =	wrdreg $0xFFFFFFFF  }
0xad: {  	[dreg:$0x0] =	wrdreg $0x60  }
0xae: {  	[dreg:$0x2] =	wrdreg s24  }
0xaf: {  	[dreg:$0x3] =	wrdreg $0x9  }
0xb0: {  	_ =	task.clear_ibuf [dreg:s6], $0x4FFFF;
	_ =	strace $0x90000046  }
0xb1: {  	s29 =	simm.s32 $0x9;
	_ =	strace $0x80000048  }
0xb2: {  	_ =	swait.ge [sflag:s29], $0x1  }
0xb3: {  	[sflag:s29] =	ssyncadd.s32 $0xFFFFFFFF  }
0xb4: {  	_ =	strace $0x90000048  }
0xb5: {  	_ =	sfence  }
0xb6: {  	s30 =	sld [smem:$0x0];
	_ =	sdelay $0x2  }
0xb7: {  	s31 =	sshll.u32 s1, $0xD;
	s1 =	sshrl.u32 s1, $0x2  }
0xb8: {  	s3 =	sand.u32 $0x4000, s31;
	s1 =	sadd.s32 s1, s30  }
0xb9: {  	s0 =	sor.u32 s3, s0;
	s1 =	sshll.u32 s1, $0x11  }
0xba: {  	s0 =	sor.u32 s1, s0  }
0xbb: {  	s0 =	sadd.s32 $0x8F2B, s0  }
0xbc: {  	[sflag:s0] =	ssyncadd.remote.s32 $0x1  }
0xbd: {  	_ =	sfence.sel $0xFFFF  }
0xbe: {  	[dreg:$0x0] =	wrdreg $0xFFFFFFFF;
	(pc) =	sbr.abs _section_cstart, $3  }
0xbf: {  	[dreg:$0x1] =	wrdreg $0xFFFFFFFF  }
0xc0: {  	_ =	task.clear_ibuf [dreg:s6], $0x2FFFF;
	_ =	strace $0x9FFFFFFF  }
0xc1: {  	(tm) =	ssettm $0x7FFFFFFF  }
tec
execute0_lowered:
.L_overlay_start_1:
0x0: {  	(tag) =	ssettag $0x1  }
0x1: {  	s7 =	rddreg [dreg:$0x0]  }
0x2: {  	s0 =	rddreg [dreg:$0x1]  }
0x3: {  	s3 =	srdreg.scid;
	s1 =	stileid.u32;
	s2 =	simm.s32 $0x0  }
0x4: {  	s12 =	simm.s32 $0x80;
	s13 =	simm.s32 $0x1000;
	s14 =	simm.s32 $0x1  }
0x5: {  	s15 =	simm.s32 $0x5000;
	s16 =	simm.s32 $0x5400;
	s17 =	simm.s32 $0x5800  }
0x6: {  	s18 =	simm.s32 $0x5C00;
	s19 =	simm.s32 $0x0;
	s4 =	sand.u32 $0x1, s3  }
0x7: {  	s31 =	sshll.u32 s1, $0x1;
	[smem:$0x7FF] =	sst s2;
	s3 =	sadd.s32 $0x2A00, s7  }
0x8: {  	s6 =	sadd.s32 $0x82A00, s7;
	s9 =	sor.u32 s4, s31;
	_ =	strace $0x80000047  }
0x9: {  	s10 =	ssub.s32 $0x2, s4;
	s4 =	sadd.s32 $0xC2A00, s7;
	s5 =	sshll.u32 s9, $0x9  }
0xa: {  	s11 =	sshrl.u32 s10, $0x1;
	s9 =	sshll.u32 s9, $0xC;
	s8 =	sadd.s32 s5, s7  }
0xb: {  	s5 =	sadd.s32 $0xE2A00, s7;
	s7 =	sadd.s32 $0xA2A00, s7;
	s10 =	ssub.s32 s10, s11  }
0xc: {  	s11 =	simm.s32 $0x2;
	s8 =	sadd.s32 $0x102A00, s8;
	s10 =	smax.u32 s10, $0x1  }
.LBB2_1:
0xd: {  	[tilespmem:s2], [sflag:$0x2] =	stream.linear.gather [hbm4b:s8+s2], $0x1000, $0x38;
	[tilespmem:$0x6000] =	vst v63  }
0xe: {  	_ =	swait.ge [sflag:s11], $0x1000  }
0xf: {  	[sflag:s11] =	ssyncset.done $0x0  }
0x10: {  	s20 =	simm.s32 $0x0;
	[sflag:s11] =	ssyncadd.s32 $0xFFFFF000  }
.LBB2_2:
0x11: {  	s21 =	sshll.u32 s20, $0x7  }
0x12: {  	s22 =	sand.u32 $0x3FFFFF80, s21  }
0x13: {  	[tilespmem:s13], [sflag:$0x1] =	stream.indirect.gather [hbm4b:s3+s12], $0x80, s22, s12, $0xb8;
	[tilespmem:$0x6000] =	vst v63  }
0x14: {  	_ =	swait.ge [sflag:s14], $0x4000  }
0x15: {  	[sflag:s14] =	ssyncset.done $0x0  }
0x16: {  	s23 =	simm.s32 $0x1400;
	s22 =	simm.s32 $0x0;
	[sflag:s14] =	ssyncadd.s32 $0xFFFFC000  }
.LBB2_3:
0x17: {  	v0 =	vld [tilespmem:s23+$0xFFFFFC00]  }
0x18: {  	v1 =	vld [tilespmem:s23+$0xFFFFFC80];
	_ =	sdelay $0x1  }
0x19: {  	v2 =	vld [tilespmem:s23+$0xFFFFFD00];
	_ =	sdelay $0x1  }
0x1a: {  	v3 =	vld [tilespmem:s23+$0xFFFFFD80]  }
0x1b: {  	v7 =	vld [tilespmem:s23+$0xFFFFFE00];
	v4 =	vmul.f32 v0, v0;
	v5 =	vmul.f32 v1, v1  }
0x1c: {  	v8 =	vld [tilespmem:s23+$0xFFFFFE80];
	v6 =	vadd.f32 v1, v0  }
0x1d: {  	v9 =	vld [tilespmem:s23+$0xFFFFFF00];
	v60 =	vmul.f32 v2, v2;
	v4 =	vadd.f32 v5, v4  }
0x1e: {  	v10 =	vld [tilespmem:s23+$0xFFFFFF80];
	v6 =	vadd.f32 v2, v6  }
0x1f: {  	v12 =	vld [tilespmem:s23+$0x0];
	v61 =	vmul.f32 v3, v3;
	v4 =	vadd.f32 v60, v4  }
0x20: {  	v20 =	vld [tilespmem:s23+$0x80];
	v6 =	vadd.f32 v3, v6  }
0x21: {  	v23 =	vld [tilespmem:s23+$0x100];
	v62 =	vmul.f32 v7, v7;
	v4 =	vadd.f32 v61, v4  }
0x22: {  	v25 =	vld [tilespmem:s23+$0x180];
	v6 =	vadd.f32 v7, v6  }
0x23: {  	v27 =	vld [tilespmem:s23+$0x200];
	v63 =	vmul.f32 v8, v8;
	v4 =	vadd.f32 v62, v4  }
0x24: {  	v29 =	vld [tilespmem:s23+$0x280];
	v11 =	vmax.f32 v0, v1;
	v6 =	vadd.f32 v8, v6  }
0x25: {  	v31 =	vld [tilespmem:s23+$0x300];
	v0 =	vmin.f32 v0, v1;
	v17 =	vmul.f32 v9, v9;
	v16 =	vadd.f32 v63, v4  }
0x26: {  	v33 =	vld [tilespmem:s23+$0x380];
	v21 =	vmul.f32 v10, v10;
	v24 =	vmul.f32 v12, v12;
	v19 =	vadd.f32 v9, v6  }
0x27: {  	v26 =	vmul.f32 v20, v20;
	v28 =	vmul.f32 v23, v23;
	v1 =	vadd.f32 v17, v16  }
0x28: {  	v18 =	vmax.f32 v11, v2;
	v0 =	vmin.f32 v0, v2;
	v2 =	vadd.f32 v10, v19  }
0x29: {  	v30 =	vmul.f32 v25, v25;
	v32 =	vmul.f32 v27, v27;
	v1 =	vadd.f32 v21, v1  }
0x2a: {  	v34 =	vmul.f32 v29, v29;
	v35 =	vmul.f32 v31, v31;
	v2 =	vadd.f32 v12, v2  }
0x2b: {  	v36 =	vmul.f32 v33, v33;
	v5 =	vmax.f32 v18, v3;
	v1 =	vadd.f32 v24, v1  }
0x2c: {  	v0 =	vmin.f32 v0, v3;
	v22 =	vmax.f32 v5, v7;
	v2 =	vadd.f32 v20, v2  }
0x2d: {  	v0 =	vmin.f32 v0, v7;
	v3 =	vmax.f32 v22, v8;
	v1 =	vadd.f32 v26, v1  }
0x2e: {  	v0 =	vmin.f32 v0, v8;
	v3 =	vmax.f32 v3, v9;
	v2 =	vadd.f32 v23, v2  }
0x2f: {  	v0 =	vmin.f32 v0, v9;
	v3 =	vmax.f32 v3, v10;
	v1 =	vadd.f32 v28, v1  }
0x30: {  	v0 =	vmin.f32 v0, v10;
	v3 =	vmax.f32 v3, v12;
	v2 =	vadd.f32 v25, v2  }
0x31: {  	v0 =	vmin.f32 v0, v12;
	v3 =	vmax.f32 v3, v20;
	v1 =	vadd.f32 v30, v1  }
0x32: {  	v0 =	vmin.f32 v0, v20;
	v3 =	vmax.f32 v3, v23;
	v2 =	vadd.f32 v27, v2  }
0x33: {  	v0 =	vmin.f32 v0, v23;
	v3 =	vmax.f32 v3, v25;
	v1 =	vadd.f32 v32, v1  }
0x34: {  	v0 =	vmin.f32 v0, v25;
	v3 =	vmax.f32 v3, v27;
	v2 =	vadd.f32 v29, v2  }
0x35: {  	v0 =	vmin.f32 v0, v27;
	v3 =	vmax.f32 v3, v29;
	v1 =	vadd.f32 v34, v1  }
0x36: {  	v0 =	vmin.f32 v0, v29;
	v3 =	vmax.f32 v3, v31;
	v2 =	vadd.f32 v31, v2  }
0x37: {  	s24 =	sshra.s32 s22, $0x2;
	v0 =	vmin.f32 v0, v31;
	v3 =	vmax.f32 v3, v33;
	v1 =	vadd.f32 v35, v1  }
0x38: {  	v0 =	vmin.f32 v0, v33;
	[tilespmem:s24+$0x5000] =	vst v3;
	v2 =	vadd.f32 v33, v2  }
0x39: {  	[tilespmem:s24+$0x5400] =	vst v0;
	v1 =	vadd.f32 v36, v1  }
0x3a: {  	[tilespmem:s24+$0x5800] =	vst v2  }
0x3b: {  	[tilespmem:s24+$0x5C00] =	vst v1  }
0x3c: {  	v0 =	vld [tilespmem:s23+$0xFFFFFC10]  }
0x3d: {  	v1 =	vld [tilespmem:s23+$0xFFFFFC90];
	_ =	sdelay $0x1  }
0x3e: {  	v2 =	vld [tilespmem:s23+$0xFFFFFD10];
	_ =	sdelay $0x1  }
0x3f: {  	v3 =	vld [tilespmem:s23+$0xFFFFFD90]  }
0x40: {  	v40 =	vld [tilespmem:s23+$0xFFFFFE10];
	v37 =	vmul.f32 v0, v0;
	v38 =	vmul.f32 v1, v1  }
0x41: {  	v42 =	vld [tilespmem:s23+$0xFFFFFE90];
	v39 =	vadd.f32 v1, v0  }
0x42: {  	v44 =	vld [tilespmem:s23+$0xFFFFFF10];
	v41 =	vmul.f32 v2, v2;
	v4 =	vadd.f32 v38, v37  }
0x43: {  	v46 =	vld [tilespmem:s23+$0xFFFFFF90];
	v6 =	vadd.f32 v2, v39  }
0x44: {  	v49 =	vld [tilespmem:s23+$0x10];
	v43 =	vmul.f32 v3, v3;
	v4 =	vadd.f32 v41, v4  }
0x45: {  	v54 =	vld [tilespmem:s23+$0x90];
	v6 =	vadd.f32 v3, v6  }
0x46: {  	v57 =	vld [tilespmem:s23+$0x110];
	v45 =	vmul.f32 v40, v40;
	v4 =	vadd.f32 v43, v4  }
0x47: {  	v59 =	vld [tilespmem:s23+$0x190];
	v6 =	vadd.f32 v40, v6  }
0x48: {  	v61 =	vld [tilespmem:s23+$0x210];
	v47 =	vmul.f32 v42, v42;
	v4 =	vadd.f32 v45, v4  }
0x49: {  	v63 =	vld [tilespmem:s23+$0x290];
	v48 =	vmax.f32 v0, v1;
	v6 =	vadd.f32 v42, v6  }
0x4a: {  	v11 =	vld [tilespmem:s23+$0x310];
	v0 =	vmin.f32 v0, v1;
	v51 =	vmul.f32 v44, v44;
	v50 =	vadd.f32 v47, v4  }
0x4b: {  	v13 =	vld [tilespmem:s23+$0x390];
	v55 =	vmul.f32 v46, v46;
	v58 =	vmul.f32 v49, v49;
	v53 =	vadd.f32 v44, v6  }
0x4c: {  	v60 =	vmul.f32 v54, v54;
	v62 =	vmul.f32 v57, v57;
	v1 =	vadd.f32 v51, v50  }
0x4d: {  	v52 =	vmax.f32 v48, v2;
	v0 =	vmin.f32 v0, v2;
	v2 =	vadd.f32 v46, v53  }
0x4e: {  	v10 =	vmul.f32 v59, v59;
	v12 =	vmul.f32 v61, v61;
	v1 =	vadd.f32 v55, v1  }
0x4f: {  	v14 =	vmul.f32 v63, v63;
	v15 =	vmul.f32 v11, v11;
	v2 =	vadd.f32 v49, v2  }
0x50: {  	v16 =	vmul.f32 v13, v13;
	v5 =	vmax.f32 v52, v3;
	v1 =	vadd.f32 v58, v1  }
0x51: {  	v0 =	vmin.f32 v0, v3;
	v56 =	vmax.f32 v5, v40;
	v2 =	vadd.f32 v54, v2  }
0x52: {  	v0 =	vmin.f32 v0, v40;
	v3 =	vmax.f32 v56, v42;
	v1 =	vadd.f32 v60, v1  }
0x53: {  	v0 =	vmin.f32 v0, v42;
	v3 =	vmax.f32 v3, v44;
	v2 =	vadd.f32 v57, v2  }
0x54: {  	v0 =	vmin.f32 v0, v44;
	v3 =	vmax.f32 v3, v46;
	v1 =	vadd.f32 v62, v1  }
0x55: {  	v0 =	vmin.f32 v0, v46;
	v3 =	vmax.f32 v3, v49;
	v2 =	vadd.f32 v59, v2  }
0x56: {  	v0 =	vmin.f32 v0, v49;
	v3 =	vmax.f32 v3, v54;
	v1 =	vadd.f32 v10, v1  }
0x57: {  	v0 =	vmin.f32 v0, v54;
	v3 =	vmax.f32 v3, v57;
	v2 =	vadd.f32 v61, v2  }
0x58: {  	v0 =	vmin.f32 v0, v57;
	v3 =	vmax.f32 v3, v59;
	v1 =	vadd.f32 v12, v1  }
0x59: {  	v0 =	vmin.f32 v0, v59;
	v3 =	vmax.f32 v3, v61;
	v2 =	vadd.f32 v63, v2  }
0x5a: {  	v0 =	vmin.f32 v0, v61;
	v3 =	vmax.f32 v3, v63;
	v1 =	vadd.f32 v14, v1  }
0x5b: {  	v0 =	vmin.f32 v0, v63;
	v3 =	vmax.f32 v3, v11;
	v2 =	vadd.f32 v11, v2  }
0x5c: {  	v0 =	vmin.f32 v0, v11;
	v3 =	vmax.f32 v3, v13;
	v1 =	vadd.f32 v15, v1  }
0x5d: {  	v0 =	vmin.f32 v0, v13;
	[tilespmem:s24+$0x5010] =	vst v3;
	v2 =	vadd.f32 v13, v2  }
0x5e: {  	[tilespmem:s24+$0x5410] =	vst v0;
	v1 =	vadd.f32 v16, v1  }
0x5f: {  	[tilespmem:s24+$0x5810] =	vst v2  }
0x60: {  	[tilespmem:s24+$0x5C10] =	vst v1  }
0x61: {  	v0 =	vld [tilespmem:s23+$0xFFFFFC20]  }
0x62: {  	v1 =	vld [tilespmem:s23+$0xFFFFFCA0];
	_ =	sdelay $0x1  }
0x63: {  	v2 =	vld [tilespmem:s23+$0xFFFFFD20];
	_ =	sdelay $0x1  }
0x64: {  	v3 =	vld [tilespmem:s23+$0xFFFFFDA0]  }
0x65: {  	v20 =	vld [tilespmem:s23+$0xFFFFFE20];
	v17 =	vmul.f32 v0, v0;
	v18 =	vmul.f32 v1, v1  }
0x66: {  	v22 =	vld [tilespmem:s23+$0xFFFFFEA0];
	v19 =	vadd.f32 v1, v0  }
0x67: {  	v24 =	vld [tilespmem:s23+$0xFFFFFF20];
	v21 =	vmul.f32 v2, v2;
	v4 =	vadd.f32 v18, v17  }
0x68: {  	v26 =	vld [tilespmem:s23+$0xFFFFFFA0];
	v6 =	vadd.f32 v2, v19  }
0x69: {  	v29 =	vld [tilespmem:s23+$0x20];
	v23 =	vmul.f32 v3, v3;
	v4 =	vadd.f32 v21, v4  }
0x6a: {  	v34 =	vld [tilespmem:s23+$0xA0];
	v6 =	vadd.f32 v3, v6  }
0x6b: {  	v37 =	vld [tilespmem:s23+$0x120];
	v25 =	vmul.f32 v20, v20;
	v4 =	vadd.f32 v23, v4  }
0x6c: {  	v39 =	vld [tilespmem:s23+$0x1A0];
	v6 =	vadd.f32 v20, v6  }
0x6d: {  	v41 =	vld [tilespmem:s23+$0x220];
	v27 =	vmul.f32 v22, v22;
	v4 =	vadd.f32 v25, v4  }
0x6e: {  	v43 =	vld [tilespmem:s23+$0x2A0];
	v28 =	vmax.f32 v0, v1;
	v6 =	vadd.f32 v22, v6  }
0x6f: {  	v45 =	vld [tilespmem:s23+$0x320];
	v0 =	vmin.f32 v0, v1;
	v31 =	vmul.f32 v24, v24;
	v30 =	vadd.f32 v27, v4  }
0x70: {  	v47 =	vld [tilespmem:s23+$0x3A0];
	v35 =	vmul.f32 v26, v26;
	v38 =	vmul.f32 v29, v29;
	v33 =	vadd.f32 v24, v6  }
0x71: {  	v40 =	vmul.f32 v34, v34;
	v42 =	vmul.f32 v37, v37;
	v1 =	vadd.f32 v31, v30  }
0x72: {  	v32 =	vmax.f32 v28, v2;
	v0 =	vmin.f32 v0, v2;
	v2 =	vadd.f32 v26, v33  }
0x73: {  	v44 =	vmul.f32 v39, v39;
	v46 =	vmul.f32 v41, v41;
	v1 =	vadd.f32 v35, v1  }
0x74: {  	v48 =	vmul.f32 v43, v43;
	v49 =	vmul.f32 v45, v45;
	v2 =	vadd.f32 v29, v2  }
0x75: {  	v50 =	vmul.f32 v47, v47;
	v5 =	vmax.f32 v32, v3;
	v1 =	vadd.f32 v38, v1  }
0x76: {  	v0 =	vmin.f32 v0, v3;
	v36 =	vmax.f32 v5, v20;
	v2 =	vadd.f32 v34, v2  }
0x77: {  	v0 =	vmin.f32 v0, v20;
	v3 =	vmax.f32 v36, v22;
	v1 =	vadd.f32 v40, v1  }
0x78: {  	v0 =	vmin.f32 v0, v22;
	v3 =	vmax.f32 v3, v24;
	v2 =	vadd.f32 v37, v2  }
0x79: {  	v0 =	vmin.f32 v0, v24;
	v3 =	vmax.f32 v3, v26;
	v1 =	vadd.f32 v42, v1  }
0x7a: {  	v0 =	vmin.f32 v0, v26;
	v3 =	vmax.f32 v3, v29;
	v2 =	vadd.f32 v39, v2  }
0x7b: {  	v0 =	vmin.f32 v0, v29;
	v3 =	vmax.f32 v3, v34;
	v1 =	vadd.f32 v44, v1  }
0x7c: {  	v0 =	vmin.f32 v0, v34;
	v3 =	vmax.f32 v3, v37;
	v2 =	vadd.f32 v41, v2  }
0x7d: {  	v0 =	vmin.f32 v0, v37;
	v3 =	vmax.f32 v3, v39;
	v1 =	vadd.f32 v46, v1  }
0x7e: {  	v0 =	vmin.f32 v0, v39;
	v3 =	vmax.f32 v3, v41;
	v2 =	vadd.f32 v43, v2  }
0x7f: {  	v0 =	vmin.f32 v0, v41;
	v3 =	vmax.f32 v3, v43;
	v1 =	vadd.f32 v48, v1  }
0x80: {  	v0 =	vmin.f32 v0, v43;
	v3 =	vmax.f32 v3, v45;
	v2 =	vadd.f32 v45, v2  }
0x81: {  	v0 =	vmin.f32 v0, v45;
	v3 =	vmax.f32 v3, v47;
	v1 =	vadd.f32 v49, v1  }
0x82: {  	v0 =	vmin.f32 v0, v47;
	[tilespmem:s24+$0x5020] =	vst v3;
	v2 =	vadd.f32 v47, v2  }
0x83: {  	[tilespmem:s24+$0x5420] =	vst v0;
	v1 =	vadd.f32 v50, v1  }
0x84: {  	[tilespmem:s24+$0x5820] =	vst v2  }
0x85: {  	[tilespmem:s24+$0x5C20] =	vst v1  }
0x86: {  	v0 =	vld [tilespmem:s23+$0xFFFFFC30]  }
0x87: {  	v1 =	vld [tilespmem:s23+$0xFFFFFCB0];
	_ =	sdelay $0x1  }
0x88: {  	v2 =	vld [tilespmem:s23+$0xFFFFFD30];
	_ =	sdelay $0x1  }
0x89: {  	v3 =	vld [tilespmem:s23+$0xFFFFFDB0]  }
0x8a: {  	v54 =	vld [tilespmem:s23+$0xFFFFFE30];
	v51 =	vmul.f32 v0, v0;
	v52 =	vmul.f32 v1, v1  }
0x8b: {  	v56 =	vld [tilespmem:s23+$0xFFFFFEB0];
	v53 =	vadd.f32 v1, v0  }
0x8c: {  	v58 =	vld [tilespmem:s23+$0xFFFFFF30];
	v55 =	vmul.f32 v2, v2;
	v4 =	vadd.f32 v52, v51  }
0x8d: {  	v60 =	vld [tilespmem:s23+$0xFFFFFFB0];
	v6 =	vadd.f32 v2, v53  }
0x8e: {  	v63 =	vld [tilespmem:s23+$0x30];
	v57 =	vmul.f32 v3, v3;
	v4 =	vadd.f32 v55, v4  }
0x8f: {  	v17 =	vld [tilespmem:s23+$0xB0];
	v6 =	vadd.f32 v3, v6  }
0x90: {  	v20 =	vld [tilespmem:s23+$0x130];
	v59 =	vmul.f32 v54, v54;
	v4 =	vadd.f32 v57, v4  }
0x91: {  	v22 =	vld [tilespmem:s23+$0x1B0];
	v6 =	vadd.f32 v54, v6  }
0x92: {  	v24 =	vld [tilespmem:s23+$0x230];
	v61 =	vmul.f32 v56, v56;
	v4 =	vadd.f32 v59, v4  }
0x93: {  	v26 =	vld [tilespmem:s23+$0x2B0];
	v62 =	vmax.f32 v0, v1;
	v6 =	vadd.f32 v56, v6  }
0x94: {  	v28 =	vld [tilespmem:s23+$0x330];
	v0 =	vmin.f32 v0, v1;
	v14 =	vmul.f32 v58, v58;
	v13 =	vadd.f32 v61, v4  }
0x95: {  	v30 =	vld [tilespmem:s23+$0x3B0];
	v18 =	vmul.f32 v60, v60;
	v21 =	vmul.f32 v63, v63;
	v16 =	vadd.f32 v58, v6  }
0x96: {  	v23 =	vmul.f32 v17, v17;
	v25 =	vmul.f32 v20, v20;
	v1 =	vadd.f32 v14, v13  }
0x97: {  	v15 =	vmax.f32 v62, v2;
	v0 =	vmin.f32 v0, v2;
	v2 =	vadd.f32 v60, v16  }
0x98: {  	v27 =	vmul.f32 v22, v22;
	v29 =	vmul.f32 v24, v24;
	v1 =	vadd.f32 v18, v1  }
0x99: {  	v31 =	vmul.f32 v26, v26;
	v32 =	vmul.f32 v28, v28;
	v2 =	vadd.f32 v63, v2  }
0x9a: {  	v33 =	vmul.f32 v30, v30;
	v5 =	vmax.f32 v15, v3;
	v1 =	vadd.f32 v21, v1  }
0x9b: {  	v0 =	vmin.f32 v0, v3;
	v19 =	vmax.f32 v5, v54;
	v2 =	vadd.f32 v17, v2  }
0x9c: {  	v0 =	vmin.f32 v0, v54;
	v3 =	vmax.f32 v19, v56;
	v1 =	vadd.f32 v23, v1  }
0x9d: {  	v0 =	vmin.f32 v0, v56;
	v3 =	vmax.f32 v3, v58;
	v2 =	vadd.f32 v20, v2  }
0x9e: {  	v0 =	vmin.f32 v0, v58;
	v3 =	vmax.f32 v3, v60;
	v1 =	vadd.f32 v25, v1  }
0x9f: {  	v0 =	vmin.f32 v0, v60;
	v3 =	vmax.f32 v3, v63;
	v2 =	vadd.f32 v22, v2  }
0xa0: {  	v0 =	vmin.f32 v0, v63;
	v3 =	vmax.f32 v3, v17;
	v1 =	vadd.f32 v27, v1  }
0xa1: {  	v0 =	vmin.f32 v0, v17;
	v3 =	vmax.f32 v3, v20;
	v2 =	vadd.f32 v24, v2  }
0xa2: {  	v0 =	vmin.f32 v0, v20;
	v3 =	vmax.f32 v3, v22;
	v1 =	vadd.f32 v29, v1  }
0xa3: {  	v0 =	vmin.f32 v0, v22;
	v3 =	vmax.f32 v3, v24;
	v2 =	vadd.f32 v26, v2  }
0xa4: {  	v0 =	vmin.f32 v0, v24;
	v3 =	vmax.f32 v3, v26;
	v1 =	vadd.f32 v31, v1  }
0xa5: {  	v0 =	vmin.f32 v0, v26;
	v3 =	vmax.f32 v3, v28;
	v2 =	vadd.f32 v28, v2  }
0xa6: {  	v0 =	vmin.f32 v0, v28;
	v3 =	vmax.f32 v3, v30;
	v1 =	vadd.f32 v32, v1  }
0xa7: {  	v0 =	vmin.f32 v0, v30;
	[tilespmem:s24+$0x5030] =	vst v3;
	v2 =	vadd.f32 v30, v2  }
0xa8: {  	[tilespmem:s24+$0x5430] =	vst v0;
	v1 =	vadd.f32 v33, v1  }
0xa9: {  	[tilespmem:s24+$0x5830] =	vst v2  }
0xaa: {  	[tilespmem:s24+$0x5C30] =	vst v1  }
0xab: {  	v0 =	vld [tilespmem:s23+$0xFFFFFC40]  }
0xac: {  	v1 =	vld [tilespmem:s23+$0xFFFFFCC0];
	_ =	sdelay $0x1  }
0xad: {  	v2 =	vld [tilespmem:s23+$0xFFFFFD40];
	_ =	sdelay $0x1  }
0xae: {  	v3 =	vld [tilespmem:s23+$0xFFFFFDC0]  }
0xaf: {  	v37 =	vld [tilespmem:s23+$0xFFFFFE40];
	v34 =	vmul.f32 v0, v0;
	v35 =	vmul.f32 v1, v1  }
0xb0: {  	v39 =	vld [tilespmem:s23+$0xFFFFFEC0];
	v36 =	vadd.f32 v1, v0  }
0xb1: {  	v41 =	vld [tilespmem:s23+$0xFFFFFF40];
	v38 =	vmul.f32 v2, v2;
	v4 =	vadd.f32 v35, v34  }
0xb2: {  	v43 =	vld [tilespmem:s23+$0xFFFFFFC0];
	v6 =	vadd.f32 v2, v36  }
0xb3: {  	v46 =	vld [tilespmem:s23+$0x40];
	v40 =	vmul.f32 v3, v3;
	v4 =	vadd.f32 v38, v4  }
0xb4: {  	v51 =	vld [tilespmem:s23+$0xC0];
	v6 =	vadd.f32 v3, v6  }
0xb5: {  	v54 =	vld [tilespmem:s23+$0x140];
	v42 =	vmul.f32 v37, v37;
	v4 =	vadd.f32 v40, v4  }
0xb6: {  	v56 =	vld [tilespmem:s23+$0x1C0];
	v6 =	vadd.f32 v37, v6  }
0xb7: {  	v58 =	vld [tilespmem:s23+$0x240];
	v44 =	vmul.f32 v39, v39;
	v4 =	vadd.f32 v42, v4  }
0xb8: {  	v60 =	vld [tilespmem:s23+$0x2C0];
	v45 =	vmax.f32 v0, v1;
	v6 =	vadd.f32 v39, v6  }
0xb9: {  	v62 =	vld [tilespmem:s23+$0x340];
	v0 =	vmin.f32 v0, v1;
	v48 =	vmul.f32 v41, v41;
	v47 =	vadd.f32 v44, v4  }
0xba: {  	v10 =	vld [tilespmem:s23+$0x3C0];
	v52 =	vmul.f32 v43, v43;
	v55 =	vmul.f32 v46, v46;
	v50 =	vadd.f32 v41, v6  }
0xbb: {  	v57 =	vmul.f32 v51, v51;
	v59 =	vmul.f32 v54, v54;
	v1 =	vadd.f32 v48, v47  }
0xbc: {  	v49 =	vmax.f32 v45, v2;
	v0 =	vmin.f32 v0, v2;
	v2 =	vadd.f32 v43, v50  }
0xbd: {  	v61 =	vmul.f32 v56, v56;
	v63 =	vmul.f32 v58, v58;
	v1 =	vadd.f32 v52, v1  }
0xbe: {  	v11 =	vmul.f32 v60, v60;
	v12 =	vmul.f32 v62, v62;
	v2 =	vadd.f32 v46, v2  }
0xbf: {  	v13 =	vmul.f32 v10, v10;
	v5 =	vmax.f32 v49, v3;
	v1 =	vadd.f32 v55, v1  }
0xc0: {  	v0 =	vmin.f32 v0, v3;
	v53 =	vmax.f32 v5, v37;
	v2 =	vadd.f32 v51, v2  }
0xc1: {  	v0 =	vmin.f32 v0, v37;
	v3 =	vmax.f32 v53, v39;
	v1 =	vadd.f32 v57, v1  }
0xc2: {  	v0 =	vmin.f32 v0, v39;
	v3 =	vmax.f32 v3, v41;
	v2 =	vadd.f32 v54, v2  }
0xc3: {  	v0 =	vmin.f32 v0, v41;
	v3 =	vmax.f32 v3, v43;
	v1 =	vadd.f32 v59, v1  }
0xc4: {  	v0 =	vmin.f32 v0, v43;
	v3 =	vmax.f32 v3, v46;
	v2 =	vadd.f32 v56, v2  }
0xc5: {  	v0 =	vmin.f32 v0, v46;
	v3 =	vmax.f32 v3, v51;
	v1 =	vadd.f32 v61, v1  }
0xc6: {  	v0 =	vmin.f32 v0, v51;
	v3 =	vmax.f32 v3, v54;
	v2 =	vadd.f32 v58, v2  }
0xc7: {  	v0 =	vmin.f32 v0, v54;
	v3 =	vmax.f32 v3, v56;
	v1 =	vadd.f32 v63, v1  }
0xc8: {  	v0 =	vmin.f32 v0, v56;
	v3 =	vmax.f32 v3, v58;
	v2 =	vadd.f32 v60, v2  }
0xc9: {  	v0 =	vmin.f32 v0, v58;
	v3 =	vmax.f32 v3, v60;
	v1 =	vadd.f32 v11, v1  }
0xca: {  	v0 =	vmin.f32 v0, v60;
	v3 =	vmax.f32 v3, v62;
	v2 =	vadd.f32 v62, v2  }
0xcb: {  	v0 =	vmin.f32 v0, v62;
	v3 =	vmax.f32 v3, v10;
	v1 =	vadd.f32 v12, v1  }
0xcc: {  	v0 =	vmin.f32 v0, v10;
	[tilespmem:s24+$0x5040] =	vst v3;
	v2 =	vadd.f32 v10, v2  }
0xcd: {  	[tilespmem:s24+$0x5440] =	vst v0;
	v1 =	vadd.f32 v13, v1  }
0xce: {  	[tilespmem:s24+$0x5840] =	vst v2  }
0xcf: {  	[tilespmem:s24+$0x5C40] =	vst v1  }
0xd0: {  	v0 =	vld [tilespmem:s23+$0xFFFFFC50]  }
0xd1: {  	v1 =	vld [tilespmem:s23+$0xFFFFFCD0];
	_ =	sdelay $0x1  }
0xd2: {  	v2 =	vld [tilespmem:s23+$0xFFFFFD50];
	_ =	sdelay $0x1  }
0xd3: {  	v3 =	vld [tilespmem:s23+$0xFFFFFDD0]  }
0xd4: {  	v17 =	vld [tilespmem:s23+$0xFFFFFE50];
	v14 =	vmul.f32 v0, v0;
	v15 =	vmul.f32 v1, v1  }
0xd5: {  	v19 =	vld [tilespmem:s23+$0xFFFFFED0];
	v16 =	vadd.f32 v1, v0  }
0xd6: {  	v21 =	vld [tilespmem:s23+$0xFFFFFF50];
	v18 =	vmul.f32 v2, v2;
	v4 =	vadd.f32 v15, v14  }
0xd7: {  	v23 =	vld [tilespmem:s23+$0xFFFFFFD0];
	v6 =	vadd.f32 v2, v16  }
0xd8: {  	v26 =	vld [tilespmem:s23+$0x50];
	v20 =	vmul.f32 v3, v3;
	v4 =	vadd.f32 v18, v4  }
0xd9: {  	v31 =	vld [tilespmem:s23+$0xD0];
	v6 =	vadd.f32 v3, v6  }
0xda: {  	v34 =	vld [tilespmem:s23+$0x150];
	v22 =	vmul.f32 v17, v17;
	v4 =	vadd.f32 v20, v4  }
0xdb: {  	v36 =	vld [tilespmem:s23+$0x1D0];
	v6 =	vadd.f32 v17, v6  }
0xdc: {  	v38 =	vld [tilespmem:s23+$0x250];
	v24 =	vmul.f32 v19, v19;
	v4 =	vadd.f32 v22, v4  }
0xdd: {  	v40 =	vld [tilespmem:s23+$0x2D0];
	v25 =	vmax.f32 v0, v1;
	v6 =	vadd.f32 v19, v6  }
0xde: {  	v42 =	vld [tilespmem:s23+$0x350];
	v0 =	vmin.f32 v0, v1;
	v28 =	vmul.f32 v21, v21;
	v27 =	vadd.f32 v24, v4  }
0xdf: {  	v44 =	vld [tilespmem:s23+$0x3D0];
	v32 =	vmul.f32 v23, v23;
	v35 =	vmul.f32 v26, v26;
	v30 =	vadd.f32 v21, v6  }
0xe0: {  	v37 =	vmul.f32 v31, v31;
	v39 =	vmul.f32 v34, v34;
	v1 =	vadd.f32 v28, v27  }
0xe1: {  	v29 =	vmax.f32 v25, v2;
	v0 =	vmin.f32 v0, v2;
	v2 =	vadd.f32 v23, v30  }
0xe2: {  	v41 =	vmul.f32 v36, v36;
	v43 =	vmul.f32 v38, v38;
	v1 =	vadd.f32 v32, v1  }
0xe3: {  	v45 =	vmul.f32 v40, v40;
	v46 =	vmul.f32 v42, v42;
	v2 =	vadd.f32 v26, v2  }
0xe4: {  	v47 =	vmul.f32 v44, v44;
	v5 =	vmax.f32 v29, v3;
	v1 =	vadd.f32 v35, v1  }
0xe5: {  	v0 =	vmin.f32 v0, v3;
	v33 =	vmax.f32 v5, v17;
	v2 =	vadd.f32 v31, v2  }
0xe6: {  	v0 =	vmin.f32 v0, v17;
	v3 =	vmax.f32 v33, v19;
	v1 =	vadd.f32 v37, v1  }
0xe7: {  	v0 =	vmin.f32 v0, v19;
	v3 =	vmax.f32 v3, v21;
	v2 =	vadd.f32 v34, v2  }
0xe8: {  	v0 =	vmin.f32 v0, v21;
	v3 =	vmax.f32 v3, v23;
	v1 =	vadd.f32 v39, v1  }
0xe9: {  	v0 =	vmin.f32 v0, v23;
	v3 =	vmax.f32 v3, v26;
	v2 =	vadd.f32 v36, v2  }
0xea: {  	v0 =	vmin.f32 v0, v26;
	v3 =	vmax.f32 v3, v31;
	v1 =	vadd.f32 v41, v1  }
0xeb: {  	v0 =	vmin.f32 v0, v31;
	v3 =	vmax.f32 v3, v34;
	v2 =	vadd.f32 v38, v2  }
0xec: {  	v0 =	vmin.f32 v0, v34;
	v3 =	vmax.f32 v3, v36;
	v1 =	vadd.f32 v43, v1  }
0xed: {  	v0 =	vmin.f32 v0, v36;
	v3 =	vmax.f32 v3, v38;
	v2 =	vadd.f32 v40, v2  }
0xee: {  	v0 =	vmin.f32 v0, v38;
	v3 =	vmax.f32 v3, v40;
	v1 =	vadd.f32 v45, v1  }
0xef: {  	v0 =	vmin.f32 v0, v40;
	v3 =	vmax.f32 v3, v42;
	v2 =	vadd.f32 v42, v2  }
0xf0: {  	v0 =	vmin.f32 v0, v42;
	v3 =	vmax.f32 v3, v44;
	v1 =	vadd.f32 v46, v1  }
0xf1: {  	v0 =	vmin.f32 v0, v44;
	[tilespmem:s24+$0x5050] =	vst v3;
	v2 =	vadd.f32 v44, v2  }
0xf2: {  	[tilespmem:s24+$0x5450] =	vst v0;
	v1 =	vadd.f32 v47, v1  }
0xf3: {  	[tilespmem:s24+$0x5850] =	vst v2  }
0xf4: {  	[tilespmem:s24+$0x5C50] =	vst v1  }
0xf5: {  	v0 =	vld [tilespmem:s23+$0xFFFFFC60]  }
0xf6: {  	v1 =	vld [tilespmem:s23+$0xFFFFFCE0];
	_ =	sdelay $0x1  }
0xf7: {  	v2 =	vld [tilespmem:s23+$0xFFFFFD60];
	_ =	sdelay $0x1  }
0xf8: {  	v3 =	vld [tilespmem:s23+$0xFFFFFDE0]  }
0xf9: {  	v51 =	vld [tilespmem:s23+$0xFFFFFE60];
	v48 =	vmul.f32 v0, v0;
	v49 =	vmul.f32 v1, v1  }
0xfa: {  	v53 =	vld [tilespmem:s23+$0xFFFFFEE0];
	v50 =	vadd.f32 v1, v0  }
0xfb: {  	v55 =	vld [tilespmem:s23+$0xFFFFFF60];
	v52 =	vmul.f32 v2, v2;
	v4 =	vadd.f32 v49, v48  }
0xfc: {  	v57 =	vld [tilespmem:s23+$0xFFFFFFE0];
	v6 =	vadd.f32 v2, v50  }
0xfd: {  	v60 =	vld [tilespmem:s23+$0x60];
	v54 =	vmul.f32 v3, v3;
	v4 =	vadd.f32 v52, v4  }
0xfe: {  	v13 =	vld [tilespmem:s23+$0xE0];
	v6 =	vadd.f32 v3, v6  }
0xff: {  	v16 =	vld [tilespmem:s23+$0x160];
	v56 =	vmul.f32 v51, v51;
	v4 =	vadd.f32 v54, v4  }
0x100: {  	v18 =	vld [tilespmem:s23+$0x1E0];
	v6 =	vadd.f32 v51, v6  }
0x101: {  	v20 =	vld [tilespmem:s23+$0x260];
	v58 =	vmul.f32 v53, v53;
	v4 =	vadd.f32 v56, v4  }
0x102: {  	v22 =	vld [tilespmem:s23+$0x2E0];
	v59 =	vmax.f32 v0, v1;
	v6 =	vadd.f32 v53, v6  }
0x103: {  	v24 =	vld [tilespmem:s23+$0x360];
	v0 =	vmin.f32 v0, v1;
	v62 =	vmul.f32 v55, v55;
	v61 =	vadd.f32 v58, v4  }
0x104: {  	v26 =	vld [tilespmem:s23+$0x3E0];
	v14 =	vmul.f32 v57, v57;
	v17 =	vmul.f32 v60, v60;
	v11 =	vadd.f32 v55, v6  }
0x105: {  	v19 =	vmul.f32 v13, v13;
	v21 =	vmul.f32 v16, v16;
	v1 =	vadd.f32 v62, v61  }
0x106: {  	v63 =	vmax.f32 v59, v2;
	v0 =	vmin.f32 v0, v2;
	v2 =	vadd.f32 v57, v11  }
0x107: {  	v23 =	vmul.f32 v18, v18;
	v25 =	vmul.f32 v20, v20;
	v1 =	vadd.f32 v14, v1  }
0x108: {  	v27 =	vmul.f32 v22, v22;
	v28 =	vmul.f32 v24, v24;
	v2 =	vadd.f32 v60, v2  }
0x109: {  	v29 =	vmul.f32 v26, v26;
	v5 =	vmax.f32 v63, v3;
	v1 =	vadd.f32 v17, v1  }
0x10a: {  	v0 =	vmin.f32 v0, v3;
	v15 =	vmax.f32 v5, v51;
	v2 =	vadd.f32 v13, v2  }
0x10b: {  	v0 =	vmin.f32 v0, v51;
	v3 =	vmax.f32 v15, v53;
	v1 =	vadd.f32 v19, v1  }
0x10c: {  	v0 =	vmin.f32 v0, v53;
	v3 =	vmax.f32 v3, v55;
	v2 =	vadd.f32 v16, v2  }
0x10d: {  	v0 =	vmin.f32 v0, v55;
	v3 =	vmax.f32 v3, v57;
	v1 =	vadd.f32 v21, v1  }
0x10e: {  	v0 =	vmin.f32 v0, v57;
	v3 =	vmax.f32 v3, v60;
	v2 =	vadd.f32 v18, v2  }
0x10f: {  	v0 =	vmin.f32 v0, v60;
	v3 =	vmax.f32 v3, v13;
	v1 =	vadd.f32 v23, v1  }
0x110: {  	v0 =	vmin.f32 v0, v13;
	v3 =	vmax.f32 v3, v16;
	v2 =	vadd.f32 v20, v2  }
0x111: {  	v0 =	vmin.f32 v0, v16;
	v3 =	vmax.f32 v3, v18;
	v1 =	vadd.f32 v25, v1  }
0x112: {  	v0 =	vmin.f32 v0, v18;
	v3 =	vmax.f32 v3, v20;
	v2 =	vadd.f32 v22, v2  }
0x113: {  	v0 =	vmin.f32 v0, v20;
	v3 =	vmax.f32 v3, v22;
	v1 =	vadd.f32 v27, v1  }
0x114: {  	v0 =	vmin.f32 v0, v22;
	v3 =	vmax.f32 v3, v24;
	v2 =	vadd.f32 v24, v2  }
0x115: {  	v0 =	vmin.f32 v0, v24;
	v3 =	vmax.f32 v3, v26;
	v1 =	vadd.f32 v28, v1  }
0x116: {  	v0 =	vmin.f32 v0, v26;
	[tilespmem:s24+$0x5060] =	vst v3;
	v2 =	vadd.f32 v26, v2  }
0x117: {  	[tilespmem:s24+$0x5460] =	vst v0;
	v1 =	vadd.f32 v29, v1  }
0x118: {  	[tilespmem:s24+$0x5860] =	vst v2  }
0x119: {  	[tilespmem:s24+$0x5C60] =	vst v1  }
0x11a: {  	v0 =	vld [tilespmem:s23+$0xFFFFFC70]  }
0x11b: {  	v1 =	vld [tilespmem:s23+$0xFFFFFCF0];
	_ =	sdelay $0x1  }
0x11c: {  	v2 =	vld [tilespmem:s23+$0xFFFFFD70];
	_ =	sdelay $0x1  }
0x11d: {  	v3 =	vld [tilespmem:s23+$0xFFFFFDF0]  }
0x11e: {  	v33 =	vld [tilespmem:s23+$0xFFFFFE70];
	v30 =	vmul.f32 v0, v0;
	v31 =	vmul.f32 v1, v1  }
0x11f: {  	v35 =	vld [tilespmem:s23+$0xFFFFFEF0];
	v32 =	vadd.f32 v1, v0  }
0x120: {  	v37 =	vld [tilespmem:s23+$0xFFFFFF70];
	v34 =	vmul.f32 v2, v2;
	v4 =	vadd.f32 v31, v30  }
0x121: {  	v39 =	vld [tilespmem:s23+$0xFFFFFFF0];
	v6 =	vadd.f32 v2, v32  }
0x122: {  	v42 =	vld [tilespmem:s23+$0x70];
	v36 =	vmul.f32 v3, v3;
	v4 =	vadd.f32 v34, v4  }
0x123: {  	v47 =	vld [tilespmem:s23+$0xF0];
	v6 =	vadd.f32 v3, v6  }
0x124: {  	v50 =	vld [tilespmem:s23+$0x170];
	v38 =	vmul.f32 v33, v33;
	v4 =	vadd.f32 v36, v4  }
0x125: {  	v52 =	vld [tilespmem:s23+$0x1F0];
	v6 =	vadd.f32 v33, v6  }
0x126: {  	v54 =	vld [tilespmem:s23+$0x270];
	v40 =	vmul.f32 v35, v35;
	v4 =	vadd.f32 v38, v4  }
0x127: {  	v56 =	vld [tilespmem:s23+$0x2F0];
	v41 =	vmax.f32 v0, v1;
	v6 =	vadd.f32 v35, v6  }
0x128: {  	v58 =	vld [tilespmem:s23+$0x370];
	v0 =	vmin.f32 v0, v1;
	v44 =	vmul.f32 v37, v37;
	v43 =	vadd.f32 v40, v4  }
0x129: {  	v60 =	vld [tilespmem:s23+$0x3F0];
	v48 =	vmul.f32 v39, v39;
	v51 =	vmul.f32 v42, v42;
	v46 =	vadd.f32 v37, v6  }
0x12a: {  	v53 =	vmul.f32 v47, v47;
	v55 =	vmul.f32 v50, v50;
	v1 =	vadd.f32 v44, v43  }
0x12b: {  	v45 =	vmax.f32 v41, v2;
	v0 =	vmin.f32 v0, v2;
	v2 =	vadd.f32 v39, v46  }
0x12c: {  	v57 =	vmul.f32 v52, v52;
	v59 =	vmul.f32 v54, v54;
	v1 =	vadd.f32 v48, v1  }
0x12d: {  	v61 =	vmul.f32 v56, v56;
	v62 =	vmul.f32 v58, v58;
	v2 =	vadd.f32 v42, v2  }
0x12e: {  	v63 =	vmul.f32 v60, v60;
	v5 =	vmax.f32 v45, v3;
	v1 =	vadd.f32 v51, v1  }
0x12f: {  	v0 =	vmin.f32 v0, v3;
	v49 =	vmax.f32 v5, v33;
	v2 =	vadd.f32 v47, v2  }
0x130: {  	v0 =	vmin.f32 v0, v33;
	v3 =	vmax.f32 v49, v35;
	v1 =	vadd.f32 v53, v1  }
0x131: {  	v0 =	vmin.f32 v0, v35;
	v3 =	vmax.f32 v3, v37;
	v2 =	vadd.f32 v50, v2  }
0x132: {  	v0 =	vmin.f32 v0, v37;
	v3 =	vmax.f32 v3, v39;
	v1 =	vadd.f32 v55, v1  }
0x133: {  	v0 =	vmin.f32 v0, v39;
	v3 =	vmax.f32 v3, v42;
	v2 =	vadd.f32 v52, v2  }
0x134: {  	v0 =	vmin.f32 v0, v42;
	v3 =	vmax.f32 v3, v47;
	v1 =	vadd.f32 v57, v1  }
0x135: {  	v0 =	vmin.f32 v0, v47;
	v3 =	vmax.f32 v3, v50;
	v2 =	vadd.f32 v54, v2  }
0x136: {  	v0 =	vmin.f32 v0, v50;
	v3 =	vmax.f32 v3, v52;
	v1 =	vadd.f32 v59, v1  }
0x137: {  	v0 =	vmin.f32 v0, v52;
	v3 =	vmax.f32 v3, v54;
	v2 =	vadd.f32 v56, v2  }
0x138: {  	v0 =	vmin.f32 v0, v54;
	v3 =	vmax.f32 v3, v56;
	v1 =	vadd.f32 v61, v1  }
0x139: {  	p0 =	sne.s32 s22, $0xE00;
	v0 =	vmin.f32 v0, v56;
	v3 =	vmax.f32 v3, v58;
	v2 =	vadd.f32 v58, v2  }
.Ltmp0:
0x13a: {  	v0 =	vmin.f32 v0, v58;
	v3 =	vmax.f32 v3, v60;
	v1 =	vadd.f32 v62, v1;
	(pc) =	sbr.rel @p0 .LBB2_3-.Ltmp0, $4  }
0x13b: {  	v0 =	vmin.f32 v0, v60;
	[tilespmem:s24+$0x5070] =	vst v3;
	v2 =	vadd.f32 v60, v2  }
0x13c: {  	[tilespmem:s24+$0x5470] =	vst v0;
	v1 =	vadd.f32 v63, v1  }
0x13d: {  	[tilespmem:s24+$0x5870] =	vst v2  }
0x13e: {  	s22 =	sadd.s32 $0x200, s22;
	s23 =	sadd.s32 $0x800, s23;
	[tilespmem:s24+$0x5C70] =	vst v1  }
0x13f: {  	s21 =	sadd.s32 s9, s21  }
0x140: {  	s22 =	sadd.s32 s4, s21  }
0x141: {  	[hbm4b:s22+s2] =	stream.linear.scatter [tilespmem:s15], [sflag:$0x2], $0x400, $0x38;
	[tilespmem:$0x6000] =	vst v63  }
0x142: {  	_ =	swait.ge [sflag:s11], $0x400  }
0x143: {  	[sflag:s11] =	ssyncset.done $0x0  }
0x144: {  	s30 =	sadd.s32 s5, s21;
	[sflag:s11] =	ssyncadd.s32 $0xFFFFFC00  }
0x145: {  	[hbm4b:s30+s2] =	stream.linear.scatter [tilespmem:s16], [sflag:$0x2], $0x400, $0x38;
	[tilespmem:$0x6000] =	vst v63  }
0x146: {  	_ =	swait.ge [sflag:s11], $0x400  }
0x147: {  	[sflag:s11] =	ssyncset.done $0x0  }
0x148: {  	s31 =	sadd.s32 s6, s21;
	[sflag:s11] =	ssyncadd.s32 $0xFFFFFC00  }
0x149: {  	[hbm4b:s31+s2] =	stream.linear.scatter [tilespmem:s17], [sflag:$0x2], $0x400, $0x38;
	[tilespmem:$0x6000] =	vst v63  }
0x14a: {  	s20 =	sadd.s32 $0x1, s20;
	_ =	swait.ge [sflag:s11], $0x400  }
0x14b: {  	p0 =	sne.s32 s20, $0x20;
	[sflag:s11] =	ssyncset.done $0x0  }
.Ltmp1:
0x14c: {  	s21 =	sadd.s32 s7, s21;
	[sflag:s11] =	ssyncadd.s32 $0xFFFFFC00;
	(pc) =	sbr.rel @p0 .LBB2_2-.Ltmp1, $4  }
0x14d: {  	[hbm4b:s21+s2] =	stream.linear.scatter [tilespmem:s18], [sflag:$0x2], $0x400, $0x38;
	[tilespmem:$0x6000] =	vst v63  }
0x14e: {  	_ =	swait.ge [sflag:s11], $0x400  }
0x14f: {  	[sflag:s11] =	ssyncset.done $0x0  }
0x150: {  	[sflag:s11] =	ssyncadd.s32 $0xFFFFFC00  }
0x151: {  	s19 =	sadd.s32 $0x1, s19  }
0x152: {  	p0 =	sne.s32 s19, s10  }
.Ltmp2:
0x153: {  	_ = 	snop;
	(pc) =	sbr.rel @p0 .LBB2_1-.Ltmp2, $1  }
0x154: {  	_ =	sdelay $0x3  }
0x155: {  	_ =	sfence.sel $0x180000  }
0x156: {  	[bflag:$0x0] =	sbarrier.arrive $0xFFFF  }
0x157: {  	p0 =	sne.s32 s1, $0x0;
	_ =	strace $0x90000047  }
0x158: {  	s0 =	sadd.s32 @!p0 $0x100000, s0;
	[bflag:$0x2] =	sbarrier.arrive $0xFFFF  }
0x159: {  	[sflag:s0] =	ssyncadd.tile.s32 @!p0 $0x1;
	_ =	shalt  }
.Lfunc_end2:
_tile_overlayer_lowered:
.L_overlay_start_2:
0x15a: {  	(tag) =	ssettag $0x2  }
0x15b: {  	s0 =	rddreg [dreg:$0x0];
	s2 =	stileid.u32  }
0x15c: {  	s1 =	rddreg [dreg:$0x1];
	p0 =	sne.s32 s2, $0x0  }
0x15d: {  	s3 =	rddreg [dreg:$0x2];
	[bflag:$0x3] =	sbarrier.arrive $0xFFFF;
	s2 =	simm.s32 @!p0 $0x1C02  }
0x15e: {  	[timem:s3], [sflag:s2] =	dma.local @!p0 [hbm:s0], s1  }
0x15f: {  	s0 =	simm.s32 @!p0 $0x2  }
0x160: {  	_ =	swait.ge @!p0 [sflag:s0], s1  }
0x161: {  	s1 =	ssub.s32 @!p0 $0x0, s1;
	[sflag:s0] =	ssyncset.done @!p0 $0x0  }
0x162: {  	[sflag:s0] =	ssyncadd.s32 @!p0 s1  }
0x163: {  	[bflag:$0x3] =	sbarrier.arrive $0xFFFF  }
0x164: {  	_ =	shalt  }

</sc_bundles>
